<compile_context>
chip_gen: v7x
topology: tpu7x:2x2x1
jax: 0.10.2.dev20260603
libtpu: 0.0.44.dev20260713+nightly
codegen_flags: <defaults>
</compile_context>

<pallas_src>
import functools

import jax
import jax.numpy as jnp
from jax import lax
from jax.experimental import pallas as pl
from jax.experimental.pallas import tpu as pltpu
from jax.experimental.pallas import tpu_sc as plsc

N_NODES = 10000
N_EDGES = 320000
N_FEAT = 128
HIDN = 16
N_CLASSES = 40

NP = 10240
PAD = N_NODES
NC, NS, LANES = 2, 16, 16
NW = NC * NS
CHUNK = 128
NCHUNK_T = 80
NBUF = 8
EPT = NCHUNK_T * CHUNK
EP = NW * EPT
C2 = 40
ROWS_PER_TILE = NP // NS
BLK = 2048


def _mesh():
    return plsc.VectorSubcoreMesh(
        core_axis_name="c", subcore_axis_name="s", num_cores=NC, num_subcores=NS
    )



def _sc_deg(adjp):
    def body(adj_hbm, out_hbm, dst_v, deg_v):
        c = lax.axis_index("c")
        s = lax.axis_index("s")
        w = s * NC + c
        zero16 = jnp.zeros((LANES,), jnp.float32)
        one16 = jnp.ones((LANES,), jnp.float32)

        def zloop(i, _):
            deg_v[pl.ds(i * LANES, LANES)] = zero16
            return None

        lax.fori_loop(0, NP // LANES, zloop, None)
        pltpu.sync_copy(adj_hbm.at[1, pl.ds(w * NCHUNK_T, NCHUNK_T)], dst_v)

        def eloop(r, _):
            for jj in range(CHUNK // LANES):
                idx = dst_v[r, pl.ds(jj * LANES, LANES)]
                plsc.addupdate_scatter(deg_v, [idx], one16)
            return None

        lax.fori_loop(0, NCHUNK_T, eloop, None)
        pltpu.sync_copy(deg_v, out_hbm.at[w])

    fn = pl.kernel(
        body,
        out_type=jax.ShapeDtypeStruct((NW, NP), jnp.float32),
        mesh=_mesh(),
        scratch_types=[
            pltpu.VMEM((NCHUNK_T, CHUNK), jnp.int32),
            pltpu.VMEM((NP,), jnp.float32),
        ],
        compiler_params=pltpu.CompilerParams(needs_layout_passes=False),
    )
    return fn(adjp)



def _sc_scatter(g, adjp, zeros_blk, d):
    def body(g_hbm, adj_hbm, zeros_hbm, out_hbm, src_v, dst_v, rows, acc, *sems):
        c = lax.axis_index("c")
        s = lax.axis_index("s")
        w = s * NC + c

        def zacc(k, _):
            pltpu.sync_copy(zeros_hbm, acc.at[pl.ds(s * ROWS_PER_TILE + k * CHUNK, CHUNK)])
            return None

        lax.fori_loop(0, ROWS_PER_TILE // CHUNK, zacc, None)

        pltpu.sync_copy(adj_hbm.at[0, pl.ds(w * NCHUNK_T, NCHUNK_T)], src_v)
        pltpu.sync_copy(adj_hbm.at[1, pl.ds(w * NCHUNK_T, NCHUNK_T)], dst_v)
        plsc.subcore_barrier()

        for b in range(NBUF):
            pltpu.async_copy(g_hbm.at[src_v.at[b]], rows.at[b], sems[b])

        def group(k, _):
            for b in range(NBUF):
                ch = k * NBUF + b
                pltpu.make_async_copy(g_hbm.at[src_v.at[ch]], rows.at[b], sems[b]).wait()
                pltpu.sync_copy(rows.at[b], acc.at[dst_v.at[ch]], add=True)

                @pl.when(ch + NBUF < NCHUNK_T)
                def _():
                    pltpu.async_copy(g_hbm.at[src_v.at[ch + NBUF]], rows.at[b], sems[b])

            return None

        lax.fori_loop(0, NCHUNK_T // NBUF, group, None)
        plsc.subcore_barrier()

        def flush(k, _):
            a = s * ROWS_PER_TILE + k * CHUNK
            pltpu.sync_copy(acc.at[pl.ds(a, CHUNK)], out_hbm.at[c, pl.ds(a, CHUNK)])
            return None

        lax.fori_loop(0, ROWS_PER_TILE // CHUNK, flush, None)

    fn = pl.kernel(
        body,
        out_type=jax.ShapeDtypeStruct((NC, NP, d), jnp.float32),
        mesh=_mesh(),
        scratch_types=[
            pltpu.VMEM((NCHUNK_T, CHUNK), jnp.int32),
            pltpu.VMEM((NCHUNK_T, CHUNK), jnp.int32),
            pltpu.VMEM((NBUF, CHUNK, d), jnp.float32),
            pltpu.VMEM_SHARED((NP, d), jnp.float32),
        ] + [pltpu.SemaphoreType.DMA] * NBUF,
        compiler_params=pltpu.CompilerParams(
            needs_layout_passes=False, use_tc_tiling_on_sc=False
        ),
    )
    return fn(g, adjp, zeros_blk)



def _tc_pre_body(degp_ref, data_ref, w1_ref, h1_ref, g1_ref, dis_ref):
    i = pl.program_id(0)
    deg = jnp.sum(degp_ref[...], axis=0) + 1.0
    dis = lax.rsqrt(deg)[:, None]
    h = jnp.dot(data_ref[...], w1_ref[...], preferred_element_type=jnp.float32)
    rows = i * BLK + lax.broadcasted_iota(jnp.int32, (BLK, 1), 0)
    h1_ref[...] = h
    g1_ref[...] = jnp.where(rows < N_NODES, h * dis, 0.0)
    dis_ref[...] = dis


def _tc_pre(degp, data_p, W1):
    grid = NP // BLK
    return pl.pallas_call(
        _tc_pre_body,
        grid=(grid,),
        in_specs=[
            pl.BlockSpec((NW, BLK), lambda i: (0, i)),
            pl.BlockSpec((BLK, N_FEAT), lambda i: (i, 0)),
            pl.BlockSpec((N_FEAT, HIDN), lambda i: (0, 0)),
        ],
        out_specs=[
            pl.BlockSpec((BLK, HIDN), lambda i: (i, 0)),
            pl.BlockSpec((BLK, HIDN), lambda i: (i, 0)),
            pl.BlockSpec((BLK, 1), lambda i: (i, 0)),
        ],
        out_shape=[
            jax.ShapeDtypeStruct((NP, HIDN), jnp.float32),
            jax.ShapeDtypeStruct((NP, HIDN), jnp.float32),
            jax.ShapeDtypeStruct((NP, 1), jnp.float32),
        ],
    )(degp, data_p, W1)


def _tc_mid_body(p1_ref, h1_ref, dis_ref, w2_ref, b1_ref, g2_ref, h2_ref):
    i = pl.program_id(0)
    dis = dis_ref[...]
    acc = p1_ref[0] + p1_ref[1]
    x1 = dis * acc + (dis * dis) * h1_ref[...] + b1_ref[...]
    x1 = jnp.maximum(x1, 0.0)
    rows = i * BLK + lax.broadcasted_iota(jnp.int32, (BLK, 1), 0)
    x1 = jnp.where(rows < N_NODES, x1, 0.0)
    h2 = jnp.dot(x1, w2_ref[...], preferred_element_type=jnp.float32)
    h2_ref[...] = h2
    g2_ref[...] = h2 * dis


def _tc_mid(p1, h1, dis, w2p, b1r):
    grid = NP // BLK
    return pl.pallas_call(
        _tc_mid_body,
        grid=(grid,),
        in_specs=[
            pl.BlockSpec((NC, BLK, HIDN), lambda i: (0, i, 0)),
            pl.BlockSpec((BLK, HIDN), lambda i: (i, 0)),
            pl.BlockSpec((BLK, 1), lambda i: (i, 0)),
            pl.BlockSpec((HIDN, C2), lambda i: (0, 0)),
            pl.BlockSpec((1, HIDN), lambda i: (0, 0)),
        ],
        out_specs=[
            pl.BlockSpec((BLK, C2), lambda i: (i, 0)),
            pl.BlockSpec((BLK, C2), lambda i: (i, 0)),
        ],
        out_shape=[
            jax.ShapeDtypeStruct((NP, C2), jnp.float32),
            jax.ShapeDtypeStruct((NP, C2), jnp.float32),
        ],
    )(p1, h1, dis, w2p, b1r)


OBLK = 1000


def _tc_post_body(p2_ref, h2_ref, dis_ref, b2_ref, out_ref):
    dis = dis_ref[...]
    acc = p2_ref[0] + p2_ref[1]
    out_ref[...] = dis * acc + (dis * dis) * h2_ref[...] + b2_ref[...]


def _tc_post(p2, h2, dis, b2r):
    grid = N_NODES // OBLK
    return pl.pallas_call(
        _tc_post_body,
        grid=(grid,),
        in_specs=[
            pl.BlockSpec((NC, OBLK, C2), lambda i: (0, i, 0)),
            pl.BlockSpec((OBLK, C2), lambda i: (i, 0)),
            pl.BlockSpec((OBLK, 1), lambda i: (i, 0)),
            pl.BlockSpec((1, C2), lambda i: (0, 0)),
        ],
        out_specs=pl.BlockSpec((OBLK, C2), lambda i: (i, 0)),
        out_shape=jax.ShapeDtypeStruct((N_NODES, C2), jnp.float32),
    )(p2, h2, dis, b2r)



def kernel(data, adj, W1, b1, W2, b2):
    adjp = jnp.concatenate(
        [adj.astype(jnp.int32), jnp.full((2, EP - N_EDGES), PAD, jnp.int32)], axis=1
    ).reshape(2, EP // CHUNK, CHUNK)
    b1r = b1.reshape(1, HIDN)
    b2r = b2.reshape(1, C2)
    z1 = jnp.zeros((CHUNK, HIDN), jnp.float32)
    z2 = jnp.zeros((CHUNK, C2), jnp.float32)

    degp = _sc_deg(adjp)
    h1, g1, dis = _tc_pre(degp, data, W1)
    p1 = _sc_scatter(g1, adjp, z1, HIDN)
    g2, h2 = _tc_mid(p1, h1, dis, W2, b1r)
    p2 = _sc_scatter(g2, adjp, z2, C2)
    return _tc_post(p2, h2, dis, b2r)

# --- scband reference (transcript-rebuilt; emitter-appended) ---
"""Pipeline reference for scband-gcn-6691559047384 (READ-ONLY COPY).

The authoritative reference and input builder live on the scoring server;
editing this copy changes nothing except your own understanding.
"""

import jax, jax.numpy as jnp
import numpy as np

N_NODES = 10000
N_EDGES = 320000
N_FEAT = 128
HIDN = 16
N_CLASSES = 40


def setup_inputs(seed: int = 0) -> dict:
    key = jax.random.key(seed)
    k1, k2, k3, k4, k5, k6 = jax.random.split(key, 6)
    data = jax.random.normal(k1, (N_NODES, N_FEAT), dtype=jnp.float32)
    adj = jax.random.randint(k2, (2, N_EDGES), 0, N_NODES, dtype=jnp.int64)
    # GCNConv layer 1 params (glorot-style scale)
    W1 = jax.random.normal(k3, (N_FEAT, HIDN), dtype=jnp.float32) * (1.0 / np.sqrt(N_FEAT))
    b1 = jnp.zeros((HIDN,), dtype=jnp.float32)
    # GCNConv layer 2 params
    W2 = jax.random.normal(k4, (HIDN, N_CLASSES), dtype=jnp.float32) * (1.0 / np.sqrt(HIDN))
    b2 = jnp.zeros((N_CLASSES,), dtype=jnp.float32)
    return {"data": data, "adj": adj, "W1": W1, "b1": b1, "W2": W2, "b2": b2}


def _gcn_conv(x, edge_index, W, b, num_nodes):
    # x' = D^{-1/2} (A + I) D^{-1/2} (x W) + b   (standard GCNConv w/ self-loops)
    x = x @ W
    src = edge_index[0]
    dst = edge_index[1]
    loop = jnp.arange(num_nodes, dtype=edge_index.dtype)
    src = jnp.concatenate([src, loop])
    dst = jnp.concatenate([dst, loop])
    ones = jnp.ones(src.shape[0], dtype=x.dtype)
    deg = jax.ops.segment_sum(ones, dst, num_segments=num_nodes)
    deg_inv_sqrt = jnp.where(deg > 0, jax.lax.rsqrt(deg), 0.0)
    norm = deg_inv_sqrt[src] * deg_inv_sqrt[dst]
    msg = x[src] * norm[:, None]
    out = jax.ops.segment_sum(msg, dst, num_segments=num_nodes)
    return out + b


def reference(data, adj, W1, b1, W2, b2):
    x = _gcn_conv(data, adj, W1, b1, N_NODES)
    x = jax.nn.relu(x)
    # dropout(p=0.5) is identity in eval mode
    x = _gcn_conv(x, adj, W2, b2, N_NODES)
    return x

if __name__ == "__main__":
    import jax
    _d = setup_inputs()
    print(jax.jit(kernel)(*tuple(_d.values())))

</pallas_src>

<mosaic_0001>
#map = affine_map<(d0, d1) -> (0, 0)>
#map1 = affine_map<(d0, d1) -> (0, 0, 0)>
module attributes {stable_mosaic.version = 14 : i64} {
  func.func @body(%arg0: i32, %arg1: i32, %arg2: memref<10240x40xf32, #tpu.memory_space<hbm>>, %arg3: memref<2x2560x128xi32, #tpu.memory_space<hbm>>, %arg4: memref<128x40xf32, #tpu.memory_space<hbm>>, %arg5: memref<2x10240x40xf32, #tpu.memory_space<hbm>>, %arg6: memref<80x128xi32, #tpu.memory_space<vmem>>, %arg7: memref<80x128xi32, #tpu.memory_space<vmem>>, %arg8: memref<8x128x40xf32, #tpu.memory_space<vmem>>, %arg9: memref<10240x40xf32, #tpu.memory_space<vmem_shared>>, %arg10: memref<!tpu.dma_semaphore, #tpu.memory_space<semaphore_mem>>, %arg11: memref<!tpu.dma_semaphore, #tpu.memory_space<semaphore_mem>>, %arg12: memref<!tpu.dma_semaphore, #tpu.memory_space<semaphore_mem>>, %arg13: memref<!tpu.dma_semaphore, #tpu.memory_space<semaphore_mem>>, %arg14: memref<!tpu.dma_semaphore, #tpu.memory_space<semaphore_mem>>, %arg15: memref<!tpu.dma_semaphore, #tpu.memory_space<semaphore_mem>>, %arg16: memref<!tpu.dma_semaphore, #tpu.memory_space<semaphore_mem>>, %arg17: memref<!tpu.dma_semaphore, #tpu.memory_space<semaphore_mem>>) attributes {dimension_semantics = [#tpu.dimension_semantics<core_parallel>, #tpu.dimension_semantics<subcore_parallel>], iteration_bounds = array<i64: 2, 16>, scalar_prefetch = 0 : i64, scratch_operands = 12 : i64, tpu.core_type = #tpu.core_type<sc_vector_subcore>, window_params = [{transform_indices = #map}, {transform_indices = #map1}, {transform_indices = #map}, {transform_indices = #map1}]} {
    %mul3A = arith.constant 2 : i32
    %mul3A_0 = arith.muli %arg1, %mul3A : i32
    %add3A = arith.addi %mul3A_0, %arg0 : i32
    %scan3A = arith.constant 0 : i32
    %scan3A_1 = arith.constant 5 : i32
    %scan3A_2 = arith.addi %scan3A, %scan3A_1 : i32
    %scan3A_3 = arith.constant 1 : i32
    scf.for %scan3A_116 = %scan3A to %scan3A_2 step %scan3A_3  : i32 {
      %mul3A_117 = arith.constant 640 : i32
      %mul3A_118 = arith.muli %arg1, %mul3A_117 : i32
      %mul3A_119 = arith.constant 128 : i32
      %mul3A_120 = arith.muli %scan3A_116, %mul3A_119 : i32
      %add3A_121 = arith.addi %mul3A_118, %mul3A_120 : i32
      "tpu.region"() ({
        %run_scoped3A_122 = tpu.sem_alloc : memref<!tpu.dma_semaphore, #tpu.memory_space<semaphore_mem>>
        %dma_start3A_123 = arith.constant 0 : i32
        %dma_start3A_124 = tpu.memref_slice %arg9[%add3A_121, %dma_start3A_123] : memref<10240x40xf32, #tpu.memory_space<vmem_shared>> -> memref<128x40xf32, #tpu.memory_space<vmem_shared>>
        tpu.enqueue_dma source(%arg4 : memref<128x40xf32, #tpu.memory_space<hbm>>) target(%dma_start3A_124 : memref<128x40xf32, #tpu.memory_space<vmem_shared>>) target_semaphore(%run_scoped3A_122 : memref<!tpu.dma_semaphore, #tpu.memory_space<semaphore_mem>>)
        %dma_wait3A = arith.constant 0 : i32
        %dma_wait3A_125 = tpu.memref_slice %arg9[%add3A_121, %dma_wait3A] : memref<10240x40xf32, #tpu.memory_space<vmem_shared>> -> memref<128x40xf32, #tpu.memory_space<vmem_shared>>
        tpu.wait_dma2 semaphore(%run_scoped3A_122 : memref<!tpu.dma_semaphore, #tpu.memory_space<semaphore_mem>>) src(%arg4 : memref<128x40xf32, #tpu.memory_space<hbm>>) dst(%dma_wait3A_125 : memref<128x40xf32, #tpu.memory_space<vmem_shared>>)
        tpu.yield
      }) : () -> ()
    }
    %scan3A_4 = arith.constant 5 : i32
    %mul3A_5 = arith.constant 80 : i32
    %mul3A_6 = arith.muli %add3A, %mul3A_5 : i32
    %run_scoped3A = arith.constant 0 : i32
    "tpu.region"() ({
      %run_scoped3A_116 = tpu.sem_alloc : memref<!tpu.dma_semaphore, #tpu.memory_space<semaphore_mem>>
      %dma_start3A_117 = arith.constant 0 : i32
      %dma_start3A_118 = tpu.memref_slice %arg3[%run_scoped3A, %mul3A_6, %dma_start3A_117] : memref<2x2560x128xi32, #tpu.memory_space<hbm>> -> memref<1x80x128xi32, #tpu.memory_space<hbm>>
      %dma_start3A_119 = tpu.memref_squeeze %dma_start3A_118 : memref<1x80x128xi32, #tpu.memory_space<hbm>> -> memref<80x128xi32, #tpu.memory_space<hbm>>
      %dma_start3A_120 = arith.constant 0 : i32
      %dma_start3A_121 = tpu.memref_slice %arg3[%run_scoped3A, %mul3A_6, %dma_start3A_120] : memref<2x2560x128xi32, #tpu.memory_space<hbm>> -> memref<1x80x128xi32, #tpu.memory_space<hbm>>
      %dma_start3A_122 = tpu.memref_squeeze %dma_start3A_121 : memref<1x80x128xi32, #tpu.memory_space<hbm>> -> memref<80x128xi32, #tpu.memory_space<hbm>>
      tpu.enqueue_dma source(%dma_start3A_122 : memref<80x128xi32, #tpu.memory_space<hbm>>) target(%arg6 : memref<80x128xi32, #tpu.memory_space<vmem>>) target_semaphore(%run_scoped3A_116 : memref<!tpu.dma_semaphore, #tpu.memory_space<semaphore_mem>>)
      %dma_wait3A = arith.constant 0 : i32
      %dma_wait3A_123 = tpu.memref_slice %arg3[%run_scoped3A, %mul3A_6, %dma_wait3A] : memref<2x2560x128xi32, #tpu.memory_space<hbm>> -> memref<1x80x128xi32, #tpu.memory_space<hbm>>
      %dma_wait3A_124 = tpu.memref_squeeze %dma_wait3A_123 : memref<1x80x128xi32, #tpu.memory_space<hbm>> -> memref<80x128xi32, #tpu.memory_space<hbm>>
      %dma_wait3A_125 = arith.constant 0 : i32
      %dma_wait3A_126 = tpu.memref_slice %arg3[%run_scoped3A, %mul3A_6, %dma_wait3A_125] : memref<2x2560x128xi32, #tpu.memory_space<hbm>> -> memref<1x80x128xi32, #tpu.memory_space<hbm>>
      %dma_wait3A_127 = tpu.memref_squeeze %dma_wait3A_126 : memref<1x80x128xi32, #tpu.memory_space<hbm>> -> memref<80x128xi32, #tpu.memory_space<hbm>>
      tpu.wait_dma2 semaphore(%run_scoped3A_116 : memref<!tpu.dma_semaphore, #tpu.memory_space<semaphore_mem>>) src(%dma_wait3A_127 : memref<80x128xi32, #tpu.memory_space<hbm>>) dst(%arg6 : memref<80x128xi32, #tpu.memory_space<vmem>>)
      tpu.yield
    }) : () -> ()
    %mul3A_7 = arith.constant 80 : i32
    %mul3A_8 = arith.muli %add3A, %mul3A_7 : i32
    %run_scoped3A_9 = arith.constant 1 : i32
    "tpu.region"() ({
      %run_scoped3A_116 = tpu.sem_alloc : memref<!tpu.dma_semaphore, #tpu.memory_space<semaphore_mem>>
      %dma_start3A_117 = arith.constant 0 : i32
      %dma_start3A_118 = tpu.memref_slice %arg3[%run_scoped3A_9, %mul3A_8, %dma_start3A_117] : memref<2x2560x128xi32, #tpu.memory_space<hbm>> -> memref<1x80x128xi32, #tpu.memory_space<hbm>>
      %dma_start3A_119 = tpu.memref_squeeze %dma_start3A_118 : memref<1x80x128xi32, #tpu.memory_space<hbm>> -> memref<80x128xi32, #tpu.memory_space<hbm>>
      %dma_start3A_120 = arith.constant 0 : i32
      %dma_start3A_121 = tpu.memref_slice %arg3[%run_scoped3A_9, %mul3A_8, %dma_start3A_120] : memref<2x2560x128xi32, #tpu.memory_space<hbm>> -> memref<1x80x128xi32, #tpu.memory_space<hbm>>
      %dma_start3A_122 = tpu.memref_squeeze %dma_start3A_121 : memref<1x80x128xi32, #tpu.memory_space<hbm>> -> memref<80x128xi32, #tpu.memory_space<hbm>>
      tpu.enqueue_dma source(%dma_start3A_122 : memref<80x128xi32, #tpu.memory_space<hbm>>) target(%arg7 : memref<80x128xi32, #tpu.memory_space<vmem>>) target_semaphore(%run_scoped3A_116 : memref<!tpu.dma_semaphore, #tpu.memory_space<semaphore_mem>>)
      %dma_wait3A = arith.constant 0 : i32
      %dma_wait3A_123 = tpu.memref_slice %arg3[%run_scoped3A_9, %mul3A_8, %dma_wait3A] : memref<2x2560x128xi32, #tpu.memory_space<hbm>> -> memref<1x80x128xi32, #tpu.memory_space<hbm>>
      %dma_wait3A_124 = tpu.memref_squeeze %dma_wait3A_123 : memref<1x80x128xi32, #tpu.memory_space<hbm>> -> memref<80x128xi32, #tpu.memory_space<hbm>>
      %dma_wait3A_125 = arith.constant 0 : i32
      %dma_wait3A_126 = tpu.memref_slice %arg3[%run_scoped3A_9, %mul3A_8, %dma_wait3A_125] : memref<2x2560x128xi32, #tpu.memory_space<hbm>> -> memref<1x80x128xi32, #tpu.memory_space<hbm>>
      %dma_wait3A_127 = tpu.memref_squeeze %dma_wait3A_126 : memref<1x80x128xi32, #tpu.memory_space<hbm>> -> memref<80x128xi32, #tpu.memory_space<hbm>>
      tpu.wait_dma2 semaphore(%run_scoped3A_116 : memref<!tpu.dma_semaphore, #tpu.memory_space<semaphore_mem>>) src(%dma_wait3A_127 : memref<80x128xi32, #tpu.memory_space<hbm>>) dst(%arg7 : memref<80x128xi32, #tpu.memory_space<vmem>>)
      tpu.yield
    }) : () -> ()
    %barrier3A = arith.constant 0 : index
    tpu.barrier barrier_id(%barrier3A)
    %dma_start3A = arith.constant 0 : i32
    %dma_start3A_10 = arith.constant 0 : i32
    %dma_start3A_11 = arith.constant 0 : i32
    %dma_start3A_12 = arith.constant 0 : i32
    %dma_start3A_13 = tpu.memref_slice %arg8[%dma_start3A_10, %dma_start3A_11, %dma_start3A_12] : memref<8x128x40xf32, #tpu.memory_space<vmem>> -> memref<1x128x40xf32, #tpu.memory_space<vmem>>
    %dma_start3A_14 = tpu.memref_squeeze %dma_start3A_13 : memref<1x128x40xf32, #tpu.memory_space<vmem>> -> memref<128x40xf32, #tpu.memory_space<vmem>>
    %dma_start3A_15 = arith.constant 0 : i32
    %dma_start3A_16 = tpu.memref_slice %arg6[%dma_start3A, %dma_start3A_15] : memref<80x128xi32, #tpu.memory_space<vmem>> -> memref<1x128xi32, #tpu.memory_space<vmem>>
    %dma_start3A_17 = tpu.memref_squeeze %dma_start3A_16 : memref<1x128xi32, #tpu.memory_space<vmem>> -> memref<128xi32, #tpu.memory_space<vmem>>
    %dma_start3A_18 = arith.constant 0 : i32
    %dma_start3A_19 = arith.constant 0 : i32
    %dma_start3A_20 = tpu.memref_slice %arg2[%dma_start3A_18, %dma_start3A_19] : memref<10240x40xf32, #tpu.memory_space<hbm>> -> memref<10240x40xf32, #tpu.memory_space<hbm>>
    tpu.enqueue_indirect_dma source(%dma_start3A_20 : memref<10240x40xf32, #tpu.memory_space<hbm>>) target(%dma_start3A_14 : memref<128x40xf32, #tpu.memory_space<vmem>>) offsets(%dma_start3A_17 : memref<128xi32, #tpu.memory_space<vmem>>) semaphore(%arg10 : memref<!tpu.dma_semaphore, #tpu.memory_space<semaphore_mem>>)
    %dma_start3A_21 = arith.constant 1 : i32
    %dma_start3A_22 = arith.constant 1 : i32
    %dma_start3A_23 = arith.constant 0 : i32
    %dma_start3A_24 = arith.constant 0 : i32
    %dma_start3A_25 = tpu.memref_slice %arg8[%dma_start3A_22, %dma_start3A_23, %dma_start3A_24] : memref<8x128x40xf32, #tpu.memory_space<vmem>> -> memref<1x128x40xf32, #tpu.memory_space<vmem>>
    %dma_start3A_26 = tpu.memref_squeeze %dma_start3A_25 : memref<1x128x40xf32, #tpu.memory_space<vmem>> -> memref<128x40xf32, #tpu.memory_space<vmem>>
    %dma_start3A_27 = arith.constant 0 : i32
    %dma_start3A_28 = tpu.memref_slice %arg6[%dma_start3A_21, %dma_start3A_27] : memref<80x128xi32, #tpu.memory_space<vmem>> -> memref<1x128xi32, #tpu.memory_space<vmem>>
    %dma_start3A_29 = tpu.memref_squeeze %dma_start3A_28 : memref<1x128xi32, #tpu.memory_space<vmem>> -> memref<128xi32, #tpu.memory_space<vmem>>
    %dma_start3A_30 = arith.constant 0 : i32
    %dma_start3A_31 = arith.constant 0 : i32
    %dma_start3A_32 = tpu.memref_slice %arg2[%dma_start3A_30, %dma_start3A_31] : memref<10240x40xf32, #tpu.memory_space<hbm>> -> memref<10240x40xf32, #tpu.memory_space<hbm>>
    tpu.enqueue_indirect_dma source(%dma_start3A_32 : memref<10240x40xf32, #tpu.memory_space<hbm>>) target(%dma_start3A_26 : memref<128x40xf32, #tpu.memory_space<vmem>>) offsets(%dma_start3A_29 : memref<128xi32, #tpu.memory_space<vmem>>) semaphore(%arg11 : memref<!tpu.dma_semaphore, #tpu.memory_space<semaphore_mem>>)
    %dma_start3A_33 = arith.constant 2 : i32
    %dma_start3A_34 = arith.constant 2 : i32
    %dma_start3A_35 = arith.constant 0 : i32
    %dma_start3A_36 = arith.constant 0 : i32
    %dma_start3A_37 = tpu.memref_slice %arg8[%dma_start3A_34, %dma_start3A_35, %dma_start3A_36] : memref<8x128x40xf32, #tpu.memory_space<vmem>> -> memref<1x128x40xf32, #tpu.memory_space<vmem>>
    %dma_start3A_38 = tpu.memref_squeeze %dma_start3A_37 : memref<1x128x40xf32, #tpu.memory_space<vmem>> -> memref<128x40xf32, #tpu.memory_space<vmem>>
    %dma_start3A_39 = arith.constant 0 : i32
    %dma_start3A_40 = tpu.memref_slice %arg6[%dma_start3A_33, %dma_start3A_39] : memref<80x128xi32, #tpu.memory_space<vmem>> -> memref<1x128xi32, #tpu.memory_space<vmem>>
    %dma_start3A_41 = tpu.memref_squeeze %dma_start3A_40 : memref<1x128xi32, #tpu.memory_space<vmem>> -> memref<128xi32, #tpu.memory_space<vmem>>
    %dma_start3A_42 = arith.constant 0 : i32
    %dma_start3A_43 = arith.constant 0 : i32
    %dma_start3A_44 = tpu.memref_slice %arg2[%dma_start3A_42, %dma_start3A_43] : memref<10240x40xf32, #tpu.memory_space<hbm>> -> memref<10240x40xf32, #tpu.memory_space<hbm>>
    tpu.enqueue_indirect_dma source(%dma_start3A_44 : memref<10240x40xf32, #tpu.memory_space<hbm>>) target(%dma_start3A_38 : memref<128x40xf32, #tpu.memory_space<vmem>>) offsets(%dma_start3A_41 : memref<128xi32, #tpu.memory_space<vmem>>) semaphore(%arg12 : memref<!tpu.dma_semaphore, #tpu.memory_space<semaphore_mem>>)
    %dma_start3A_45 = arith.constant 3 : i32
    %dma_start3A_46 = arith.constant 3 : i32
    %dma_start3A_47 = arith.constant 0 : i32
    %dma_start3A_48 = arith.constant 0 : i32
    %dma_start3A_49 = tpu.memref_slice %arg8[%dma_start3A_46, %dma_start3A_47, %dma_start3A_48] : memref<8x128x40xf32, #tpu.memory_space<vmem>> -> memref<1x128x40xf32, #tpu.memory_space<vmem>>
    %dma_start3A_50 = tpu.memref_squeeze %dma_start3A_49 : memref<1x128x40xf32, #tpu.memory_space<vmem>> -> memref<128x40xf32, #tpu.memory_space<vmem>>
    %dma_start3A_51 = arith.constant 0 : i32
    %dma_start3A_52 = tpu.memref_slice %arg6[%dma_start3A_45, %dma_start3A_51] : memref<80x128xi32, #tpu.memory_space<vmem>> -> memref<1x128xi32, #tpu.memory_space<vmem>>
    %dma_start3A_53 = tpu.memref_squeeze %dma_start3A_52 : memref<1x128xi32, #tpu.memory_space<vmem>> -> memref<128xi32, #tpu.memory_space<vmem>>
    %dma_start3A_54 = arith.constant 0 : i32
    %dma_start3A_55 = arith.constant 0 : i32
    %dma_start3A_56 = tpu.memref_slice %arg2[%dma_start3A_54, %dma_start3A_55] : memref<10240x40xf32, #tpu.memory_space<hbm>> -> memref<10240x40xf32, #tpu.memory_space<hbm>>
    tpu.enqueue_indirect_dma source(%dma_start3A_56 : memref<10240x40xf32, #tpu.memory_space<hbm>>) target(%dma_start3A_50 : memref<128x40xf32, #tpu.memory_space<vmem>>) offsets(%dma_start3A_53 : memref<128xi32, #tpu.memory_space<vmem>>) semaphore(%arg13 : memref<!tpu.dma_semaphore, #tpu.memory_space<semaphore_mem>>)
    %dma_start3A_57 = arith.constant 4 : i32
    %dma_start3A_58 = arith.constant 4 : i32
    %dma_start3A_59 = arith.constant 0 : i32
    %dma_start3A_60 = arith.constant 0 : i32
    %dma_start3A_61 = tpu.memref_slice %arg8[%dma_start3A_58, %dma_start3A_59, %dma_start3A_60] : memref<8x128x40xf32, #tpu.memory_space<vmem>> -> memref<1x128x40xf32, #tpu.memory_space<vmem>>
    %dma_start3A_62 = tpu.memref_squeeze %dma_start3A_61 : memref<1x128x40xf32, #tpu.memory_space<vmem>> -> memref<128x40xf32, #tpu.memory_space<vmem>>
    %dma_start3A_63 = arith.constant 0 : i32
    %dma_start3A_64 = tpu.memref_slice %arg6[%dma_start3A_57, %dma_start3A_63] : memref<80x128xi32, #tpu.memory_space<vmem>> -> memref<1x128xi32, #tpu.memory_space<vmem>>
    %dma_start3A_65 = tpu.memref_squeeze %dma_start3A_64 : memref<1x128xi32, #tpu.memory_space<vmem>> -> memref<128xi32, #tpu.memory_space<vmem>>
    %dma_start3A_66 = arith.constant 0 : i32
    %dma_start3A_67 = arith.constant 0 : i32
    %dma_start3A_68 = tpu.memref_slice %arg2[%dma_start3A_66, %dma_start3A_67] : memref<10240x40xf32, #tpu.memory_space<hbm>> -> memref<10240x40xf32, #tpu.memory_space<hbm>>
    tpu.enqueue_indirect_dma source(%dma_start3A_68 : memref<10240x40xf32, #tpu.memory_space<hbm>>) target(%dma_start3A_62 : memref<128x40xf32, #tpu.memory_space<vmem>>) offsets(%dma_start3A_65 : memref<128xi32, #tpu.memory_space<vmem>>) semaphore(%arg14 : memref<!tpu.dma_semaphore, #tpu.memory_space<semaphore_mem>>)
    %dma_start3A_69 = arith.constant 5 : i32
    %dma_start3A_70 = arith.constant 5 : i32
    %dma_start3A_71 = arith.constant 0 : i32
    %dma_start3A_72 = arith.constant 0 : i32
    %dma_start3A_73 = tpu.memref_slice %arg8[%dma_start3A_70, %dma_start3A_71, %dma_start3A_72] : memref<8x128x40xf32, #tpu.memory_space<vmem>> -> memref<1x128x40xf32, #tpu.memory_space<vmem>>
    %dma_start3A_74 = tpu.memref_squeeze %dma_start3A_73 : memref<1x128x40xf32, #tpu.memory_space<vmem>> -> memref<128x40xf32, #tpu.memory_space<vmem>>
    %dma_start3A_75 = arith.constant 0 : i32
    %dma_start3A_76 = tpu.memref_slice %arg6[%dma_start3A_69, %dma_start3A_75] : memref<80x128xi32, #tpu.memory_space<vmem>> -> memref<1x128xi32, #tpu.memory_space<vmem>>
    %dma_start3A_77 = tpu.memref_squeeze %dma_start3A_76 : memref<1x128xi32, #tpu.memory_space<vmem>> -> memref<128xi32, #tpu.memory_space<vmem>>
    %dma_start3A_78 = arith.constant 0 : i32
    %dma_start3A_79 = arith.constant 0 : i32
    %dma_start3A_80 = tpu.memref_slice %arg2[%dma_start3A_78, %dma_start3A_79] : memref<10240x40xf32, #tpu.memory_space<hbm>> -> memref<10240x40xf32, #tpu.memory_space<hbm>>
    tpu.enqueue_indirect_dma source(%dma_start3A_80 : memref<10240x40xf32, #tpu.memory_space<hbm>>) target(%dma_start3A_74 : memref<128x40xf32, #tpu.memory_space<vmem>>) offsets(%dma_start3A_77 : memref<128xi32, #tpu.memory_space<vmem>>) semaphore(%arg15 : memref<!tpu.dma_semaphore, #tpu.memory_space<semaphore_mem>>)
    %dma_start3A_81 = arith.constant 6 : i32
    %dma_start3A_82 = arith.constant 6 : i32
    %dma_start3A_83 = arith.constant 0 : i32
    %dma_start3A_84 = arith.constant 0 : i32
    %dma_start3A_85 = tpu.memref_slice %arg8[%dma_start3A_82, %dma_start3A_83, %dma_start3A_84] : memref<8x128x40xf32, #tpu.memory_space<vmem>> -> memref<1x128x40xf32, #tpu.memory_space<vmem>>
    %dma_start3A_86 = tpu.memref_squeeze %dma_start3A_85 : memref<1x128x40xf32, #tpu.memory_space<vmem>> -> memref<128x40xf32, #tpu.memory_space<vmem>>
    %dma_start3A_87 = arith.constant 0 : i32
    %dma_start3A_88 = tpu.memref_slice %arg6[%dma_start3A_81, %dma_start3A_87] : memref<80x128xi32, #tpu.memory_space<vmem>> -> memref<1x128xi32, #tpu.memory_space<vmem>>
    %dma_start3A_89 = tpu.memref_squeeze %dma_start3A_88 : memref<1x128xi32, #tpu.memory_space<vmem>> -> memref<128xi32, #tpu.memory_space<vmem>>
    %dma_start3A_90 = arith.constant 0 : i32
    %dma_start3A_91 = arith.constant 0 : i32
    %dma_start3A_92 = tpu.memref_slice %arg2[%dma_start3A_90, %dma_start3A_91] : memref<10240x40xf32, #tpu.memory_space<hbm>> -> memref<10240x40xf32, #tpu.memory_space<hbm>>
    tpu.enqueue_indirect_dma source(%dma_start3A_92 : memref<10240x40xf32, #tpu.memory_space<hbm>>) target(%dma_start3A_86 : memref<128x40xf32, #tpu.memory_space<vmem>>) offsets(%dma_start3A_89 : memref<128xi32, #tpu.memory_space<vmem>>) semaphore(%arg16 : memref<!tpu.dma_semaphore, #tpu.memory_space<semaphore_mem>>)
    %dma_start3A_93 = arith.constant 7 : i32
    %dma_start3A_94 = arith.constant 7 : i32
    %dma_start3A_95 = arith.constant 0 : i32
    %dma_start3A_96 = arith.constant 0 : i32
    %dma_start3A_97 = tpu.memref_slice %arg8[%dma_start3A_94, %dma_start3A_95, %dma_start3A_96] : memref<8x128x40xf32, #tpu.memory_space<vmem>> -> memref<1x128x40xf32, #tpu.memory_space<vmem>>
    %dma_start3A_98 = tpu.memref_squeeze %dma_start3A_97 : memref<1x128x40xf32, #tpu.memory_space<vmem>> -> memref<128x40xf32, #tpu.memory_space<vmem>>
    %dma_start3A_99 = arith.constant 0 : i32
    %dma_start3A_100 = tpu.memref_slice %arg6[%dma_start3A_93, %dma_start3A_99] : memref<80x128xi32, #tpu.memory_space<vmem>> -> memref<1x128xi32, #tpu.memory_space<vmem>>
    %dma_start3A_101 = tpu.memref_squeeze %dma_start3A_100 : memref<1x128xi32, #tpu.memory_space<vmem>> -> memref<128xi32, #tpu.memory_space<vmem>>
    %dma_start3A_102 = arith.constant 0 : i32
    %dma_start3A_103 = arith.constant 0 : i32
    %dma_start3A_104 = tpu.memref_slice %arg2[%dma_start3A_102, %dma_start3A_103] : memref<10240x40xf32, #tpu.memory_space<hbm>> -> memref<10240x40xf32, #tpu.memory_space<hbm>>
    tpu.enqueue_indirect_dma source(%dma_start3A_104 : memref<10240x40xf32, #tpu.memory_space<hbm>>) target(%dma_start3A_98 : memref<128x40xf32, #tpu.memory_space<vmem>>) offsets(%dma_start3A_101 : memref<128xi32, #tpu.memory_space<vmem>>) semaphore(%arg17 : memref<!tpu.dma_semaphore, #tpu.memory_space<semaphore_mem>>)
    %scan3A_105 = arith.constant 0 : i32
    %scan3A_106 = arith.constant 10 : i32
    %scan3A_107 = arith.addi %scan3A_105, %scan3A_106 : i32
    %scan3A_108 = arith.constant 1 : i32
    scf.for %scan3A_116 = %scan3A_105 to %scan3A_107 step %scan3A_108  : i32 {
      %mul3A_117 = arith.constant 8 : i32
      %mul3A_118 = arith.muli %scan3A_116, %mul3A_117 : i32
      %add3A_119 = arith.constant 0 : i32
      %add3A_120 = arith.addi %mul3A_118, %add3A_119 : i32
      %dma_wait3A = arith.constant 0 : i32
      %dma_wait3A_121 = arith.constant 0 : i32
      %dma_wait3A_122 = arith.constant 0 : i32
      %dma_wait3A_123 = tpu.memref_slice %arg8[%dma_wait3A, %dma_wait3A_121, %dma_wait3A_122] : memref<8x128x40xf32, #tpu.memory_space<vmem>> -> memref<1x128x40xf32, #tpu.memory_space<vmem>>
      %dma_wait3A_124 = tpu.memref_squeeze %dma_wait3A_123 : memref<1x128x40xf32, #tpu.memory_space<vmem>> -> memref<128x40xf32, #tpu.memory_space<vmem>>
      %dma_wait3A_125 = arith.constant 0 : i32
      %dma_wait3A_126 = tpu.memref_slice %arg6[%add3A_120, %dma_wait3A_125] : memref<80x128xi32, #tpu.memory_space<vmem>> -> memref<1x128xi32, #tpu.memory_space<vmem>>
      %dma_wait3A_127 = tpu.memref_squeeze %dma_wait3A_126 : memref<1x128xi32, #tpu.memory_space<vmem>> -> memref<128xi32, #tpu.memory_space<vmem>>
      %dma_wait3A_128 = arith.constant 0 : i32
      %dma_wait3A_129 = arith.constant 0 : i32
      %dma_wait3A_130 = tpu.memref_slice %arg2[%dma_wait3A_128, %dma_wait3A_129] : memref<10240x40xf32, #tpu.memory_space<hbm>> -> memref<10240x40xf32, #tpu.memory_space<hbm>>
      tpu.wait_indirect_dma semaphore(%arg10 : memref<!tpu.dma_semaphore, #tpu.memory_space<semaphore_mem>>) src(%dma_wait3A_130 : memref<10240x40xf32, #tpu.memory_space<hbm>>) dst(%dma_wait3A_124 : memref<128x40xf32, #tpu.memory_space<vmem>>)
      %run_scoped3A_131 = arith.constant 0 : i32
      "tpu.region"() ({
        %run_scoped3A_297 = tpu.sem_alloc : memref<!tpu.dma_semaphore, #tpu.memory_space<semaphore_mem>>
        %dma_start3A_298 = arith.constant 0 : i32
        %dma_start3A_299 = arith.constant 0 : i32
        %dma_start3A_300 = tpu.memref_slice %arg8[%run_scoped3A_131, %dma_start3A_298, %dma_start3A_299] : memref<8x128x40xf32, #tpu.memory_space<vmem>> -> memref<1x128x40xf32, #tpu.memory_space<vmem>>
        %dma_start3A_301 = tpu.memref_squeeze %dma_start3A_300 : memref<1x128x40xf32, #tpu.memory_space<vmem>> -> memref<128x40xf32, #tpu.memory_space<vmem>>
        %dma_start3A_302 = arith.constant 0 : i32
        %dma_start3A_303 = tpu.memref_slice %arg7[%add3A_120, %dma_start3A_302] : memref<80x128xi32, #tpu.memory_space<vmem>> -> memref<1x128xi32, #tpu.memory_space<vmem>>
        %dma_start3A_304 = tpu.memref_squeeze %dma_start3A_303 : memref<1x128xi32, #tpu.memory_space<vmem>> -> memref<128xi32, #tpu.memory_space<vmem>>
        %dma_start3A_305 = arith.constant 0 : i32
        %dma_start3A_306 = arith.constant 0 : i32
        %dma_start3A_307 = tpu.memref_slice %arg9[%dma_start3A_305, %dma_start3A_306] : memref<10240x40xf32, #tpu.memory_space<vmem_shared>> -> memref<10240x40xf32, #tpu.memory_space<vmem_shared>>
        tpu.enqueue_indirect_dma source(%dma_start3A_301 : memref<128x40xf32, #tpu.memory_space<vmem>>) target(%dma_start3A_307 : memref<10240x40xf32, #tpu.memory_space<vmem_shared>>) offsets(%dma_start3A_304 : memref<128xi32, #tpu.memory_space<vmem>>) semaphore(%run_scoped3A_297 : memref<!tpu.dma_semaphore, #tpu.memory_space<semaphore_mem>>) {add = true}
        %dma_wait3A_308 = arith.constant 0 : i32
        %dma_wait3A_309 = arith.constant 0 : i32
        %dma_wait3A_310 = tpu.memref_slice %arg8[%run_scoped3A_131, %dma_wait3A_308, %dma_wait3A_309] : memref<8x128x40xf32, #tpu.memory_space<vmem>> -> memref<1x128x40xf32, #tpu.memory_space<vmem>>
        %dma_wait3A_311 = tpu.memref_squeeze %dma_wait3A_310 : memref<1x128x40xf32, #tpu.memory_space<vmem>> -> memref<128x40xf32, #tpu.memory_space<vmem>>
        %dma_wait3A_312 = arith.constant 0 : i32
        %dma_wait3A_313 = tpu.memref_slice %arg7[%add3A_120, %dma_wait3A_312] : memref<80x128xi32, #tpu.memory_space<vmem>> -> memref<1x128xi32, #tpu.memory_space<vmem>>
        %dma_wait3A_314 = tpu.memref_squeeze %dma_wait3A_313 : memref<1x128xi32, #tpu.memory_space<vmem>> -> memref<128xi32, #tpu.memory_space<vmem>>
        %dma_wait3A_315 = arith.constant 0 : i32
        %dma_wait3A_316 = arith.constant 0 : i32
        %dma_wait3A_317 = tpu.memref_slice %arg9[%dma_wait3A_315, %dma_wait3A_316] : memref<10240x40xf32, #tpu.memory_space<vmem_shared>> -> memref<10240x40xf32, #tpu.memory_space<vmem_shared>>
        tpu.wait_indirect_dma semaphore(%run_scoped3A_297 : memref<!tpu.dma_semaphore, #tpu.memory_space<semaphore_mem>>) src(%dma_wait3A_311 : memref<128x40xf32, #tpu.memory_space<vmem>>) dst(%dma_wait3A_317 : memref<10240x40xf32, #tpu.memory_space<vmem_shared>>)
        tpu.yield
      }) : () -> ()
      %add3A_132 = arith.constant 8 : i32
      %add3A_133 = arith.addi %add3A_120, %add3A_132 : i32
      %lt3A = arith.constant 80 : i32
      %lt3A_134 = arith.cmpi slt, %add3A_133, %lt3A : i32
      %convert_element_type3A = arith.extui %lt3A_134 : i1 to i32
      %cond3A = arith.constant 0 : i32
      %cond3A_135 = arith.cmpi ne, %convert_element_type3A, %cond3A : i32
      scf.if %cond3A_135 {
        %add3A_297 = arith.constant 8 : i32
        %add3A_298 = arith.addi %add3A_120, %add3A_297 : i32
        %dma_start3A_299 = arith.constant 0 : i32
        %dma_start3A_300 = arith.constant 0 : i32
        %dma_start3A_301 = arith.constant 0 : i32
        %dma_start3A_302 = tpu.memref_slice %arg8[%dma_start3A_299, %dma_start3A_300, %dma_start3A_301] : memref<8x128x40xf32, #tpu.memory_space<vmem>> -> memref<1x128x40xf32, #tpu.memory_space<vmem>>
        %dma_start3A_303 = tpu.memref_squeeze %dma_start3A_302 : memref<1x128x40xf32, #tpu.memory_space<vmem>> -> memref<128x40xf32, #tpu.memory_space<vmem>>
        %dma_start3A_304 = arith.constant 0 : i32
        %dma_start3A_305 = tpu.memref_slice %arg6[%add3A_298, %dma_start3A_304] : memref<80x128xi32, #tpu.memory_space<vmem>> -> memref<1x128xi32, #tpu.memory_space<vmem>>
        %dma_start3A_306 = tpu.memref_squeeze %dma_start3A_305 : memref<1x128xi32, #tpu.memory_space<vmem>> -> memref<128xi32, #tpu.memory_space<vmem>>
        %dma_start3A_307 = arith.constant 0 : i32
        %dma_start3A_308 = arith.constant 0 : i32
        %dma_start3A_309 = tpu.memref_slice %arg2[%dma_start3A_307, %dma_start3A_308] : memref<10240x40xf32, #tpu.memory_space<hbm>> -> memref<10240x40xf32, #tpu.memory_space<hbm>>
        tpu.enqueue_indirect_dma source(%dma_start3A_309 : memref<10240x40xf32, #tpu.memory_space<hbm>>) target(%dma_start3A_303 : memref<128x40xf32, #tpu.memory_space<vmem>>) offsets(%dma_start3A_306 : memref<128xi32, #tpu.memory_space<vmem>>) semaphore(%arg10 : memref<!tpu.dma_semaphore, #tpu.memory_space<semaphore_mem>>)
      } else {
      }
      %mul3A_136 = arith.constant 8 : i32
      %mul3A_137 = arith.muli %scan3A_116, %mul3A_136 : i32
      %add3A_138 = arith.constant 1 : i32
      %add3A_139 = arith.addi %mul3A_137, %add3A_138 : i32
      %dma_wait3A_140 = arith.constant 1 : i32
      %dma_wait3A_141 = arith.constant 0 : i32
      %dma_wait3A_142 = arith.constant 0 : i32
      %dma_wait3A_143 = tpu.memref_slice %arg8[%dma_wait3A_140, %dma_wait3A_141, %dma_wait3A_142] : memref<8x128x40xf32, #tpu.memory_space<vmem>> -> memref<1x128x40xf32, #tpu.memory_space<vmem>>
      %dma_wait3A_144 = tpu.memref_squeeze %dma_wait3A_143 : memref<1x128x40xf32, #tpu.memory_space<vmem>> -> memref<128x40xf32, #tpu.memory_space<vmem>>
      %dma_wait3A_145 = arith.constant 0 : i32
      %dma_wait3A_146 = tpu.memref_slice %arg6[%add3A_139, %dma_wait3A_145] : memref<80x128xi32, #tpu.memory_space<vmem>> -> memref<1x128xi32, #tpu.memory_space<vmem>>
      %dma_wait3A_147 = tpu.memref_squeeze %dma_wait3A_146 : memref<1x128xi32, #tpu.memory_space<vmem>> -> memref<128xi32, #tpu.memory_space<vmem>>
      %dma_wait3A_148 = arith.constant 0 : i32
      %dma_wait3A_149 = arith.constant 0 : i32
      %dma_wait3A_150 = tpu.memref_slice %arg2[%dma_wait3A_148, %dma_wait3A_149] : memref<10240x40xf32, #tpu.memory_space<hbm>> -> memref<10240x40xf32, #tpu.memory_space<hbm>>
      tpu.wait_indirect_dma semaphore(%arg11 : memref<!tpu.dma_semaphore, #tpu.memory_space<semaphore_mem>>) src(%dma_wait3A_150 : memref<10240x40xf32, #tpu.memory_space<hbm>>) dst(%dma_wait3A_144 : memref<128x40xf32, #tpu.memory_space<vmem>>)
      %run_scoped3A_151 = arith.constant 1 : i32
      "tpu.region"() ({
        %run_scoped3A_297 = tpu.sem_alloc : memref<!tpu.dma_semaphore, #tpu.memory_space<semaphore_mem>>
        %dma_start3A_298 = arith.constant 0 : i32
        %dma_start3A_299 = arith.constant 0 : i32
        %dma_start3A_300 = tpu.memref_slice %arg8[%run_scoped3A_151, %dma_start3A_298, %dma_start3A_299] : memref<8x128x40xf32, #tpu.memory_space<vmem>> -> memref<1x128x40xf32, #tpu.memory_space<vmem>>
        %dma_start3A_301 = tpu.memref_squeeze %dma_start3A_300 : memref<1x128x40xf32, #tpu.memory_space<vmem>> -> memref<128x40xf32, #tpu.memory_space<vmem>>
        %dma_start3A_302 = arith.constant 0 : i32
        %dma_start3A_303 = tpu.memref_slice %arg7[%add3A_139, %dma_start3A_302] : memref<80x128xi32, #tpu.memory_space<vmem>> -> memref<1x128xi32, #tpu.memory_space<vmem>>
        %dma_start3A_304 = tpu.memref_squeeze %dma_start3A_303 : memref<1x128xi32, #tpu.memory_space<vmem>> -> memref<128xi32, #tpu.memory_space<vmem>>
        %dma_start3A_305 = arith.constant 0 : i32
        %dma_start3A_306 = arith.constant 0 : i32
        %dma_start3A_307 = tpu.memref_slice %arg9[%dma_start3A_305, %dma_start3A_306] : memref<10240x40xf32, #tpu.memory_space<vmem_shared>> -> memref<10240x40xf32, #tpu.memory_space<vmem_shared>>
        tpu.enqueue_indirect_dma source(%dma_start3A_301 : memref<128x40xf32, #tpu.memory_space<vmem>>) target(%dma_start3A_307 : memref<10240x40xf32, #tpu.memory_space<vmem_shared>>) offsets(%dma_start3A_304 : memref<128xi32, #tpu.memory_space<vmem>>) semaphore(%run_scoped3A_297 : memref<!tpu.dma_semaphore, #tpu.memory_space<semaphore_mem>>) {add = true}
        %dma_wait3A_308 = arith.constant 0 : i32
        %dma_wait3A_309 = arith.constant 0 : i32
        %dma_wait3A_310 = tpu.memref_slice %arg8[%run_scoped3A_151, %dma_wait3A_308, %dma_wait3A_309] : memref<8x128x40xf32, #tpu.memory_space<vmem>> -> memref<1x128x40xf32, #tpu.memory_space<vmem>>
        %dma_wait3A_311 = tpu.memref_squeeze %dma_wait3A_310 : memref<1x128x40xf32, #tpu.memory_space<vmem>> -> memref<128x40xf32, #tpu.memory_space<vmem>>
        %dma_wait3A_312 = arith.constant 0 : i32
        %dma_wait3A_313 = tpu.memref_slice %arg7[%add3A_139, %dma_wait3A_312] : memref<80x128xi32, #tpu.memory_space<vmem>> -> memref<1x128xi32, #tpu.memory_space<vmem>>
        %dma_wait3A_314 = tpu.memref_squeeze %dma_wait3A_313 : memref<1x128xi32, #tpu.memory_space<vmem>> -> memref<128xi32, #tpu.memory_space<vmem>>
        %dma_wait3A_315 = arith.constant 0 : i32
        %dma_wait3A_316 = arith.constant 0 : i32
        %dma_wait3A_317 = tpu.memref_slice %arg9[%dma_wait3A_315, %dma_wait3A_316] : memref<10240x40xf32, #tpu.memory_space<vmem_shared>> -> memref<10240x40xf32, #tpu.memory_space<vmem_shared>>
        tpu.wait_indirect_dma semaphore(%run_scoped3A_297 : memref<!tpu.dma_semaphore, #tpu.memory_space<semaphore_mem>>) src(%dma_wait3A_311 : memref<128x40xf32, #tpu.memory_space<vmem>>) dst(%dma_wait3A_317 : memref<10240x40xf32, #tpu.memory_space<vmem_shared>>)
        tpu.yield
      }) : () -> ()
      %add3A_152 = arith.constant 8 : i32
      %add3A_153 = arith.addi %add3A_139, %add3A_152 : i32
      %lt3A_154 = arith.constant 80 : i32
      %lt3A_155 = arith.cmpi slt, %add3A_153, %lt3A_154 : i32
      %convert_element_type3A_156 = arith.extui %lt3A_155 : i1 to i32
      %cond3A_157 = arith.constant 0 : i32
      %cond3A_158 = arith.cmpi ne, %convert_element_type3A_156, %cond3A_157 : i32
      scf.if %cond3A_158 {
        %add3A_297 = arith.constant 8 : i32
        %add3A_298 = arith.addi %add3A_139, %add3A_297 : i32
        %dma_start3A_299 = arith.constant 1 : i32
        %dma_start3A_300 = arith.constant 0 : i32
        %dma_start3A_301 = arith.constant 0 : i32
        %dma_start3A_302 = tpu.memref_slice %arg8[%dma_start3A_299, %dma_start3A_300, %dma_start3A_301] : memref<8x128x40xf32, #tpu.memory_space<vmem>> -> memref<1x128x40xf32, #tpu.memory_space<vmem>>
        %dma_start3A_303 = tpu.memref_squeeze %dma_start3A_302 : memref<1x128x40xf32, #tpu.memory_space<vmem>> -> memref<128x40xf32, #tpu.memory_space<vmem>>
        %dma_start3A_304 = arith.constant 0 : i32
        %dma_start3A_305 = tpu.memref_slice %arg6[%add3A_298, %dma_start3A_304] : memref<80x128xi32, #tpu.memory_space<vmem>> -> memref<1x128xi32, #tpu.memory_space<vmem>>
        %dma_start3A_306 = tpu.memref_squeeze %dma_start3A_305 : memref<1x128xi32, #tpu.memory_space<vmem>> -> memref<128xi32, #tpu.memory_space<vmem>>
        %dma_start3A_307 = arith.constant 0 : i32
        %dma_start3A_308 = arith.constant 0 : i32
        %dma_start3A_309 = tpu.memref_slice %arg2[%dma_start3A_307, %dma_start3A_308] : memref<10240x40xf32, #tpu.memory_space<hbm>> -> memref<10240x40xf32, #tpu.memory_space<hbm>>
        tpu.enqueue_indirect_dma source(%dma_start3A_309 : memref<10240x40xf32, #tpu.memory_space<hbm>>) target(%dma_start3A_303 : memref<128x40xf32, #tpu.memory_space<vmem>>) offsets(%dma_start3A_306 : memref<128xi32, #tpu.memory_space<vmem>>) semaphore(%arg11 : memref<!tpu.dma_semaphore, #tpu.memory_space<semaphore_mem>>)
      } else {
      }
      %mul3A_159 = arith.constant 8 : i32
      %mul3A_160 = arith.muli %scan3A_116, %mul3A_159 : i32
      %add3A_161 = arith.constant 2 : i32
      %add3A_162 = arith.addi %mul3A_160, %add3A_161 : i32
      %dma_wait3A_163 = arith.constant 2 : i32
      %dma_wait3A_164 = arith.constant 0 : i32
      %dma_wait3A_165 = arith.constant 0 : i32
      %dma_wait3A_166 = tpu.memref_slice %arg8[%dma_wait3A_163, %dma_wait3A_164, %dma_wait3A_165] : memref<8x128x40xf32, #tpu.memory_space<vmem>> -> memref<1x128x40xf32, #tpu.memory_space<vmem>>
      %dma_wait3A_167 = tpu.memref_squeeze %dma_wait3A_166 : memref<1x128x40xf32, #tpu.memory_space<vmem>> -> memref<128x40xf32, #tpu.memory_space<vmem>>
      %dma_wait3A_168 = arith.constant 0 : i32
      %dma_wait3A_169 = tpu.memref_slice %arg6[%add3A_162, %dma_wait3A_168] : memref<80x128xi32, #tpu.memory_space<vmem>> -> memref<1x128xi32, #tpu.memory_space<vmem>>
      %dma_wait3A_170 = tpu.memref_squeeze %dma_wait3A_169 : memref<1x128xi32, #tpu.memory_space<vmem>> -> memref<128xi32, #tpu.memory_space<vmem>>
      %dma_wait3A_171 = arith.constant 0 : i32
      %dma_wait3A_172 = arith.constant 0 : i32
      %dma_wait3A_173 = tpu.memref_slice %arg2[%dma_wait3A_171, %dma_wait3A_172] : memref<10240x40xf32, #tpu.memory_space<hbm>> -> memref<10240x40xf32, #tpu.memory_space<hbm>>
      tpu.wait_indirect_dma semaphore(%arg12 : memref<!tpu.dma_semaphore, #tpu.memory_space<semaphore_mem>>) src(%dma_wait3A_173 : memref<10240x40xf32, #tpu.memory_space<hbm>>) dst(%dma_wait3A_167 : memref<128x40xf32, #tpu.memory_space<vmem>>)
      %run_scoped3A_174 = arith.constant 2 : i32
      "tpu.region"() ({
        %run_scoped3A_297 = tpu.sem_alloc : memref<!tpu.dma_semaphore, #tpu.memory_space<semaphore_mem>>
        %dma_start3A_298 = arith.constant 0 : i32
        %dma_start3A_299 = arith.constant 0 : i32
        %dma_start3A_300 = tpu.memref_slice %arg8[%run_scoped3A_174, %dma_start3A_298, %dma_start3A_299] : memref<8x128x40xf32, #tpu.memory_space<vmem>> -> memref<1x128x40xf32, #tpu.memory_space<vmem>>
        %dma_start3A_301 = tpu.memref_squeeze %dma_start3A_300 : memref<1x128x40xf32, #tpu.memory_space<vmem>> -> memref<128x40xf32, #tpu.memory_space<vmem>>
        %dma_start3A_302 = arith.constant 0 : i32
        %dma_start3A_303 = tpu.memref_slice %arg7[%add3A_162, %dma_start3A_302] : memref<80x128xi32, #tpu.memory_space<vmem>> -> memref<1x128xi32, #tpu.memory_space<vmem>>
        %dma_start3A_304 = tpu.memref_squeeze %dma_start3A_303 : memref<1x128xi32, #tpu.memory_space<vmem>> -> memref<128xi32, #tpu.memory_space<vmem>>
        %dma_start3A_305 = arith.constant 0 : i32
        %dma_start3A_306 = arith.constant 0 : i32
        %dma_start3A_307 = tpu.memref_slice %arg9[%dma_start3A_305, %dma_start3A_306] : memref<10240x40xf32, #tpu.memory_space<vmem_shared>> -> memref<10240x40xf32, #tpu.memory_space<vmem_shared>>
        tpu.enqueue_indirect_dma source(%dma_start3A_301 : memref<128x40xf32, #tpu.memory_space<vmem>>) target(%dma_start3A_307 : memref<10240x40xf32, #tpu.memory_space<vmem_shared>>) offsets(%dma_start3A_304 : memref<128xi32, #tpu.memory_space<vmem>>) semaphore(%run_scoped3A_297 : memref<!tpu.dma_semaphore, #tpu.memory_space<semaphore_mem>>) {add = true}
        %dma_wait3A_308 = arith.constant 0 : i32
        %dma_wait3A_309 = arith.constant 0 : i32
        %dma_wait3A_310 = tpu.memref_slice %arg8[%run_scoped3A_174, %dma_wait3A_308, %dma_wait3A_309] : memref<8x128x40xf32, #tpu.memory_space<vmem>> -> memref<1x128x40xf32, #tpu.memory_space<vmem>>
        %dma_wait3A_311 = tpu.memref_squeeze %dma_wait3A_310 : memref<1x128x40xf32, #tpu.memory_space<vmem>> -> memref<128x40xf32, #tpu.memory_space<vmem>>
        %dma_wait3A_312 = arith.constant 0 : i32
        %dma_wait3A_313 = tpu.memref_slice %arg7[%add3A_162, %dma_wait3A_312] : memref<80x128xi32, #tpu.memory_space<vmem>> -> memref<1x128xi32, #tpu.memory_space<vmem>>
        %dma_wait3A_314 = tpu.memref_squeeze %dma_wait3A_313 : memref<1x128xi32, #tpu.memory_space<vmem>> -> memref<128xi32, #tpu.memory_space<vmem>>
        %dma_wait3A_315 = arith.constant 0 : i32
        %dma_wait3A_316 = arith.constant 0 : i32
        %dma_wait3A_317 = tpu.memref_slice %arg9[%dma_wait3A_315, %dma_wait3A_316] : memref<10240x40xf32, #tpu.memory_space<vmem_shared>> -> memref<10240x40xf32, #tpu.memory_space<vmem_shared>>
        tpu.wait_indirect_dma semaphore(%run_scoped3A_297 : memref<!tpu.dma_semaphore, #tpu.memory_space<semaphore_mem>>) src(%dma_wait3A_311 : memref<128x40xf32, #tpu.memory_space<vmem>>) dst(%dma_wait3A_317 : memref<10240x40xf32, #tpu.memory_space<vmem_shared>>)
        tpu.yield
      }) : () -> ()
      %add3A_175 = arith.constant 8 : i32
      %add3A_176 = arith.addi %add3A_162, %add3A_175 : i32
      %lt3A_177 = arith.constant 80 : i32
      %lt3A_178 = arith.cmpi slt, %add3A_176, %lt3A_177 : i32
      %convert_element_type3A_179 = arith.extui %lt3A_178 : i1 to i32
      %cond3A_180 = arith.constant 0 : i32
      %cond3A_181 = arith.cmpi ne, %convert_element_type3A_179, %cond3A_180 : i32
      scf.if %cond3A_181 {
        %add3A_297 = arith.constant 8 : i32
        %add3A_298 = arith.addi %add3A_162, %add3A_297 : i32
        %dma_start3A_299 = arith.constant 2 : i32
        %dma_start3A_300 = arith.constant 0 : i32
        %dma_start3A_301 = arith.constant 0 : i32
        %dma_start3A_302 = tpu.memref_slice %arg8[%dma_start3A_299, %dma_start3A_300, %dma_start3A_301] : memref<8x128x40xf32, #tpu.memory_space<vmem>> -> memref<1x128x40xf32, #tpu.memory_space<vmem>>
        %dma_start3A_303 = tpu.memref_squeeze %dma_start3A_302 : memref<1x128x40xf32, #tpu.memory_space<vmem>> -> memref<128x40xf32, #tpu.memory_space<vmem>>
        %dma_start3A_304 = arith.constant 0 : i32
        %dma_start3A_305 = tpu.memref_slice %arg6[%add3A_298, %dma_start3A_304] : memref<80x128xi32, #tpu.memory_space<vmem>> -> memref<1x128xi32, #tpu.memory_space<vmem>>
        %dma_start3A_306 = tpu.memref_squeeze %dma_start3A_305 : memref<1x128xi32, #tpu.memory_space<vmem>> -> memref<128xi32, #tpu.memory_space<vmem>>
        %dma_start3A_307 = arith.constant 0 : i32
        %dma_start3A_308 = arith.constant 0 : i32
        %dma_start3A_309 = tpu.memref_slice %arg2[%dma_start3A_307, %dma_start3A_308] : memref<10240x40xf32, #tpu.memory_space<hbm>> -> memref<10240x40xf32, #tpu.memory_space<hbm>>
        tpu.enqueue_indirect_dma source(%dma_start3A_309 : memref<10240x40xf32, #tpu.memory_space<hbm>>) target(%dma_start3A_303 : memref<128x40xf32, #tpu.memory_space<vmem>>) offsets(%dma_start3A_306 : memref<128xi32, #tpu.memory_space<vmem>>) semaphore(%arg12 : memref<!tpu.dma_semaphore, #tpu.memory_space<semaphore_mem>>)
      } else {
      }
      %mul3A_182 = arith.constant 8 : i32
      %mul3A_183 = arith.muli %scan3A_116, %mul3A_182 : i32
      %add3A_184 = arith.constant 3 : i32
      %add3A_185 = arith.addi %mul3A_183, %add3A_184 : i32
      %dma_wait3A_186 = arith.constant 3 : i32
      %dma_wait3A_187 = arith.constant 0 : i32
      %dma_wait3A_188 = arith.constant 0 : i32
      %dma_wait3A_189 = tpu.memref_slice %arg8[%dma_wait3A_186, %dma_wait3A_187, %dma_wait3A_188] : memref<8x128x40xf32, #tpu.memory_space<vmem>> -> memref<1x128x40xf32, #tpu.memory_space<vmem>>
      %dma_wait3A_190 = tpu.memref_squeeze %dma_wait3A_189 : memref<1x128x40xf32, #tpu.memory_space<vmem>> -> memref<128x40xf32, #tpu.memory_space<vmem>>
      %dma_wait3A_191 = arith.constant 0 : i32
      %dma_wait3A_192 = tpu.memref_slice %arg6[%add3A_185, %dma_wait3A_191] : memref<80x128xi32, #tpu.memory_space<vmem>> -> memref<1x128xi32, #tpu.memory_space<vmem>>
      %dma_wait3A_193 = tpu.memref_squeeze %dma_wait3A_192 : memref<1x128xi32, #tpu.memory_space<vmem>> -> memref<128xi32, #tpu.memory_space<vmem>>
      %dma_wait3A_194 = arith.constant 0 : i32
      %dma_wait3A_195 = arith.constant 0 : i32
      %dma_wait3A_196 = tpu.memref_slice %arg2[%dma_wait3A_194, %dma_wait3A_195] : memref<10240x40xf32, #tpu.memory_space<hbm>> -> memref<10240x40xf32, #tpu.memory_space<hbm>>
      tpu.wait_indirect_dma semaphore(%arg13 : memref<!tpu.dma_semaphore, #tpu.memory_space<semaphore_mem>>) src(%dma_wait3A_196 : memref<10240x40xf32, #tpu.memory_space<hbm>>) dst(%dma_wait3A_190 : memref<128x40xf32, #tpu.memory_space<vmem>>)
      %run_scoped3A_197 = arith.constant 3 : i32
      "tpu.region"() ({
        %run_scoped3A_297 = tpu.sem_alloc : memref<!tpu.dma_semaphore, #tpu.memory_space<semaphore_mem>>
        %dma_start3A_298 = arith.constant 0 : i32
        %dma_start3A_299 = arith.constant 0 : i32
        %dma_start3A_300 = tpu.memref_slice %arg8[%run_scoped3A_197, %dma_start3A_298, %dma_start3A_299] : memref<8x128x40xf32, #tpu.memory_space<vmem>> -> memref<1x128x40xf32, #tpu.memory_space<vmem>>
        %dma_start3A_301 = tpu.memref_squeeze %dma_start3A_300 : memref<1x128x40xf32, #tpu.memory_space<vmem>> -> memref<128x40xf32, #tpu.memory_space<vmem>>
        %dma_start3A_302 = arith.constant 0 : i32
        %dma_start3A_303 = tpu.memref_slice %arg7[%add3A_185, %dma_start3A_302] : memref<80x128xi32, #tpu.memory_space<vmem>> -> memref<1x128xi32, #tpu.memory_space<vmem>>
        %dma_start3A_304 = tpu.memref_squeeze %dma_start3A_303 : memref<1x128xi32, #tpu.memory_space<vmem>> -> memref<128xi32, #tpu.memory_space<vmem>>
        %dma_start3A_305 = arith.constant 0 : i32
        %dma_start3A_306 = arith.constant 0 : i32
        %dma_start3A_307 = tpu.memref_slice %arg9[%dma_start3A_305, %dma_start3A_306] : memref<10240x40xf32, #tpu.memory_space<vmem_shared>> -> memref<10240x40xf32, #tpu.memory_space<vmem_shared>>
        tpu.enqueue_indirect_dma source(%dma_start3A_301 : memref<128x40xf32, #tpu.memory_space<vmem>>) target(%dma_start3A_307 : memref<10240x40xf32, #tpu.memory_space<vmem_shared>>) offsets(%dma_start3A_304 : memref<128xi32, #tpu.memory_space<vmem>>) semaphore(%run_scoped3A_297 : memref<!tpu.dma_semaphore, #tpu.memory_space<semaphore_mem>>) {add = true}
        %dma_wait3A_308 = arith.constant 0 : i32
        %dma_wait3A_309 = arith.constant 0 : i32
        %dma_wait3A_310 = tpu.memref_slice %arg8[%run_scoped3A_197, %dma_wait3A_308, %dma_wait3A_309] : memref<8x128x40xf32, #tpu.memory_space<vmem>> -> memref<1x128x40xf32, #tpu.memory_space<vmem>>
        %dma_wait3A_311 = tpu.memref_squeeze %dma_wait3A_310 : memref<1x128x40xf32, #tpu.memory_space<vmem>> -> memref<128x40xf32, #tpu.memory_space<vmem>>
        %dma_wait3A_312 = arith.constant 0 : i32
        %dma_wait3A_313 = tpu.memref_slice %arg7[%add3A_185, %dma_wait3A_312] : memref<80x128xi32, #tpu.memory_space<vmem>> -> memref<1x128xi32, #tpu.memory_space<vmem>>
        %dma_wait3A_314 = tpu.memref_squeeze %dma_wait3A_313 : memref<1x128xi32, #tpu.memory_space<vmem>> -> memref<128xi32, #tpu.memory_space<vmem>>
        %dma_wait3A_315 = arith.constant 0 : i32
        %dma_wait3A_316 = arith.constant 0 : i32
        %dma_wait3A_317 = tpu.memref_slice %arg9[%dma_wait3A_315, %dma_wait3A_316] : memref<10240x40xf32, #tpu.memory_space<vmem_shared>> -> memref<10240x40xf32, #tpu.memory_space<vmem_shared>>
        tpu.wait_indirect_dma semaphore(%run_scoped3A_297 : memref<!tpu.dma_semaphore, #tpu.memory_space<semaphore_mem>>) src(%dma_wait3A_311 : memref<128x40xf32, #tpu.memory_space<vmem>>) dst(%dma_wait3A_317 : memref<10240x40xf32, #tpu.memory_space<vmem_shared>>)
        tpu.yield
      }) : () -> ()
      %add3A_198 = arith.constant 8 : i32
      %add3A_199 = arith.addi %add3A_185, %add3A_198 : i32
      %lt3A_200 = arith.constant 80 : i32
      %lt3A_201 = arith.cmpi slt, %add3A_199, %lt3A_200 : i32
      %convert_element_type3A_202 = arith.extui %lt3A_201 : i1 to i32
      %cond3A_203 = arith.constant 0 : i32
      %cond3A_204 = arith.cmpi ne, %convert_element_type3A_202, %cond3A_203 : i32
      scf.if %cond3A_204 {
        %add3A_297 = arith.constant 8 : i32
        %add3A_298 = arith.addi %add3A_185, %add3A_297 : i32
        %dma_start3A_299 = arith.constant 3 : i32
        %dma_start3A_300 = arith.constant 0 : i32
        %dma_start3A_301 = arith.constant 0 : i32
        %dma_start3A_302 = tpu.memref_slice %arg8[%dma_start3A_299, %dma_start3A_300, %dma_start3A_301] : memref<8x128x40xf32, #tpu.memory_space<vmem>> -> memref<1x128x40xf32, #tpu.memory_space<vmem>>
        %dma_start3A_303 = tpu.memref_squeeze %dma_start3A_302 : memref<1x128x40xf32, #tpu.memory_space<vmem>> -> memref<128x40xf32, #tpu.memory_space<vmem>>
        %dma_start3A_304 = arith.constant 0 : i32
        %dma_start3A_305 = tpu.memref_slice %arg6[%add3A_298, %dma_start3A_304] : memref<80x128xi32, #tpu.memory_space<vmem>> -> memref<1x128xi32, #tpu.memory_space<vmem>>
        %dma_start3A_306 = tpu.memref_squeeze %dma_start3A_305 : memref<1x128xi32, #tpu.memory_space<vmem>> -> memref<128xi32, #tpu.memory_space<vmem>>
        %dma_start3A_307 = arith.constant 0 : i32
        %dma_start3A_308 = arith.constant 0 : i32
        %dma_start3A_309 = tpu.memref_slice %arg2[%dma_start3A_307, %dma_start3A_308] : memref<10240x40xf32, #tpu.memory_space<hbm>> -> memref<10240x40xf32, #tpu.memory_space<hbm>>
        tpu.enqueue_indirect_dma source(%dma_start3A_309 : memref<10240x40xf32, #tpu.memory_space<hbm>>) target(%dma_start3A_303 : memref<128x40xf32, #tpu.memory_space<vmem>>) offsets(%dma_start3A_306 : memref<128xi32, #tpu.memory_space<vmem>>) semaphore(%arg13 : memref<!tpu.dma_semaphore, #tpu.memory_space<semaphore_mem>>)
      } else {
      }
      %mul3A_205 = arith.constant 8 : i32
      %mul3A_206 = arith.muli %scan3A_116, %mul3A_205 : i32
      %add3A_207 = arith.constant 4 : i32
      %add3A_208 = arith.addi %mul3A_206, %add3A_207 : i32
      %dma_wait3A_209 = arith.constant 4 : i32
      %dma_wait3A_210 = arith.constant 0 : i32
      %dma_wait3A_211 = arith.constant 0 : i32
      %dma_wait3A_212 = tpu.memref_slice %arg8[%dma_wait3A_209, %dma_wait3A_210, %dma_wait3A_211] : memref<8x128x40xf32, #tpu.memory_space<vmem>> -> memref<1x128x40xf32, #tpu.memory_space<vmem>>
      %dma_wait3A_213 = tpu.memref_squeeze %dma_wait3A_212 : memref<1x128x40xf32, #tpu.memory_space<vmem>> -> memref<128x40xf32, #tpu.memory_space<vmem>>
      %dma_wait3A_214 = arith.constant 0 : i32
      %dma_wait3A_215 = tpu.memref_slice %arg6[%add3A_208, %dma_wait3A_214] : memref<80x128xi32, #tpu.memory_space<vmem>> -> memref<1x128xi32, #tpu.memory_space<vmem>>
      %dma_wait3A_216 = tpu.memref_squeeze %dma_wait3A_215 : memref<1x128xi32, #tpu.memory_space<vmem>> -> memref<128xi32, #tpu.memory_space<vmem>>
      %dma_wait3A_217 = arith.constant 0 : i32
      %dma_wait3A_218 = arith.constant 0 : i32
      %dma_wait3A_219 = tpu.memref_slice %arg2[%dma_wait3A_217, %dma_wait3A_218] : memref<10240x40xf32, #tpu.memory_space<hbm>> -> memref<10240x40xf32, #tpu.memory_space<hbm>>
      tpu.wait_indirect_dma semaphore(%arg14 : memref<!tpu.dma_semaphore, #tpu.memory_space<semaphore_mem>>) src(%dma_wait3A_219 : memref<10240x40xf32, #tpu.memory_space<hbm>>) dst(%dma_wait3A_213 : memref<128x40xf32, #tpu.memory_space<vmem>>)
      %run_scoped3A_220 = arith.constant 4 : i32
      "tpu.region"() ({
        %run_scoped3A_297 = tpu.sem_alloc : memref<!tpu.dma_semaphore, #tpu.memory_space<semaphore_mem>>
        %dma_start3A_298 = arith.constant 0 : i32
        %dma_start3A_299 = arith.constant 0 : i32
        %dma_start3A_300 = tpu.memref_slice %arg8[%run_scoped3A_220, %dma_start3A_298, %dma_start3A_299] : memref<8x128x40xf32, #tpu.memory_space<vmem>> -> memref<1x128x40xf32, #tpu.memory_space<vmem>>
        %dma_start3A_301 = tpu.memref_squeeze %dma_start3A_300 : memref<1x128x40xf32, #tpu.memory_space<vmem>> -> memref<128x40xf32, #tpu.memory_space<vmem>>
        %dma_start3A_302 = arith.constant 0 : i32
        %dma_start3A_303 = tpu.memref_slice %arg7[%add3A_208, %dma_start3A_302] : memref<80x128xi32, #tpu.memory_space<vmem>> -> memref<1x128xi32, #tpu.memory_space<vmem>>
        %dma_start3A_304 = tpu.memref_squeeze %dma_start3A_303 : memref<1x128xi32, #tpu.memory_space<vmem>> -> memref<128xi32, #tpu.memory_space<vmem>>
        %dma_start3A_305 = arith.constant 0 : i32
        %dma_start3A_306 = arith.constant 0 : i32
        %dma_start3A_307 = tpu.memref_slice %arg9[%dma_start3A_305, %dma_start3A_306] : memref<10240x40xf32, #tpu.memory_space<vmem_shared>> -> memref<10240x40xf32, #tpu.memory_space<vmem_shared>>
        tpu.enqueue_indirect_dma source(%dma_start3A_301 : memref<128x40xf32, #tpu.memory_space<vmem>>) target(%dma_start3A_307 : memref<10240x40xf32, #tpu.memory_space<vmem_shared>>) offsets(%dma_start3A_304 : memref<128xi32, #tpu.memory_space<vmem>>) semaphore(%run_scoped3A_297 : memref<!tpu.dma_semaphore, #tpu.memory_space<semaphore_mem>>) {add = true}
        %dma_wait3A_308 = arith.constant 0 : i32
        %dma_wait3A_309 = arith.constant 0 : i32
        %dma_wait3A_310 = tpu.memref_slice %arg8[%run_scoped3A_220, %dma_wait3A_308, %dma_wait3A_309] : memref<8x128x40xf32, #tpu.memory_space<vmem>> -> memref<1x128x40xf32, #tpu.memory_space<vmem>>
        %dma_wait3A_311 = tpu.memref_squeeze %dma_wait3A_310 : memref<1x128x40xf32, #tpu.memory_space<vmem>> -> memref<128x40xf32, #tpu.memory_space<vmem>>
        %dma_wait3A_312 = arith.constant 0 : i32
        %dma_wait3A_313 = tpu.memref_slice %arg7[%add3A_208, %dma_wait3A_312] : memref<80x128xi32, #tpu.memory_space<vmem>> -> memref<1x128xi32, #tpu.memory_space<vmem>>
        %dma_wait3A_314 = tpu.memref_squeeze %dma_wait3A_313 : memref<1x128xi32, #tpu.memory_space<vmem>> -> memref<128xi32, #tpu.memory_space<vmem>>
        %dma_wait3A_315 = arith.constant 0 : i32
        %dma_wait3A_316 = arith.constant 0 : i32
        %dma_wait3A_317 = tpu.memref_slice %arg9[%dma_wait3A_315, %dma_wait3A_316] : memref<10240x40xf32, #tpu.memory_space<vmem_shared>> -> memref<10240x40xf32, #tpu.memory_space<vmem_shared>>
        tpu.wait_indirect_dma semaphore(%run_scoped3A_297 : memref<!tpu.dma_semaphore, #tpu.memory_space<semaphore_mem>>) src(%dma_wait3A_311 : memref<128x40xf32, #tpu.memory_space<vmem>>) dst(%dma_wait3A_317 : memref<10240x40xf32, #tpu.memory_space<vmem_shared>>)
        tpu.yield
      }) : () -> ()
      %add3A_221 = arith.constant 8 : i32
      %add3A_222 = arith.addi %add3A_208, %add3A_221 : i32
      %lt3A_223 = arith.constant 80 : i32
      %lt3A_224 = arith.cmpi slt, %add3A_222, %lt3A_223 : i32
      %convert_element_type3A_225 = arith.extui %lt3A_224 : i1 to i32
      %cond3A_226 = arith.constant 0 : i32
      %cond3A_227 = arith.cmpi ne, %convert_element_type3A_225, %cond3A_226 : i32
      scf.if %cond3A_227 {
        %add3A_297 = arith.constant 8 : i32
        %add3A_298 = arith.addi %add3A_208, %add3A_297 : i32
        %dma_start3A_299 = arith.constant 4 : i32
        %dma_start3A_300 = arith.constant 0 : i32
        %dma_start3A_301 = arith.constant 0 : i32
        %dma_start3A_302 = tpu.memref_slice %arg8[%dma_start3A_299, %dma_start3A_300, %dma_start3A_301] : memref<8x128x40xf32, #tpu.memory_space<vmem>> -> memref<1x128x40xf32, #tpu.memory_space<vmem>>
        %dma_start3A_303 = tpu.memref_squeeze %dma_start3A_302 : memref<1x128x40xf32, #tpu.memory_space<vmem>> -> memref<128x40xf32, #tpu.memory_space<vmem>>
        %dma_start3A_304 = arith.constant 0 : i32
        %dma_start3A_305 = tpu.memref_slice %arg6[%add3A_298, %dma_start3A_304] : memref<80x128xi32, #tpu.memory_space<vmem>> -> memref<1x128xi32, #tpu.memory_space<vmem>>
        %dma_start3A_306 = tpu.memref_squeeze %dma_start3A_305 : memref<1x128xi32, #tpu.memory_space<vmem>> -> memref<128xi32, #tpu.memory_space<vmem>>
        %dma_start3A_307 = arith.constant 0 : i32
        %dma_start3A_308 = arith.constant 0 : i32
        %dma_start3A_309 = tpu.memref_slice %arg2[%dma_start3A_307, %dma_start3A_308] : memref<10240x40xf32, #tpu.memory_space<hbm>> -> memref<10240x40xf32, #tpu.memory_space<hbm>>
        tpu.enqueue_indirect_dma source(%dma_start3A_309 : memref<10240x40xf32, #tpu.memory_space<hbm>>) target(%dma_start3A_303 : memref<128x40xf32, #tpu.memory_space<vmem>>) offsets(%dma_start3A_306 : memref<128xi32, #tpu.memory_space<vmem>>) semaphore(%arg14 : memref<!tpu.dma_semaphore, #tpu.memory_space<semaphore_mem>>)
      } else {
      }
      %mul3A_228 = arith.constant 8 : i32
      %mul3A_229 = arith.muli %scan3A_116, %mul3A_228 : i32
      %add3A_230 = arith.constant 5 : i32
      %add3A_231 = arith.addi %mul3A_229, %add3A_230 : i32
      %dma_wait3A_232 = arith.constant 5 : i32
      %dma_wait3A_233 = arith.constant 0 : i32
      %dma_wait3A_234 = arith.constant 0 : i32
      %dma_wait3A_235 = tpu.memref_slice %arg8[%dma_wait3A_232, %dma_wait3A_233, %dma_wait3A_234] : memref<8x128x40xf32, #tpu.memory_space<vmem>> -> memref<1x128x40xf32, #tpu.memory_space<vmem>>
      %dma_wait3A_236 = tpu.memref_squeeze %dma_wait3A_235 : memref<1x128x40xf32, #tpu.memory_space<vmem>> -> memref<128x40xf32, #tpu.memory_space<vmem>>
      %dma_wait3A_237 = arith.constant 0 : i32
      %dma_wait3A_238 = tpu.memref_slice %arg6[%add3A_231, %dma_wait3A_237] : memref<80x128xi32, #tpu.memory_space<vmem>> -> memref<1x128xi32, #tpu.memory_space<vmem>>
      %dma_wait3A_239 = tpu.memref_squeeze %dma_wait3A_238 : memref<1x128xi32, #tpu.memory_space<vmem>> -> memref<128xi32, #tpu.memory_space<vmem>>
      %dma_wait3A_240 = arith.constant 0 : i32
      %dma_wait3A_241 = arith.constant 0 : i32
      %dma_wait3A_242 = tpu.memref_slice %arg2[%dma_wait3A_240, %dma_wait3A_241] : memref<10240x40xf32, #tpu.memory_space<hbm>> -> memref<10240x40xf32, #tpu.memory_space<hbm>>
      tpu.wait_indirect_dma semaphore(%arg15 : memref<!tpu.dma_semaphore, #tpu.memory_space<semaphore_mem>>) src(%dma_wait3A_242 : memref<10240x40xf32, #tpu.memory_space<hbm>>) dst(%dma_wait3A_236 : memref<128x40xf32, #tpu.memory_space<vmem>>)
      %run_scoped3A_243 = arith.constant 5 : i32
      "tpu.region"() ({
        %run_scoped3A_297 = tpu.sem_alloc : memref<!tpu.dma_semaphore, #tpu.memory_space<semaphore_mem>>
        %dma_start3A_298 = arith.constant 0 : i32
        %dma_start3A_299 = arith.constant 0 : i32
        %dma_start3A_300 = tpu.memref_slice %arg8[%run_scoped3A_243, %dma_start3A_298, %dma_start3A_299] : memref<8x128x40xf32, #tpu.memory_space<vmem>> -> memref<1x128x40xf32, #tpu.memory_space<vmem>>
        %dma_start3A_301 = tpu.memref_squeeze %dma_start3A_300 : memref<1x128x40xf32, #tpu.memory_space<vmem>> -> memref<128x40xf32, #tpu.memory_space<vmem>>
        %dma_start3A_302 = arith.constant 0 : i32
        %dma_start3A_303 = tpu.memref_slice %arg7[%add3A_231, %dma_start3A_302] : memref<80x128xi32, #tpu.memory_space<vmem>> -> memref<1x128xi32, #tpu.memory_space<vmem>>
        %dma_start3A_304 = tpu.memref_squeeze %dma_start3A_303 : memref<1x128xi32, #tpu.memory_space<vmem>> -> memref<128xi32, #tpu.memory_space<vmem>>
        %dma_start3A_305 = arith.constant 0 : i32
        %dma_start3A_306 = arith.constant 0 : i32
        %dma_start3A_307 = tpu.memref_slice %arg9[%dma_start3A_305, %dma_start3A_306] : memref<10240x40xf32, #tpu.memory_space<vmem_shared>> -> memref<10240x40xf32, #tpu.memory_space<vmem_shared>>
        tpu.enqueue_indirect_dma source(%dma_start3A_301 : memref<128x40xf32, #tpu.memory_space<vmem>>) target(%dma_start3A_307 : memref<10240x40xf32, #tpu.memory_space<vmem_shared>>) offsets(%dma_start3A_304 : memref<128xi32, #tpu.memory_space<vmem>>) semaphore(%run_scoped3A_297 : memref<!tpu.dma_semaphore, #tpu.memory_space<semaphore_mem>>) {add = true}
        %dma_wait3A_308 = arith.constant 0 : i32
        %dma_wait3A_309 = arith.constant 0 : i32
        %dma_wait3A_310 = tpu.memref_slice %arg8[%run_scoped3A_243, %dma_wait3A_308, %dma_wait3A_309] : memref<8x128x40xf32, #tpu.memory_space<vmem>> -> memref<1x128x40xf32, #tpu.memory_space<vmem>>
        %dma_wait3A_311 = tpu.memref_squeeze %dma_wait3A_310 : memref<1x128x40xf32, #tpu.memory_space<vmem>> -> memref<128x40xf32, #tpu.memory_space<vmem>>
        %dma_wait3A_312 = arith.constant 0 : i32
        %dma_wait3A_313 = tpu.memref_slice %arg7[%add3A_231, %dma_wait3A_312] : memref<80x128xi32, #tpu.memory_space<vmem>> -> memref<1x128xi32, #tpu.memory_space<vmem>>
        %dma_wait3A_314 = tpu.memref_squeeze %dma_wait3A_313 : memref<1x128xi32, #tpu.memory_space<vmem>> -> memref<128xi32, #tpu.memory_space<vmem>>
        %dma_wait3A_315 = arith.constant 0 : i32
        %dma_wait3A_316 = arith.constant 0 : i32
        %dma_wait3A_317 = tpu.memref_slice %arg9[%dma_wait3A_315, %dma_wait3A_316] : memref<10240x40xf32, #tpu.memory_space<vmem_shared>> -> memref<10240x40xf32, #tpu.memory_space<vmem_shared>>
        tpu.wait_indirect_dma semaphore(%run_scoped3A_297 : memref<!tpu.dma_semaphore, #tpu.memory_space<semaphore_mem>>) src(%dma_wait3A_311 : memref<128x40xf32, #tpu.memory_space<vmem>>) dst(%dma_wait3A_317 : memref<10240x40xf32, #tpu.memory_space<vmem_shared>>)
        tpu.yield
      }) : () -> ()
      %add3A_244 = arith.constant 8 : i32
      %add3A_245 = arith.addi %add3A_231, %add3A_244 : i32
      %lt3A_246 = arith.constant 80 : i32
      %lt3A_247 = arith.cmpi slt, %add3A_245, %lt3A_246 : i32
      %convert_element_type3A_248 = arith.extui %lt3A_247 : i1 to i32
      %cond3A_249 = arith.constant 0 : i32
      %cond3A_250 = arith.cmpi ne, %convert_element_type3A_248, %cond3A_249 : i32
      scf.if %cond3A_250 {
        %add3A_297 = arith.constant 8 : i32
        %add3A_298 = arith.addi %add3A_231, %add3A_297 : i32
        %dma_start3A_299 = arith.constant 5 : i32
        %dma_start3A_300 = arith.constant 0 : i32
        %dma_start3A_301 = arith.constant 0 : i32
        %dma_start3A_302 = tpu.memref_slice %arg8[%dma_start3A_299, %dma_start3A_300, %dma_start3A_301] : memref<8x128x40xf32, #tpu.memory_space<vmem>> -> memref<1x128x40xf32, #tpu.memory_space<vmem>>
        %dma_start3A_303 = tpu.memref_squeeze %dma_start3A_302 : memref<1x128x40xf32, #tpu.memory_space<vmem>> -> memref<128x40xf32, #tpu.memory_space<vmem>>
        %dma_start3A_304 = arith.constant 0 : i32
        %dma_start3A_305 = tpu.memref_slice %arg6[%add3A_298, %dma_start3A_304] : memref<80x128xi32, #tpu.memory_space<vmem>> -> memref<1x128xi32, #tpu.memory_space<vmem>>
        %dma_start3A_306 = tpu.memref_squeeze %dma_start3A_305 : memref<1x128xi32, #tpu.memory_space<vmem>> -> memref<128xi32, #tpu.memory_space<vmem>>
        %dma_start3A_307 = arith.constant 0 : i32
        %dma_start3A_308 = arith.constant 0 : i32
        %dma_start3A_309 = tpu.memref_slice %arg2[%dma_start3A_307, %dma_start3A_308] : memref<10240x40xf32, #tpu.memory_space<hbm>> -> memref<10240x40xf32, #tpu.memory_space<hbm>>
        tpu.enqueue_indirect_dma source(%dma_start3A_309 : memref<10240x40xf32, #tpu.memory_space<hbm>>) target(%dma_start3A_303 : memref<128x40xf32, #tpu.memory_space<vmem>>) offsets(%dma_start3A_306 : memref<128xi32, #tpu.memory_space<vmem>>) semaphore(%arg15 : memref<!tpu.dma_semaphore, #tpu.memory_space<semaphore_mem>>)
      } else {
      }
      %mul3A_251 = arith.constant 8 : i32
      %mul3A_252 = arith.muli %scan3A_116, %mul3A_251 : i32
      %add3A_253 = arith.constant 6 : i32
      %add3A_254 = arith.addi %mul3A_252, %add3A_253 : i32
      %dma_wait3A_255 = arith.constant 6 : i32
      %dma_wait3A_256 = arith.constant 0 : i32
      %dma_wait3A_257 = arith.constant 0 : i32
      %dma_wait3A_258 = tpu.memref_slice %arg8[%dma_wait3A_255, %dma_wait3A_256, %dma_wait3A_257] : memref<8x128x40xf32, #tpu.memory_space<vmem>> -> memref<1x128x40xf32, #tpu.memory_space<vmem>>
      %dma_wait3A_259 = tpu.memref_squeeze %dma_wait3A_258 : memref<1x128x40xf32, #tpu.memory_space<vmem>> -> memref<128x40xf32, #tpu.memory_space<vmem>>
      %dma_wait3A_260 = arith.constant 0 : i32
      %dma_wait3A_261 = tpu.memref_slice %arg6[%add3A_254, %dma_wait3A_260] : memref<80x128xi32, #tpu.memory_space<vmem>> -> memref<1x128xi32, #tpu.memory_space<vmem>>
      %dma_wait3A_262 = tpu.memref_squeeze %dma_wait3A_261 : memref<1x128xi32, #tpu.memory_space<vmem>> -> memref<128xi32, #tpu.memory_space<vmem>>
      %dma_wait3A_263 = arith.constant 0 : i32
      %dma_wait3A_264 = arith.constant 0 : i32
      %dma_wait3A_265 = tpu.memref_slice %arg2[%dma_wait3A_263, %dma_wait3A_264] : memref<10240x40xf32, #tpu.memory_space<hbm>> -> memref<10240x40xf32, #tpu.memory_space<hbm>>
      tpu.wait_indirect_dma semaphore(%arg16 : memref<!tpu.dma_semaphore, #tpu.memory_space<semaphore_mem>>) src(%dma_wait3A_265 : memref<10240x40xf32, #tpu.memory_space<hbm>>) dst(%dma_wait3A_259 : memref<128x40xf32, #tpu.memory_space<vmem>>)
      %run_scoped3A_266 = arith.constant 6 : i32
      "tpu.region"() ({
        %run_scoped3A_297 = tpu.sem_alloc : memref<!tpu.dma_semaphore, #tpu.memory_space<semaphore_mem>>
        %dma_start3A_298 = arith.constant 0 : i32
        %dma_start3A_299 = arith.constant 0 : i32
        %dma_start3A_300 = tpu.memref_slice %arg8[%run_scoped3A_266, %dma_start3A_298, %dma_start3A_299] : memref<8x128x40xf32, #tpu.memory_space<vmem>> -> memref<1x128x40xf32, #tpu.memory_space<vmem>>
        %dma_start3A_301 = tpu.memref_squeeze %dma_start3A_300 : memref<1x128x40xf32, #tpu.memory_space<vmem>> -> memref<128x40xf32, #tpu.memory_space<vmem>>
        %dma_start3A_302 = arith.constant 0 : i32
        %dma_start3A_303 = tpu.memref_slice %arg7[%add3A_254, %dma_start3A_302] : memref<80x128xi32, #tpu.memory_space<vmem>> -> memref<1x128xi32, #tpu.memory_space<vmem>>
        %dma_start3A_304 = tpu.memref_squeeze %dma_start3A_303 : memref<1x128xi32, #tpu.memory_space<vmem>> -> memref<128xi32, #tpu.memory_space<vmem>>
        %dma_start3A_305 = arith.constant 0 : i32
        %dma_start3A_306 = arith.constant 0 : i32
        %dma_start3A_307 = tpu.memref_slice %arg9[%dma_start3A_305, %dma_start3A_306] : memref<10240x40xf32, #tpu.memory_space<vmem_shared>> -> memref<10240x40xf32, #tpu.memory_space<vmem_shared>>
        tpu.enqueue_indirect_dma source(%dma_start3A_301 : memref<128x40xf32, #tpu.memory_space<vmem>>) target(%dma_start3A_307 : memref<10240x40xf32, #tpu.memory_space<vmem_shared>>) offsets(%dma_start3A_304 : memref<128xi32, #tpu.memory_space<vmem>>) semaphore(%run_scoped3A_297 : memref<!tpu.dma_semaphore, #tpu.memory_space<semaphore_mem>>) {add = true}
        %dma_wait3A_308 = arith.constant 0 : i32
        %dma_wait3A_309 = arith.constant 0 : i32
        %dma_wait3A_310 = tpu.memref_slice %arg8[%run_scoped3A_266, %dma_wait3A_308, %dma_wait3A_309] : memref<8x128x40xf32, #tpu.memory_space<vmem>> -> memref<1x128x40xf32, #tpu.memory_space<vmem>>
        %dma_wait3A_311 = tpu.memref_squeeze %dma_wait3A_310 : memref<1x128x40xf32, #tpu.memory_space<vmem>> -> memref<128x40xf32, #tpu.memory_space<vmem>>
        %dma_wait3A_312 = arith.constant 0 : i32
        %dma_wait3A_313 = tpu.memref_slice %arg7[%add3A_254, %dma_wait3A_312] : memref<80x128xi32, #tpu.memory_space<vmem>> -> memref<1x128xi32, #tpu.memory_space<vmem>>
        %dma_wait3A_314 = tpu.memref_squeeze %dma_wait3A_313 : memref<1x128xi32, #tpu.memory_space<vmem>> -> memref<128xi32, #tpu.memory_space<vmem>>
        %dma_wait3A_315 = arith.constant 0 : i32
        %dma_wait3A_316 = arith.constant 0 : i32
        %dma_wait3A_317 = tpu.memref_slice %arg9[%dma_wait3A_315, %dma_wait3A_316] : memref<10240x40xf32, #tpu.memory_space<vmem_shared>> -> memref<10240x40xf32, #tpu.memory_space<vmem_shared>>
        tpu.wait_indirect_dma semaphore(%run_scoped3A_297 : memref<!tpu.dma_semaphore, #tpu.memory_space<semaphore_mem>>) src(%dma_wait3A_311 : memref<128x40xf32, #tpu.memory_space<vmem>>) dst(%dma_wait3A_317 : memref<10240x40xf32, #tpu.memory_space<vmem_shared>>)
        tpu.yield
      }) : () -> ()
      %add3A_267 = arith.constant 8 : i32
      %add3A_268 = arith.addi %add3A_254, %add3A_267 : i32
      %lt3A_269 = arith.constant 80 : i32
      %lt3A_270 = arith.cmpi slt, %add3A_268, %lt3A_269 : i32
      %convert_element_type3A_271 = arith.extui %lt3A_270 : i1 to i32
      %cond3A_272 = arith.constant 0 : i32
      %cond3A_273 = arith.cmpi ne, %convert_element_type3A_271, %cond3A_272 : i32
      scf.if %cond3A_273 {
        %add3A_297 = arith.constant 8 : i32
        %add3A_298 = arith.addi %add3A_254, %add3A_297 : i32
        %dma_start3A_299 = arith.constant 6 : i32
        %dma_start3A_300 = arith.constant 0 : i32
        %dma_start3A_301 = arith.constant 0 : i32
        %dma_start3A_302 = tpu.memref_slice %arg8[%dma_start3A_299, %dma_start3A_300, %dma_start3A_301] : memref<8x128x40xf32, #tpu.memory_space<vmem>> -> memref<1x128x40xf32, #tpu.memory_space<vmem>>
        %dma_start3A_303 = tpu.memref_squeeze %dma_start3A_302 : memref<1x128x40xf32, #tpu.memory_space<vmem>> -> memref<128x40xf32, #tpu.memory_space<vmem>>
        %dma_start3A_304 = arith.constant 0 : i32
        %dma_start3A_305 = tpu.memref_slice %arg6[%add3A_298, %dma_start3A_304] : memref<80x128xi32, #tpu.memory_space<vmem>> -> memref<1x128xi32, #tpu.memory_space<vmem>>
        %dma_start3A_306 = tpu.memref_squeeze %dma_start3A_305 : memref<1x128xi32, #tpu.memory_space<vmem>> -> memref<128xi32, #tpu.memory_space<vmem>>
        %dma_start3A_307 = arith.constant 0 : i32
        %dma_start3A_308 = arith.constant 0 : i32
        %dma_start3A_309 = tpu.memref_slice %arg2[%dma_start3A_307, %dma_start3A_308] : memref<10240x40xf32, #tpu.memory_space<hbm>> -> memref<10240x40xf32, #tpu.memory_space<hbm>>
        tpu.enqueue_indirect_dma source(%dma_start3A_309 : memref<10240x40xf32, #tpu.memory_space<hbm>>) target(%dma_start3A_303 : memref<128x40xf32, #tpu.memory_space<vmem>>) offsets(%dma_start3A_306 : memref<128xi32, #tpu.memory_space<vmem>>) semaphore(%arg16 : memref<!tpu.dma_semaphore, #tpu.memory_space<semaphore_mem>>)
      } else {
      }
      %mul3A_274 = arith.constant 8 : i32
      %mul3A_275 = arith.muli %scan3A_116, %mul3A_274 : i32
      %add3A_276 = arith.constant 7 : i32
      %add3A_277 = arith.addi %mul3A_275, %add3A_276 : i32
      %dma_wait3A_278 = arith.constant 7 : i32
      %dma_wait3A_279 = arith.constant 0 : i32
      %dma_wait3A_280 = arith.constant 0 : i32
      %dma_wait3A_281 = tpu.memref_slice %arg8[%dma_wait3A_278, %dma_wait3A_279, %dma_wait3A_280] : memref<8x128x40xf32, #tpu.memory_space<vmem>> -> memref<1x128x40xf32, #tpu.memory_space<vmem>>
      %dma_wait3A_282 = tpu.memref_squeeze %dma_wait3A_281 : memref<1x128x40xf32, #tpu.memory_space<vmem>> -> memref<128x40xf32, #tpu.memory_space<vmem>>
      %dma_wait3A_283 = arith.constant 0 : i32
      %dma_wait3A_284 = tpu.memref_slice %arg6[%add3A_277, %dma_wait3A_283] : memref<80x128xi32, #tpu.memory_space<vmem>> -> memref<1x128xi32, #tpu.memory_space<vmem>>
      %dma_wait3A_285 = tpu.memref_squeeze %dma_wait3A_284 : memref<1x128xi32, #tpu.memory_space<vmem>> -> memref<128xi32, #tpu.memory_space<vmem>>
      %dma_wait3A_286 = arith.constant 0 : i32
      %dma_wait3A_287 = arith.constant 0 : i32
      %dma_wait3A_288 = tpu.memref_slice %arg2[%dma_wait3A_286, %dma_wait3A_287] : memref<10240x40xf32, #tpu.memory_space<hbm>> -> memref<10240x40xf32, #tpu.memory_space<hbm>>
      tpu.wait_indirect_dma semaphore(%arg17 : memref<!tpu.dma_semaphore, #tpu.memory_space<semaphore_mem>>) src(%dma_wait3A_288 : memref<10240x40xf32, #tpu.memory_space<hbm>>) dst(%dma_wait3A_282 : memref<128x40xf32, #tpu.memory_space<vmem>>)
      %run_scoped3A_289 = arith.constant 7 : i32
      "tpu.region"() ({
        %run_scoped3A_297 = tpu.sem_alloc : memref<!tpu.dma_semaphore, #tpu.memory_space<semaphore_mem>>
        %dma_start3A_298 = arith.constant 0 : i32
        %dma_start3A_299 = arith.constant 0 : i32
        %dma_start3A_300 = tpu.memref_slice %arg8[%run_scoped3A_289, %dma_start3A_298, %dma_start3A_299] : memref<8x128x40xf32, #tpu.memory_space<vmem>> -> memref<1x128x40xf32, #tpu.memory_space<vmem>>
        %dma_start3A_301 = tpu.memref_squeeze %dma_start3A_300 : memref<1x128x40xf32, #tpu.memory_space<vmem>> -> memref<128x40xf32, #tpu.memory_space<vmem>>
        %dma_start3A_302 = arith.constant 0 : i32
        %dma_start3A_303 = tpu.memref_slice %arg7[%add3A_277, %dma_start3A_302] : memref<80x128xi32, #tpu.memory_space<vmem>> -> memref<1x128xi32, #tpu.memory_space<vmem>>
        %dma_start3A_304 = tpu.memref_squeeze %dma_start3A_303 : memref<1x128xi32, #tpu.memory_space<vmem>> -> memref<128xi32, #tpu.memory_space<vmem>>
        %dma_start3A_305 = arith.constant 0 : i32
        %dma_start3A_306 = arith.constant 0 : i32
        %dma_start3A_307 = tpu.memref_slice %arg9[%dma_start3A_305, %dma_start3A_306] : memref<10240x40xf32, #tpu.memory_space<vmem_shared>> -> memref<10240x40xf32, #tpu.memory_space<vmem_shared>>
        tpu.enqueue_indirect_dma source(%dma_start3A_301 : memref<128x40xf32, #tpu.memory_space<vmem>>) target(%dma_start3A_307 : memref<10240x40xf32, #tpu.memory_space<vmem_shared>>) offsets(%dma_start3A_304 : memref<128xi32, #tpu.memory_space<vmem>>) semaphore(%run_scoped3A_297 : memref<!tpu.dma_semaphore, #tpu.memory_space<semaphore_mem>>) {add = true}
        %dma_wait3A_308 = arith.constant 0 : i32
        %dma_wait3A_309 = arith.constant 0 : i32
        %dma_wait3A_310 = tpu.memref_slice %arg8[%run_scoped3A_289, %dma_wait3A_308, %dma_wait3A_309] : memref<8x128x40xf32, #tpu.memory_space<vmem>> -> memref<1x128x40xf32, #tpu.memory_space<vmem>>
        %dma_wait3A_311 = tpu.memref_squeeze %dma_wait3A_310 : memref<1x128x40xf32, #tpu.memory_space<vmem>> -> memref<128x40xf32, #tpu.memory_space<vmem>>
        %dma_wait3A_312 = arith.constant 0 : i32
        %dma_wait3A_313 = tpu.memref_slice %arg7[%add3A_277, %dma_wait3A_312] : memref<80x128xi32, #tpu.memory_space<vmem>> -> memref<1x128xi32, #tpu.memory_space<vmem>>
        %dma_wait3A_314 = tpu.memref_squeeze %dma_wait3A_313 : memref<1x128xi32, #tpu.memory_space<vmem>> -> memref<128xi32, #tpu.memory_space<vmem>>
        %dma_wait3A_315 = arith.constant 0 : i32
        %dma_wait3A_316 = arith.constant 0 : i32
        %dma_wait3A_317 = tpu.memref_slice %arg9[%dma_wait3A_315, %dma_wait3A_316] : memref<10240x40xf32, #tpu.memory_space<vmem_shared>> -> memref<10240x40xf32, #tpu.memory_space<vmem_shared>>
        tpu.wait_indirect_dma semaphore(%run_scoped3A_297 : memref<!tpu.dma_semaphore, #tpu.memory_space<semaphore_mem>>) src(%dma_wait3A_311 : memref<128x40xf32, #tpu.memory_space<vmem>>) dst(%dma_wait3A_317 : memref<10240x40xf32, #tpu.memory_space<vmem_shared>>)
        tpu.yield
      }) : () -> ()
      %add3A_290 = arith.constant 8 : i32
      %add3A_291 = arith.addi %add3A_277, %add3A_290 : i32
      %lt3A_292 = arith.constant 80 : i32
      %lt3A_293 = arith.cmpi slt, %add3A_291, %lt3A_292 : i32
      %convert_element_type3A_294 = arith.extui %lt3A_293 : i1 to i32
      %cond3A_295 = arith.constant 0 : i32
      %cond3A_296 = arith.cmpi ne, %convert_element_type3A_294, %cond3A_295 : i32
      scf.if %cond3A_296 {
        %add3A_297 = arith.constant 8 : i32
        %add3A_298 = arith.addi %add3A_277, %add3A_297 : i32
        %dma_start3A_299 = arith.constant 7 : i32
        %dma_start3A_300 = arith.constant 0 : i32
        %dma_start3A_301 = arith.constant 0 : i32
        %dma_start3A_302 = tpu.memref_slice %arg8[%dma_start3A_299, %dma_start3A_300, %dma_start3A_301] : memref<8x128x40xf32, #tpu.memory_space<vmem>> -> memref<1x128x40xf32, #tpu.memory_space<vmem>>
        %dma_start3A_303 = tpu.memref_squeeze %dma_start3A_302 : memref<1x128x40xf32, #tpu.memory_space<vmem>> -> memref<128x40xf32, #tpu.memory_space<vmem>>
        %dma_start3A_304 = arith.constant 0 : i32
        %dma_start3A_305 = tpu.memref_slice %arg6[%add3A_298, %dma_start3A_304] : memref<80x128xi32, #tpu.memory_space<vmem>> -> memref<1x128xi32, #tpu.memory_space<vmem>>
        %dma_start3A_306 = tpu.memref_squeeze %dma_start3A_305 : memref<1x128xi32, #tpu.memory_space<vmem>> -> memref<128xi32, #tpu.memory_space<vmem>>
        %dma_start3A_307 = arith.constant 0 : i32
        %dma_start3A_308 = arith.constant 0 : i32
        %dma_start3A_309 = tpu.memref_slice %arg2[%dma_start3A_307, %dma_start3A_308] : memref<10240x40xf32, #tpu.memory_space<hbm>> -> memref<10240x40xf32, #tpu.memory_space<hbm>>
        tpu.enqueue_indirect_dma source(%dma_start3A_309 : memref<10240x40xf32, #tpu.memory_space<hbm>>) target(%dma_start3A_303 : memref<128x40xf32, #tpu.memory_space<vmem>>) offsets(%dma_start3A_306 : memref<128xi32, #tpu.memory_space<vmem>>) semaphore(%arg17 : memref<!tpu.dma_semaphore, #tpu.memory_space<semaphore_mem>>)
      } else {
      }
    }
    %scan3A_109 = arith.constant 10 : i32
    %barrier3A_110 = arith.constant 0 : index
    tpu.barrier barrier_id(%barrier3A_110)
    %scan3A_111 = arith.constant 0 : i32
    %scan3A_112 = arith.constant 5 : i32
    %scan3A_113 = arith.addi %scan3A_111, %scan3A_112 : i32
    %scan3A_114 = arith.constant 1 : i32
    scf.for %scan3A_116 = %scan3A_111 to %scan3A_113 step %scan3A_114  : i32 {
      %mul3A_117 = arith.constant 640 : i32
      %mul3A_118 = arith.muli %arg1, %mul3A_117 : i32
      %mul3A_119 = arith.constant 128 : i32
      %mul3A_120 = arith.muli %scan3A_116, %mul3A_119 : i32
      %add3A_121 = arith.addi %mul3A_118, %mul3A_120 : i32
      "tpu.region"() ({
        %run_scoped3A_122 = tpu.sem_alloc : memref<!tpu.dma_semaphore, #tpu.memory_space<semaphore_mem>>
        %dma_start3A_123 = arith.constant 0 : i32
        %dma_start3A_124 = tpu.memref_slice %arg5[%arg0, %add3A_121, %dma_start3A_123] : memref<2x10240x40xf32, #tpu.memory_space<hbm>> -> memref<1x128x40xf32, #tpu.memory_space<hbm>>
        %dma_start3A_125 = tpu.memref_squeeze %dma_start3A_124 : memref<1x128x40xf32, #tpu.memory_space<hbm>> -> memref<128x40xf32, #tpu.memory_space<hbm>>
        %dma_start3A_126 = arith.constant 0 : i32
        %dma_start3A_127 = tpu.memref_slice %arg9[%add3A_121, %dma_start3A_126] : memref<10240x40xf32, #tpu.memory_space<vmem_shared>> -> memref<128x40xf32, #tpu.memory_space<vmem_shared>>
        tpu.enqueue_dma source(%dma_start3A_127 : memref<128x40xf32, #tpu.memory_space<vmem_shared>>) target(%dma_start3A_125 : memref<128x40xf32, #tpu.memory_space<hbm>>) target_semaphore(%run_scoped3A_122 : memref<!tpu.dma_semaphore, #tpu.memory_space<semaphore_mem>>)
        %dma_wait3A = arith.constant 0 : i32
        %dma_wait3A_128 = tpu.memref_slice %arg5[%arg0, %add3A_121, %dma_wait3A] : memref<2x10240x40xf32, #tpu.memory_space<hbm>> -> memref<1x128x40xf32, #tpu.memory_space<hbm>>
        %dma_wait3A_129 = tpu.memref_squeeze %dma_wait3A_128 : memref<1x128x40xf32, #tpu.memory_space<hbm>> -> memref<128x40xf32, #tpu.memory_space<hbm>>
        %dma_wait3A_130 = arith.constant 0 : i32
        %dma_wait3A_131 = tpu.memref_slice %arg9[%add3A_121, %dma_wait3A_130] : memref<10240x40xf32, #tpu.memory_space<vmem_shared>> -> memref<128x40xf32, #tpu.memory_space<vmem_shared>>
        tpu.wait_dma2 semaphore(%run_scoped3A_122 : memref<!tpu.dma_semaphore, #tpu.memory_space<semaphore_mem>>) src(%dma_wait3A_131 : memref<128x40xf32, #tpu.memory_space<vmem_shared>>) dst(%dma_wait3A_129 : memref<128x40xf32, #tpu.memory_space<hbm>>)
        tpu.yield
      }) : () -> ()
    }
    %scan3A_115 = arith.constant 5 : i32
    return
  }
}

#map = affine_map<(d0, d1) -> (0, 0, 0)>
#map1 = affine_map<(d0, d1) -> (0, 0)>
module attributes {stable_mosaic.version = 14 : i64} {
  func.func @body(%arg0: i32, %arg1: i32, %arg2: memref<2x2560x128xi32, #tpu.memory_space<hbm>>, %arg3: memref<32x10240xf32, #tpu.memory_space<hbm>>, %arg4: memref<80x128xi32, #tpu.memory_space<vmem>>, %arg5: memref<10240xf32, #tpu.memory_space<vmem>>) attributes {dimension_semantics = [#tpu.dimension_semantics<core_parallel>, #tpu.dimension_semantics<subcore_parallel>], iteration_bounds = array<i64: 2, 16>, scalar_prefetch = 0 : i64, scratch_operands = 2 : i64, tpu.core_type = #tpu.core_type<sc_vector_subcore>, window_params = [{transform_indices = #map}, {transform_indices = #map1}]} {
    %mul3A = arith.constant 2 : i32
    %mul3A_0 = arith.muli %arg1, %mul3A : i32
    %add3A = arith.addi %mul3A_0, %arg0 : i32
    %broadcast_in_dim3A = arith.constant 0.000000e+00 : f32
    %broadcast_in_dim3A_1 = vector.broadcast %broadcast_in_dim3A : f32 to vector<16xf32>
    %broadcast_in_dim3A_2 = arith.constant 1.000000e+00 : f32
    %broadcast_in_dim3A_3 = vector.broadcast %broadcast_in_dim3A_2 : f32 to vector<16xf32>
    %scan3A = arith.constant 0 : i32
    %scan3A_4 = arith.constant 640 : i32
    %scan3A_5 = arith.addi %scan3A, %scan3A_4 : i32
    %scan3A_6 = arith.constant 1 : i32
    scf.for %scan3A_15 = %scan3A to %scan3A_5 step %scan3A_6  : i32 {
      %mul3A_16 = arith.constant 16 : i32
      %mul3A_17 = arith.muli %scan3A_15, %mul3A_16 : i32
      %swap3A = arith.index_cast %mul3A_17 : i32 to index
      %swap3A_18 = tpu.vector_load %arg5[%swap3A] {strides = array<i32>} : memref<10240xf32, #tpu.memory_space<vmem>>, vector<16xf32>,
      tpu.vector_store %arg5[%swap3A], %broadcast_in_dim3A_1 {strides = array<i32>} : memref<10240xf32, #tpu.memory_space<vmem>>, vector<16xf32>,
    }
    %scan3A_7 = arith.constant 640 : i32
    %mul3A_8 = arith.constant 80 : i32
    %mul3A_9 = arith.muli %add3A, %mul3A_8 : i32
    %run_scoped3A = arith.constant 1 : i32
    "tpu.region"() ({
      %run_scoped3A_15 = tpu.sem_alloc : memref<!tpu.dma_semaphore, #tpu.memory_space<semaphore_mem>>
      %dma_start3A = arith.constant 0 : i32
      %dma_start3A_16 = tpu.memref_slice %arg2[%run_scoped3A, %mul3A_9, %dma_start3A] : memref<2x2560x128xi32, #tpu.memory_space<hbm>> -> memref<1x80x128xi32, #tpu.memory_space<hbm>>
      %dma_start3A_17 = tpu.memref_squeeze %dma_start3A_16 : memref<1x80x128xi32, #tpu.memory_space<hbm>> -> memref<80x128xi32, #tpu.memory_space<hbm>>
      %dma_start3A_18 = arith.constant 0 : i32
      %dma_start3A_19 = tpu.memref_slice %arg2[%run_scoped3A, %mul3A_9, %dma_start3A_18] : memref<2x2560x128xi32, #tpu.memory_space<hbm>> -> memref<1x80x128xi32, #tpu.memory_space<hbm>>
      %dma_start3A_20 = tpu.memref_squeeze %dma_start3A_19 : memref<1x80x128xi32, #tpu.memory_space<hbm>> -> memref<80x128xi32, #tpu.memory_space<hbm>>
      tpu.enqueue_dma source(%dma_start3A_20 : memref<80x128xi32, #tpu.memory_space<hbm>>) target(%arg4 : memref<80x128xi32, #tpu.memory_space<vmem>>) target_semaphore(%run_scoped3A_15 : memref<!tpu.dma_semaphore, #tpu.memory_space<semaphore_mem>>)
      %dma_wait3A = arith.constant 0 : i32
      %dma_wait3A_21 = tpu.memref_slice %arg2[%run_scoped3A, %mul3A_9, %dma_wait3A] : memref<2x2560x128xi32, #tpu.memory_space<hbm>> -> memref<1x80x128xi32, #tpu.memory_space<hbm>>
      %dma_wait3A_22 = tpu.memref_squeeze %dma_wait3A_21 : memref<1x80x128xi32, #tpu.memory_space<hbm>> -> memref<80x128xi32, #tpu.memory_space<hbm>>
      %dma_wait3A_23 = arith.constant 0 : i32
      %dma_wait3A_24 = tpu.memref_slice %arg2[%run_scoped3A, %mul3A_9, %dma_wait3A_23] : memref<2x2560x128xi32, #tpu.memory_space<hbm>> -> memref<1x80x128xi32, #tpu.memory_space<hbm>>
      %dma_wait3A_25 = tpu.memref_squeeze %dma_wait3A_24 : memref<1x80x128xi32, #tpu.memory_space<hbm>> -> memref<80x128xi32, #tpu.memory_space<hbm>>
      tpu.wait_dma2 semaphore(%run_scoped3A_15 : memref<!tpu.dma_semaphore, #tpu.memory_space<semaphore_mem>>) src(%dma_wait3A_25 : memref<80x128xi32, #tpu.memory_space<hbm>>) dst(%arg4 : memref<80x128xi32, #tpu.memory_space<vmem>>)
      tpu.yield
    }) : () -> ()
    %scan3A_10 = arith.constant 0 : i32
    %scan3A_11 = arith.constant 80 : i32
    %scan3A_12 = arith.addi %scan3A_10, %scan3A_11 : i32
    %scan3A_13 = arith.constant 1 : i32
    scf.for %scan3A_15 = %scan3A_10 to %scan3A_12 step %scan3A_13  : i32 {
      %get3A = arith.index_cast %scan3A_15 : i32 to index
      %get3A_16 = arith.constant 0 : index
      %get3A_17 = tpu.vector_load %arg4[%get3A, %get3A_16] {strides = array<i32>} : memref<80x128xi32, #tpu.memory_space<vmem>>, vector<16xi32>,
      tpu.vector_store_idx %arg5[%get3A_17], %broadcast_in_dim3A_3 {add = true} : memref<10240xf32, #tpu.memory_space<vmem>>[vector<16xi32>], vector<16xf32>,
      %get3A_18 = arith.index_cast %scan3A_15 : i32 to index
      %get3A_19 = arith.constant 16 : index
      %get3A_20 = tpu.vector_load %arg4[%get3A_18, %get3A_19] {strides = array<i32>} : memref<80x128xi32, #tpu.memory_space<vmem>>, vector<16xi32>,
      tpu.vector_store_idx %arg5[%get3A_20], %broadcast_in_dim3A_3 {add = true} : memref<10240xf32, #tpu.memory_space<vmem>>[vector<16xi32>], vector<16xf32>,
      %get3A_21 = arith.index_cast %scan3A_15 : i32 to index
      %get3A_22 = arith.constant 32 : index
      %get3A_23 = tpu.vector_load %arg4[%get3A_21, %get3A_22] {strides = array<i32>} : memref<80x128xi32, #tpu.memory_space<vmem>>, vector<16xi32>,
      tpu.vector_store_idx %arg5[%get3A_23], %broadcast_in_dim3A_3 {add = true} : memref<10240xf32, #tpu.memory_space<vmem>>[vector<16xi32>], vector<16xf32>,
      %get3A_24 = arith.index_cast %scan3A_15 : i32 to index
      %get3A_25 = arith.constant 48 : index
      %get3A_26 = tpu.vector_load %arg4[%get3A_24, %get3A_25] {strides = array<i32>} : memref<80x128xi32, #tpu.memory_space<vmem>>, vector<16xi32>,
      tpu.vector_store_idx %arg5[%get3A_26], %broadcast_in_dim3A_3 {add = true} : memref<10240xf32, #tpu.memory_space<vmem>>[vector<16xi32>], vector<16xf32>,
      %get3A_27 = arith.index_cast %scan3A_15 : i32 to index
      %get3A_28 = arith.constant 64 : index
      %get3A_29 = tpu.vector_load %arg4[%get3A_27, %get3A_28] {strides = array<i32>} : memref<80x128xi32, #tpu.memory_space<vmem>>, vector<16xi32>,
      tpu.vector_store_idx %arg5[%get3A_29], %broadcast_in_dim3A_3 {add = true} : memref<10240xf32, #tpu.memory_space<vmem>>[vector<16xi32>], vector<16xf32>,
      %get3A_30 = arith.index_cast %scan3A_15 : i32 to index
      %get3A_31 = arith.constant 80 : index
      %get3A_32 = tpu.vector_load %arg4[%get3A_30, %get3A_31] {strides = array<i32>} : memref<80x128xi32, #tpu.memory_space<vmem>>, vector<16xi32>,
      tpu.vector_store_idx %arg5[%get3A_32], %broadcast_in_dim3A_3 {add = true} : memref<10240xf32, #tpu.memory_space<vmem>>[vector<16xi32>], vector<16xf32>,
      %get3A_33 = arith.index_cast %scan3A_15 : i32 to index
      %get3A_34 = arith.constant 96 : index
      %get3A_35 = tpu.vector_load %arg4[%get3A_33, %get3A_34] {strides = array<i32>} : memref<80x128xi32, #tpu.memory_space<vmem>>, vector<16xi32>,
      tpu.vector_store_idx %arg5[%get3A_35], %broadcast_in_dim3A_3 {add = true} : memref<10240xf32, #tpu.memory_space<vmem>>[vector<16xi32>], vector<16xf32>,
      %get3A_36 = arith.index_cast %scan3A_15 : i32 to index
      %get3A_37 = arith.constant 112 : index
      %get3A_38 = tpu.vector_load %arg4[%get3A_36, %get3A_37] {strides = array<i32>} : memref<80x128xi32, #tpu.memory_space<vmem>>, vector<16xi32>,
      tpu.vector_store_idx %arg5[%get3A_38], %broadcast_in_dim3A_3 {add = true} : memref<10240xf32, #tpu.memory_space<vmem>>[vector<16xi32>], vector<16xf32>,
    }
    %scan3A_14 = arith.constant 80 : i32
    "tpu.region"() ({
      %run_scoped3A_15 = tpu.sem_alloc : memref<!tpu.dma_semaphore, #tpu.memory_space<semaphore_mem>>
      %dma_start3A = arith.constant 0 : i32
      %dma_start3A_16 = tpu.memref_slice %arg3[%add3A, %dma_start3A] : memref<32x10240xf32, #tpu.memory_space<hbm>> -> memref<1x10240xf32, #tpu.memory_space<hbm>>
      %dma_start3A_17 = tpu.memref_squeeze %dma_start3A_16 : memref<1x10240xf32, #tpu.memory_space<hbm>> -> memref<10240xf32, #tpu.memory_space<hbm>>
      %dma_start3A_18 = arith.constant 0 : i32
      %dma_start3A_19 = tpu.memref_slice %arg3[%add3A, %dma_start3A_18] : memref<32x10240xf32, #tpu.memory_space<hbm>> -> memref<1x10240xf32, #tpu.memory_space<hbm>>
      %dma_start3A_20 = tpu.memref_squeeze %dma_start3A_19 : memref<1x10240xf32, #tpu.memory_space<hbm>> -> memref<10240xf32, #tpu.memory_space<hbm>>
      tpu.enqueue_dma source(%arg5 : memref<10240xf32, #tpu.memory_space<vmem>>) target(%dma_start3A_20 : memref<10240xf32, #tpu.memory_space<hbm>>) target_semaphore(%run_scoped3A_15 : memref<!tpu.dma_semaphore, #tpu.memory_space<semaphore_mem>>)
      %dma_wait3A = arith.constant 0 : i32
      %dma_wait3A_21 = tpu.memref_slice %arg3[%add3A, %dma_wait3A] : memref<32x10240xf32, #tpu.memory_space<hbm>> -> memref<1x10240xf32, #tpu.memory_space<hbm>>
      %dma_wait3A_22 = tpu.memref_squeeze %dma_wait3A_21 : memref<1x10240xf32, #tpu.memory_space<hbm>> -> memref<10240xf32, #tpu.memory_space<hbm>>
      %dma_wait3A_23 = arith.constant 0 : i32
      %dma_wait3A_24 = tpu.memref_slice %arg3[%add3A, %dma_wait3A_23] : memref<32x10240xf32, #tpu.memory_space<hbm>> -> memref<1x10240xf32, #tpu.memory_space<hbm>>
      %dma_wait3A_25 = tpu.memref_squeeze %dma_wait3A_24 : memref<1x10240xf32, #tpu.memory_space<hbm>> -> memref<10240xf32, #tpu.memory_space<hbm>>
      tpu.wait_dma2 semaphore(%run_scoped3A_15 : memref<!tpu.dma_semaphore, #tpu.memory_space<semaphore_mem>>) src(%arg5 : memref<10240xf32, #tpu.memory_space<vmem>>) dst(%dma_wait3A_25 : memref<10240xf32, #tpu.memory_space<hbm>>)
      tpu.yield
    }) : () -> ()
    return
  }
}

#map = affine_map<(d0, d1) -> (0, 0)>
#map1 = affine_map<(d0, d1) -> (0, 0, 0)>
module attributes {stable_mosaic.version = 14 : i64} {
  func.func @body(%arg0: i32, %arg1: i32, %arg2: memref<10240x16xf32, #tpu.memory_space<hbm>>, %arg3: memref<2x2560x128xi32, #tpu.memory_space<hbm>>, %arg4: memref<128x16xf32, #tpu.memory_space<hbm>>, %arg5: memref<2x10240x16xf32, #tpu.memory_space<hbm>>, %arg6: memref<80x128xi32, #tpu.memory_space<vmem>>, %arg7: memref<80x128xi32, #tpu.memory_space<vmem>>, %arg8: memref<8x128x16xf32, #tpu.memory_space<vmem>>, %arg9: memref<10240x16xf32, #tpu.memory_space<vmem_shared>>, %arg10: memref<!tpu.dma_semaphore, #tpu.memory_space<semaphore_mem>>, %arg11: memref<!tpu.dma_semaphore, #tpu.memory_space<semaphore_mem>>, %arg12: memref<!tpu.dma_semaphore, #tpu.memory_space<semaphore_mem>>, %arg13: memref<!tpu.dma_semaphore, #tpu.memory_space<semaphore_mem>>, %arg14: memref<!tpu.dma_semaphore, #tpu.memory_space<semaphore_mem>>, %arg15: memref<!tpu.dma_semaphore, #tpu.memory_space<semaphore_mem>>, %arg16: memref<!tpu.dma_semaphore, #tpu.memory_space<semaphore_mem>>, %arg17: memref<!tpu.dma_semaphore, #tpu.memory_space<semaphore_mem>>) attributes {dimension_semantics = [#tpu.dimension_semantics<core_parallel>, #tpu.dimension_semantics<subcore_parallel>], iteration_bounds = array<i64: 2, 16>, scalar_prefetch = 0 : i64, scratch_operands = 12 : i64, tpu.core_type = #tpu.core_type<sc_vector_subcore>, window_params = [{transform_indices = #map}, {transform_indices = #map1}, {transform_indices = #map}, {transform_indices = #map1}]} {
    %mul3A = arith.constant 2 : i32
    %mul3A_0 = arith.muli %arg1, %mul3A : i32
    %add3A = arith.addi %mul3A_0, %arg0 : i32
    %scan3A = arith.constant 0 : i32
    %scan3A_1 = arith.constant 5 : i32
    %scan3A_2 = arith.addi %scan3A, %scan3A_1 : i32
    %scan3A_3 = arith.constant 1 : i32
    scf.for %scan3A_116 = %scan3A to %scan3A_2 step %scan3A_3  : i32 {
      %mul3A_117 = arith.constant 640 : i32
      %mul3A_118 = arith.muli %arg1, %mul3A_117 : i32
      %mul3A_119 = arith.constant 128 : i32
      %mul3A_120 = arith.muli %scan3A_116, %mul3A_119 : i32
      %add3A_121 = arith.addi %mul3A_118, %mul3A_120 : i32
      "tpu.region"() ({
        %run_scoped3A_122 = tpu.sem_alloc : memref<!tpu.dma_semaphore, #tpu.memory_space<semaphore_mem>>
        %dma_start3A_123 = arith.constant 0 : i32
        %dma_start3A_124 = tpu.memref_slice %arg9[%add3A_121, %dma_start3A_123] : memref<10240x16xf32, #tpu.memory_space<vmem_shared>> -> memref<128x16xf32, #tpu.memory_space<vmem_shared>>
        tpu.enqueue_dma source(%arg4 : memref<128x16xf32, #tpu.memory_space<hbm>>) target(%dma_start3A_124 : memref<128x16xf32, #tpu.memory_space<vmem_shared>>) target_semaphore(%run_scoped3A_122 : memref<!tpu.dma_semaphore, #tpu.memory_space<semaphore_mem>>)
        %dma_wait3A = arith.constant 0 : i32
        %dma_wait3A_125 = tpu.memref_slice %arg9[%add3A_121, %dma_wait3A] : memref<10240x16xf32, #tpu.memory_space<vmem_shared>> -> memref<128x16xf32, #tpu.memory_space<vmem_shared>>
        tpu.wait_dma2 semaphore(%run_scoped3A_122 : memref<!tpu.dma_semaphore, #tpu.memory_space<semaphore_mem>>) src(%arg4 : memref<128x16xf32, #tpu.memory_space<hbm>>) dst(%dma_wait3A_125 : memref<128x16xf32, #tpu.memory_space<vmem_shared>>)
        tpu.yield
      }) : () -> ()
    }
    %scan3A_4 = arith.constant 5 : i32
    %mul3A_5 = arith.constant 80 : i32
    %mul3A_6 = arith.muli %add3A, %mul3A_5 : i32
    %run_scoped3A = arith.constant 0 : i32
    "tpu.region"() ({
      %run_scoped3A_116 = tpu.sem_alloc : memref<!tpu.dma_semaphore, #tpu.memory_space<semaphore_mem>>
      %dma_start3A_117 = arith.constant 0 : i32
      %dma_start3A_118 = tpu.memref_slice %arg3[%run_scoped3A, %mul3A_6, %dma_start3A_117] : memref<2x2560x128xi32, #tpu.memory_space<hbm>> -> memref<1x80x128xi32, #tpu.memory_space<hbm>>
      %dma_start3A_119 = tpu.memref_squeeze %dma_start3A_118 : memref<1x80x128xi32, #tpu.memory_space<hbm>> -> memref<80x128xi32, #tpu.memory_space<hbm>>
      %dma_start3A_120 = arith.constant 0 : i32
      %dma_start3A_121 = tpu.memref_slice %arg3[%run_scoped3A, %mul3A_6, %dma_start3A_120] : memref<2x2560x128xi32, #tpu.memory_space<hbm>> -> memref<1x80x128xi32, #tpu.memory_space<hbm>>
      %dma_start3A_122 = tpu.memref_squeeze %dma_start3A_121 : memref<1x80x128xi32, #tpu.memory_space<hbm>> -> memref<80x128xi32, #tpu.memory_space<hbm>>
      tpu.enqueue_dma source(%dma_start3A_122 : memref<80x128xi32, #tpu.memory_space<hbm>>) target(%arg6 : memref<80x128xi32, #tpu.memory_space<vmem>>) target_semaphore(%run_scoped3A_116 : memref<!tpu.dma_semaphore, #tpu.memory_space<semaphore_mem>>)
      %dma_wait3A = arith.constant 0 : i32
      %dma_wait3A_123 = tpu.memref_slice %arg3[%run_scoped3A, %mul3A_6, %dma_wait3A] : memref<2x2560x128xi32, #tpu.memory_space<hbm>> -> memref<1x80x128xi32, #tpu.memory_space<hbm>>
      %dma_wait3A_124 = tpu.memref_squeeze %dma_wait3A_123 : memref<1x80x128xi32, #tpu.memory_space<hbm>> -> memref<80x128xi32, #tpu.memory_space<hbm>>
      %dma_wait3A_125 = arith.constant 0 : i32
      %dma_wait3A_126 = tpu.memref_slice %arg3[%run_scoped3A, %mul3A_6, %dma_wait3A_125] : memref<2x2560x128xi32, #tpu.memory_space<hbm>> -> memref<1x80x128xi32, #tpu.memory_space<hbm>>
      %dma_wait3A_127 = tpu.memref_squeeze %dma_wait3A_126 : memref<1x80x128xi32, #tpu.memory_space<hbm>> -> memref<80x128xi32, #tpu.memory_space<hbm>>
      tpu.wait_dma2 semaphore(%run_scoped3A_116 : memref<!tpu.dma_semaphore, #tpu.memory_space<semaphore_mem>>) src(%dma_wait3A_127 : memref<80x128xi32, #tpu.memory_space<hbm>>) dst(%arg6 : memref<80x128xi32, #tpu.memory_space<vmem>>)
      tpu.yield
    }) : () -> ()
    %mul3A_7 = arith.constant 80 : i32
    %mul3A_8 = arith.muli %add3A, %mul3A_7 : i32
    %run_scoped3A_9 = arith.constant 1 : i32
    "tpu.region"() ({
      %run_scoped3A_116 = tpu.sem_alloc : memref<!tpu.dma_semaphore, #tpu.memory_space<semaphore_mem>>
      %dma_start3A_117 = arith.constant 0 : i32
      %dma_start3A_118 = tpu.memref_slice %arg3[%run_scoped3A_9, %mul3A_8, %dma_start3A_117] : memref<2x2560x128xi32, #tpu.memory_space<hbm>> -> memref<1x80x128xi32, #tpu.memory_space<hbm>>
      %dma_start3A_119 = tpu.memref_squeeze %dma_start3A_118 : memref<1x80x128xi32, #tpu.memory_space<hbm>> -> memref<80x128xi32, #tpu.memory_space<hbm>>
      %dma_start3A_120 = arith.constant 0 : i32
      %dma_start3A_121 = tpu.memref_slice %arg3[%run_scoped3A_9, %mul3A_8, %dma_start3A_120] : memref<2x2560x128xi32, #tpu.memory_space<hbm>> -> memref<1x80x128xi32, #tpu.memory_space<hbm>>
      %dma_start3A_122 = tpu.memref_squeeze %dma_start3A_121 : memref<1x80x128xi32, #tpu.memory_space<hbm>> -> memref<80x128xi32, #tpu.memory_space<hbm>>
      tpu.enqueue_dma source(%dma_start3A_122 : memref<80x128xi32, #tpu.memory_space<hbm>>) target(%arg7 : memref<80x128xi32, #tpu.memory_space<vmem>>) target_semaphore(%run_scoped3A_116 : memref<!tpu.dma_semaphore, #tpu.memory_space<semaphore_mem>>)
      %dma_wait3A = arith.constant 0 : i32
      %dma_wait3A_123 = tpu.memref_slice %arg3[%run_scoped3A_9, %mul3A_8, %dma_wait3A] : memref<2x2560x128xi32, #tpu.memory_space<hbm>> -> memref<1x80x128xi32, #tpu.memory_space<hbm>>
      %dma_wait3A_124 = tpu.memref_squeeze %dma_wait3A_123 : memref<1x80x128xi32, #tpu.memory_space<hbm>> -> memref<80x128xi32, #tpu.memory_space<hbm>>
      %dma_wait3A_125 = arith.constant 0 : i32
      %dma_wait3A_126 = tpu.memref_slice %arg3[%run_scoped3A_9, %mul3A_8, %dma_wait3A_125] : memref<2x2560x128xi32, #tpu.memory_space<hbm>> -> memref<1x80x128xi32, #tpu.memory_space<hbm>>
      %dma_wait3A_127 = tpu.memref_squeeze %dma_wait3A_126 : memref<1x80x128xi32, #tpu.memory_space<hbm>> -> memref<80x128xi32, #tpu.memory_space<hbm>>
      tpu.wait_dma2 semaphore(%run_scoped3A_116 : memref<!tpu.dma_semaphore, #tpu.memory_space<semaphore_mem>>) src(%dma_wait3A_127 : memref<80x128xi32, #tpu.memory_space<hbm>>) dst(%arg7 : memref<80x128xi32, #tpu.memory_space<vmem>>)
      tpu.yield
    }) : () -> ()
    %barrier3A = arith.constant 0 : index
    tpu.barrier barrier_id(%barrier3A)
    %dma_start3A = arith.constant 0 : i32
    %dma_start3A_10 = arith.constant 0 : i32
    %dma_start3A_11 = arith.constant 0 : i32
    %dma_start3A_12 = arith.constant 0 : i32
    %dma_start3A_13 = tpu.memref_slice %arg8[%dma_start3A_10, %dma_start3A_11, %dma_start3A_12] : memref<8x128x16xf32, #tpu.memory_space<vmem>> -> memref<1x128x16xf32, #tpu.memory_space<vmem>>
    %dma_start3A_14 = tpu.memref_squeeze %dma_start3A_13 : memref<1x128x16xf32, #tpu.memory_space<vmem>> -> memref<128x16xf32, #tpu.memory_space<vmem>>
    %dma_start3A_15 = arith.constant 0 : i32
    %dma_start3A_16 = tpu.memref_slice %arg6[%dma_start3A, %dma_start3A_15] : memref<80x128xi32, #tpu.memory_space<vmem>> -> memref<1x128xi32, #tpu.memory_space<vmem>>
    %dma_start3A_17 = tpu.memref_squeeze %dma_start3A_16 : memref<1x128xi32, #tpu.memory_space<vmem>> -> memref<128xi32, #tpu.memory_space<vmem>>
    %dma_start3A_18 = arith.constant 0 : i32
    %dma_start3A_19 = arith.constant 0 : i32
    %dma_start3A_20 = tpu.memref_slice %arg2[%dma_start3A_18, %dma_start3A_19] : memref<10240x16xf32, #tpu.memory_space<hbm>> -> memref<10240x16xf32, #tpu.memory_space<hbm>>
    tpu.enqueue_indirect_dma source(%dma_start3A_20 : memref<10240x16xf32, #tpu.memory_space<hbm>>) target(%dma_start3A_14 : memref<128x16xf32, #tpu.memory_space<vmem>>) offsets(%dma_start3A_17 : memref<128xi32, #tpu.memory_space<vmem>>) semaphore(%arg10 : memref<!tpu.dma_semaphore, #tpu.memory_space<semaphore_mem>>)
    %dma_start3A_21 = arith.constant 1 : i32
    %dma_start3A_22 = arith.constant 1 : i32
    %dma_start3A_23 = arith.constant 0 : i32
    %dma_start3A_24 = arith.constant 0 : i32
    %dma_start3A_25 = tpu.memref_slice %arg8[%dma_start3A_22, %dma_start3A_23, %dma_start3A_24] : memref<8x128x16xf32, #tpu.memory_space<vmem>> -> memref<1x128x16xf32, #tpu.memory_space<vmem>>
    %dma_start3A_26 = tpu.memref_squeeze %dma_start3A_25 : memref<1x128x16xf32, #tpu.memory_space<vmem>> -> memref<128x16xf32, #tpu.memory_space<vmem>>
    %dma_start3A_27 = arith.constant 0 : i32
    %dma_start3A_28 = tpu.memref_slice %arg6[%dma_start3A_21, %dma_start3A_27] : memref<80x128xi32, #tpu.memory_space<vmem>> -> memref<1x128xi32, #tpu.memory_space<vmem>>
    %dma_start3A_29 = tpu.memref_squeeze %dma_start3A_28 : memref<1x128xi32, #tpu.memory_space<vmem>> -> memref<128xi32, #tpu.memory_space<vmem>>
    %dma_start3A_30 = arith.constant 0 : i32
    %dma_start3A_31 = arith.constant 0 : i32
    %dma_start3A_32 = tpu.memref_slice %arg2[%dma_start3A_30, %dma_start3A_31] : memref<10240x16xf32, #tpu.memory_space<hbm>> -> memref<10240x16xf32, #tpu.memory_space<hbm>>
    tpu.enqueue_indirect_dma source(%dma_start3A_32 : memref<10240x16xf32, #tpu.memory_space<hbm>>) target(%dma_start3A_26 : memref<128x16xf32, #tpu.memory_space<vmem>>) offsets(%dma_start3A_29 : memref<128xi32, #tpu.memory_space<vmem>>) semaphore(%arg11 : memref<!tpu.dma_semaphore, #tpu.memory_space<semaphore_mem>>)
    %dma_start3A_33 = arith.constant 2 : i32
    %dma_start3A_34 = arith.constant 2 : i32
    %dma_start3A_35 = arith.constant 0 : i32
    %dma_start3A_36 = arith.constant 0 : i32
    %dma_start3A_37 = tpu.memref_slice %arg8[%dma_start3A_34, %dma_start3A_35, %dma_start3A_36] : memref<8x128x16xf32, #tpu.memory_space<vmem>> -> memref<1x128x16xf32, #tpu.memory_space<vmem>>
    %dma_start3A_38 = tpu.memref_squeeze %dma_start3A_37 : memref<1x128x16xf32, #tpu.memory_space<vmem>> -> memref<128x16xf32, #tpu.memory_space<vmem>>
    %dma_start3A_39 = arith.constant 0 : i32
    %dma_start3A_40 = tpu.memref_slice %arg6[%dma_start3A_33, %dma_start3A_39] : memref<80x128xi32, #tpu.memory_space<vmem>> -> memref<1x128xi32, #tpu.memory_space<vmem>>
    %dma_start3A_41 = tpu.memref_squeeze %dma_start3A_40 : memref<1x128xi32, #tpu.memory_space<vmem>> -> memref<128xi32, #tpu.memory_space<vmem>>
    %dma_start3A_42 = arith.constant 0 : i32
    %dma_start3A_43 = arith.constant 0 : i32
    %dma_start3A_44 = tpu.memref_slice %arg2[%dma_start3A_42, %dma_start3A_43] : memref<10240x16xf32, #tpu.memory_space<hbm>> -> memref<10240x16xf32, #tpu.memory_space<hbm>>
    tpu.enqueue_indirect_dma source(%dma_start3A_44 : memref<10240x16xf32, #tpu.memory_space<hbm>>) target(%dma_start3A_38 : memref<128x16xf32, #tpu.memory_space<vmem>>) offsets(%dma_start3A_41 : memref<128xi32, #tpu.memory_space<vmem>>) semaphore(%arg12 : memref<!tpu.dma_semaphore, #tpu.memory_space<semaphore_mem>>)
    %dma_start3A_45 = arith.constant 3 : i32
    %dma_start3A_46 = arith.constant 3 : i32
    %dma_start3A_47 = arith.constant 0 : i32
    %dma_start3A_48 = arith.constant 0 : i32
    %dma_start3A_49 = tpu.memref_slice %arg8[%dma_start3A_46, %dma_start3A_47, %dma_start3A_48] : memref<8x128x16xf32, #tpu.memory_space<vmem>> -> memref<1x128x16xf32, #tpu.memory_space<vmem>>
    %dma_start3A_50 = tpu.memref_squeeze %dma_start3A_49 : memref<1x128x16xf32, #tpu.memory_space<vmem>> -> memref<128x16xf32, #tpu.memory_space<vmem>>
    %dma_start3A_51 = arith.constant 0 : i32
    %dma_start3A_52 = tpu.memref_slice %arg6[%dma_start3A_45, %dma_start3A_51] : memref<80x128xi32, #tpu.memory_space<vmem>> -> memref<1x128xi32, #tpu.memory_space<vmem>>
    %dma_start3A_53 = tpu.memref_squeeze %dma_start3A_52 : memref<1x128xi32, #tpu.memory_space<vmem>> -> memref<128xi32, #tpu.memory_space<vmem>>
    %dma_start3A_54 = arith.constant 0 : i32
    %dma_start3A_55 = arith.constant 0 : i32
    %dma_start3A_56 = tpu.memref_slice %arg2[%dma_start3A_54, %dma_start3A_55] : memref<10240x16xf32, #tpu.memory_space<hbm>> -> memref<10240x16xf32, #tpu.memory_space<hbm>>
    tpu.enqueue_indirect_dma source(%dma_start3A_56 : memref<10240x16xf32, #tpu.memory_space<hbm>>) target(%dma_start3A_50 : memref<128x16xf32, #tpu.memory_space<vmem>>) offsets(%dma_start3A_53 : memref<128xi32, #tpu.memory_space<vmem>>) semaphore(%arg13 : memref<!tpu.dma_semaphore, #tpu.memory_space<semaphore_mem>>)
    %dma_start3A_57 = arith.constant 4 : i32
    %dma_start3A_58 = arith.constant 4 : i32
    %dma_start3A_59 = arith.constant 0 : i32
    %dma_start3A_60 = arith.constant 0 : i32
    %dma_start3A_61 = tpu.memref_slice %arg8[%dma_start3A_58, %dma_start3A_59, %dma_start3A_60] : memref<8x128x16xf32, #tpu.memory_space<vmem>> -> memref<1x128x16xf32, #tpu.memory_space<vmem>>
    %dma_start3A_62 = tpu.memref_squeeze %dma_start3A_61 : memref<1x128x16xf32, #tpu.memory_space<vmem>> -> memref<128x16xf32, #tpu.memory_space<vmem>>
    %dma_start3A_63 = arith.constant 0 : i32
    %dma_start3A_64 = tpu.memref_slice %arg6[%dma_start3A_57, %dma_start3A_63] : memref<80x128xi32, #tpu.memory_space<vmem>> -> memref<1x128xi32, #tpu.memory_space<vmem>>
    %dma_start3A_65 = tpu.memref_squeeze %dma_start3A_64 : memref<1x128xi32, #tpu.memory_space<vmem>> -> memref<128xi32, #tpu.memory_space<vmem>>
    %dma_start3A_66 = arith.constant 0 : i32
    %dma_start3A_67 = arith.constant 0 : i32
    %dma_start3A_68 = tpu.memref_slice %arg2[%dma_start3A_66, %dma_start3A_67] : memref<10240x16xf32, #tpu.memory_space<hbm>> -> memref<10240x16xf32, #tpu.memory_space<hbm>>
    tpu.enqueue_indirect_dma source(%dma_start3A_68 : memref<10240x16xf32, #tpu.memory_space<hbm>>) target(%dma_start3A_62 : memref<128x16xf32, #tpu.memory_space<vmem>>) offsets(%dma_start3A_65 : memref<128xi32, #tpu.memory_space<vmem>>) semaphore(%arg14 : memref<!tpu.dma_semaphore, #tpu.memory_space<semaphore_mem>>)
    %dma_start3A_69 = arith.constant 5 : i32
    %dma_start3A_70 = arith.constant 5 : i32
    %dma_start3A_71 = arith.constant 0 : i32
    %dma_start3A_72 = arith.constant 0 : i32
    %dma_start3A_73 = tpu.memref_slice %arg8[%dma_start3A_70, %dma_start3A_71, %dma_start3A_72] : memref<8x128x16xf32, #tpu.memory_space<vmem>> -> memref<1x128x16xf32, #tpu.memory_space<vmem>>
    %dma_start3A_74 = tpu.memref_squeeze %dma_start3A_73 : memref<1x128x16xf32, #tpu.memory_space<vmem>> -> memref<128x16xf32, #tpu.memory_space<vmem>>
    %dma_start3A_75 = arith.constant 0 : i32
    %dma_start3A_76 = tpu.memref_slice %arg6[%dma_start3A_69, %dma_start3A_75] : memref<80x128xi32, #tpu.memory_space<vmem>> -> memref<1x128xi32, #tpu.memory_space<vmem>>
    %dma_start3A_77 = tpu.memref_squeeze %dma_start3A_76 : memref<1x128xi32, #tpu.memory_space<vmem>> -> memref<128xi32, #tpu.memory_space<vmem>>
    %dma_start3A_78 = arith.constant 0 : i32
    %dma_start3A_79 = arith.constant 0 : i32
    %dma_start3A_80 = tpu.memref_slice %arg2[%dma_start3A_78, %dma_start3A_79] : memref<10240x16xf32, #tpu.memory_space<hbm>> -> memref<10240x16xf32, #tpu.memory_space<hbm>>
    tpu.enqueue_indirect_dma source(%dma_start3A_80 : memref<10240x16xf32, #tpu.memory_space<hbm>>) target(%dma_start3A_74 : memref<128x16xf32, #tpu.memory_space<vmem>>) offsets(%dma_start3A_77 : memref<128xi32, #tpu.memory_space<vmem>>) semaphore(%arg15 : memref<!tpu.dma_semaphore, #tpu.memory_space<semaphore_mem>>)
    %dma_start3A_81 = arith.constant 6 : i32
    %dma_start3A_82 = arith.constant 6 : i32
    %dma_start3A_83 = arith.constant 0 : i32
    %dma_start3A_84 = arith.constant 0 : i32
    %dma_start3A_85 = tpu.memref_slice %arg8[%dma_start3A_82, %dma_start3A_83, %dma_start3A_84] : memref<8x128x16xf32, #tpu.memory_space<vmem>> -> memref<1x128x16xf32, #tpu.memory_space<vmem>>
    %dma_start3A_86 = tpu.memref_squeeze %dma_start3A_85 : memref<1x128x16xf32, #tpu.memory_space<vmem>> -> memref<128x16xf32, #tpu.memory_space<vmem>>
    %dma_start3A_87 = arith.constant 0 : i32
    %dma_start3A_88 = tpu.memref_slice %arg6[%dma_start3A_81, %dma_start3A_87] : memref<80x128xi32, #tpu.memory_space<vmem>> -> memref<1x128xi32, #tpu.memory_space<vmem>>
    %dma_start3A_89 = tpu.memref_squeeze %dma_start3A_88 : memref<1x128xi32, #tpu.memory_space<vmem>> -> memref<128xi32, #tpu.memory_space<vmem>>
    %dma_start3A_90 = arith.constant 0 : i32
    %dma_start3A_91 = arith.constant 0 : i32
    %dma_start3A_92 = tpu.memref_slice %arg2[%dma_start3A_90, %dma_start3A_91] : memref<10240x16xf32, #tpu.memory_space<hbm>> -> memref<10240x16xf32, #tpu.memory_space<hbm>>
    tpu.enqueue_indirect_dma source(%dma_start3A_92 : memref<10240x16xf32, #tpu.memory_space<hbm>>) target(%dma_start3A_86 : memref<128x16xf32, #tpu.memory_space<vmem>>) offsets(%dma_start3A_89 : memref<128xi32, #tpu.memory_space<vmem>>) semaphore(%arg16 : memref<!tpu.dma_semaphore, #tpu.memory_space<semaphore_mem>>)
    %dma_start3A_93 = arith.constant 7 : i32
    %dma_start3A_94 = arith.constant 7 : i32
    %dma_start3A_95 = arith.constant 0 : i32
    %dma_start3A_96 = arith.constant 0 : i32
    %dma_start3A_97 = tpu.memref_slice %arg8[%dma_start3A_94, %dma_start3A_95, %dma_start3A_96] : memref<8x128x16xf32, #tpu.memory_space<vmem>> -> memref<1x128x16xf32, #tpu.memory_space<vmem>>
    %dma_start3A_98 = tpu.memref_squeeze %dma_start3A_97 : memref<1x128x16xf32, #tpu.memory_space<vmem>> -> memref<128x16xf32, #tpu.memory_space<vmem>>
    %dma_start3A_99 = arith.constant 0 : i32
    %dma_start3A_100 = tpu.memref_slice %arg6[%dma_start3A_93, %dma_start3A_99] : memref<80x128xi32, #tpu.memory_space<vmem>> -> memref<1x128xi32, #tpu.memory_space<vmem>>
    %dma_start3A_101 = tpu.memref_squeeze %dma_start3A_100 : memref<1x128xi32, #tpu.memory_space<vmem>> -> memref<128xi32, #tpu.memory_space<vmem>>
    %dma_start3A_102 = arith.constant 0 : i32
    %dma_start3A_103 = arith.constant 0 : i32
    %dma_start3A_104 = tpu.memref_slice %arg2[%dma_start3A_102, %dma_start3A_103] : memref<10240x16xf32, #tpu.memory_space<hbm>> -> memref<10240x16xf32, #tpu.memory_space<hbm>>
    tpu.enqueue_indirect_dma source(%dma_start3A_104 : memref<10240x16xf32, #tpu.memory_space<hbm>>) target(%dma_start3A_98 : memref<128x16xf32, #tpu.memory_space<vmem>>) offsets(%dma_start3A_101 : memref<128xi32, #tpu.memory_space<vmem>>) semaphore(%arg17 : memref<!tpu.dma_semaphore, #tpu.memory_space<semaphore_mem>>)
    %scan3A_105 = arith.constant 0 : i32
    %scan3A_106 = arith.constant 10 : i32
    %scan3A_107 = arith.addi %scan3A_105, %scan3A_106 : i32
    %scan3A_108 = arith.constant 1 : i32
    scf.for %scan3A_116 = %scan3A_105 to %scan3A_107 step %scan3A_108  : i32 {
      %mul3A_117 = arith.constant 8 : i32
      %mul3A_118 = arith.muli %scan3A_116, %mul3A_117 : i32
      %add3A_119 = arith.constant 0 : i32
      %add3A_120 = arith.addi %mul3A_118, %add3A_119 : i32
      %dma_wait3A = arith.constant 0 : i32
      %dma_wait3A_121 = arith.constant 0 : i32
      %dma_wait3A_122 = arith.constant 0 : i32
      %dma_wait3A_123 = tpu.memref_slice %arg8[%dma_wait3A, %dma_wait3A_121, %dma_wait3A_122] : memref<8x128x16xf32, #tpu.memory_space<vmem>> -> memref<1x128x16xf32, #tpu.memory_space<vmem>>
      %dma_wait3A_124 = tpu.memref_squeeze %dma_wait3A_123 : memref<1x128x16xf32, #tpu.memory_space<vmem>> -> memref<128x16xf32, #tpu.memory_space<vmem>>
      %dma_wait3A_125 = arith.constant 0 : i32
      %dma_wait3A_126 = tpu.memref_slice %arg6[%add3A_120, %dma_wait3A_125] : memref<80x128xi32, #tpu.memory_space<vmem>> -> memref<1x128xi32, #tpu.memory_space<vmem>>
      %dma_wait3A_127 = tpu.memref_squeeze %dma_wait3A_126 : memref<1x128xi32, #tpu.memory_space<vmem>> -> memref<128xi32, #tpu.memory_space<vmem>>
      %dma_wait3A_128 = arith.constant 0 : i32
      %dma_wait3A_129 = arith.constant 0 : i32
      %dma_wait3A_130 = tpu.memref_slice %arg2[%dma_wait3A_128, %dma_wait3A_129] : memref<10240x16xf32, #tpu.memory_space<hbm>> -> memref<10240x16xf32, #tpu.memory_space<hbm>>
      tpu.wait_indirect_dma semaphore(%arg10 : memref<!tpu.dma_semaphore, #tpu.memory_space<semaphore_mem>>) src(%dma_wait3A_130 : memref<10240x16xf32, #tpu.memory_space<hbm>>) dst(%dma_wait3A_124 : memref<128x16xf32, #tpu.memory_space<vmem>>)
      %run_scoped3A_131 = arith.constant 0 : i32
      "tpu.region"() ({
        %run_scoped3A_297 = tpu.sem_alloc : memref<!tpu.dma_semaphore, #tpu.memory_space<semaphore_mem>>
        %dma_start3A_298 = arith.constant 0 : i32
        %dma_start3A_299 = arith.constant 0 : i32
        %dma_start3A_300 = tpu.memref_slice %arg8[%run_scoped3A_131, %dma_start3A_298, %dma_start3A_299] : memref<8x128x16xf32, #tpu.memory_space<vmem>> -> memref<1x128x16xf32, #tpu.memory_space<vmem>>
        %dma_start3A_301 = tpu.memref_squeeze %dma_start3A_300 : memref<1x128x16xf32, #tpu.memory_space<vmem>> -> memref<128x16xf32, #tpu.memory_space<vmem>>
        %dma_start3A_302 = arith.constant 0 : i32
        %dma_start3A_303 = tpu.memref_slice %arg7[%add3A_120, %dma_start3A_302] : memref<80x128xi32, #tpu.memory_space<vmem>> -> memref<1x128xi32, #tpu.memory_space<vmem>>
        %dma_start3A_304 = tpu.memref_squeeze %dma_start3A_303 : memref<1x128xi32, #tpu.memory_space<vmem>> -> memref<128xi32, #tpu.memory_space<vmem>>
        %dma_start3A_305 = arith.constant 0 : i32
        %dma_start3A_306 = arith.constant 0 : i32
        %dma_start3A_307 = tpu.memref_slice %arg9[%dma_start3A_305, %dma_start3A_306] : memref<10240x16xf32, #tpu.memory_space<vmem_shared>> -> memref<10240x16xf32, #tpu.memory_space<vmem_shared>>
        tpu.enqueue_indirect_dma source(%dma_start3A_301 : memref<128x16xf32, #tpu.memory_space<vmem>>) target(%dma_start3A_307 : memref<10240x16xf32, #tpu.memory_space<vmem_shared>>) offsets(%dma_start3A_304 : memref<128xi32, #tpu.memory_space<vmem>>) semaphore(%run_scoped3A_297 : memref<!tpu.dma_semaphore, #tpu.memory_space<semaphore_mem>>) {add = true}
        %dma_wait3A_308 = arith.constant 0 : i32
        %dma_wait3A_309 = arith.constant 0 : i32
        %dma_wait3A_310 = tpu.memref_slice %arg8[%run_scoped3A_131, %dma_wait3A_308, %dma_wait3A_309] : memref<8x128x16xf32, #tpu.memory_space<vmem>> -> memref<1x128x16xf32, #tpu.memory_space<vmem>>
        %dma_wait3A_311 = tpu.memref_squeeze %dma_wait3A_310 : memref<1x128x16xf32, #tpu.memory_space<vmem>> -> memref<128x16xf32, #tpu.memory_space<vmem>>
        %dma_wait3A_312 = arith.constant 0 : i32
        %dma_wait3A_313 = tpu.memref_slice %arg7[%add3A_120, %dma_wait3A_312] : memref<80x128xi32, #tpu.memory_space<vmem>> -> memref<1x128xi32, #tpu.memory_space<vmem>>
        %dma_wait3A_314 = tpu.memref_squeeze %dma_wait3A_313 : memref<1x128xi32, #tpu.memory_space<vmem>> -> memref<128xi32, #tpu.memory_space<vmem>>
        %dma_wait3A_315 = arith.constant 0 : i32
        %dma_wait3A_316 = arith.constant 0 : i32
        %dma_wait3A_317 = tpu.memref_slice %arg9[%dma_wait3A_315, %dma_wait3A_316] : memref<10240x16xf32, #tpu.memory_space<vmem_shared>> -> memref<10240x16xf32, #tpu.memory_space<vmem_shared>>
        tpu.wait_indirect_dma semaphore(%run_scoped3A_297 : memref<!tpu.dma_semaphore, #tpu.memory_space<semaphore_mem>>) src(%dma_wait3A_311 : memref<128x16xf32, #tpu.memory_space<vmem>>) dst(%dma_wait3A_317 : memref<10240x16xf32, #tpu.memory_space<vmem_shared>>)
        tpu.yield
      }) : () -> ()
      %add3A_132 = arith.constant 8 : i32
      %add3A_133 = arith.addi %add3A_120, %add3A_132 : i32
      %lt3A = arith.constant 80 : i32
      %lt3A_134 = arith.cmpi slt, %add3A_133, %lt3A : i32
      %convert_element_type3A = arith.extui %lt3A_134 : i1 to i32
      %cond3A = arith.constant 0 : i32
      %cond3A_135 = arith.cmpi ne, %convert_element_type3A, %cond3A : i32
      scf.if %cond3A_135 {
        %add3A_297 = arith.constant 8 : i32
        %add3A_298 = arith.addi %add3A_120, %add3A_297 : i32
        %dma_start3A_299 = arith.constant 0 : i32
        %dma_start3A_300 = arith.constant 0 : i32
        %dma_start3A_301 = arith.constant 0 : i32
        %dma_start3A_302 = tpu.memref_slice %arg8[%dma_start3A_299, %dma_start3A_300, %dma_start3A_301] : memref<8x128x16xf32, #tpu.memory_space<vmem>> -> memref<1x128x16xf32, #tpu.memory_space<vmem>>
        %dma_start3A_303 = tpu.memref_squeeze %dma_start3A_302 : memref<1x128x16xf32, #tpu.memory_space<vmem>> -> memref<128x16xf32, #tpu.memory_space<vmem>>
        %dma_start3A_304 = arith.constant 0 : i32
        %dma_start3A_305 = tpu.memref_slice %arg6[%add3A_298, %dma_start3A_304] : memref<80x128xi32, #tpu.memory_space<vmem>> -> memref<1x128xi32, #tpu.memory_space<vmem>>
        %dma_start3A_306 = tpu.memref_squeeze %dma_start3A_305 : memref<1x128xi32, #tpu.memory_space<vmem>> -> memref<128xi32, #tpu.memory_space<vmem>>
        %dma_start3A_307 = arith.constant 0 : i32
        %dma_start3A_308 = arith.constant 0 : i32
        %dma_start3A_309 = tpu.memref_slice %arg2[%dma_start3A_307, %dma_start3A_308] : memref<10240x16xf32, #tpu.memory_space<hbm>> -> memref<10240x16xf32, #tpu.memory_space<hbm>>
        tpu.enqueue_indirect_dma source(%dma_start3A_309 : memref<10240x16xf32, #tpu.memory_space<hbm>>) target(%dma_start3A_303 : memref<128x16xf32, #tpu.memory_space<vmem>>) offsets(%dma_start3A_306 : memref<128xi32, #tpu.memory_space<vmem>>) semaphore(%arg10 : memref<!tpu.dma_semaphore, #tpu.memory_space<semaphore_mem>>)
      } else {
      }
      %mul3A_136 = arith.constant 8 : i32
      %mul3A_137 = arith.muli %scan3A_116, %mul3A_136 : i32
      %add3A_138 = arith.constant 1 : i32
      %add3A_139 = arith.addi %mul3A_137, %add3A_138 : i32
      %dma_wait3A_140 = arith.constant 1 : i32
      %dma_wait3A_141 = arith.constant 0 : i32
      %dma_wait3A_142 = arith.constant 0 : i32
      %dma_wait3A_143 = tpu.memref_slice %arg8[%dma_wait3A_140, %dma_wait3A_141, %dma_wait3A_142] : memref<8x128x16xf32, #tpu.memory_space<vmem>> -> memref<1x128x16xf32, #tpu.memory_space<vmem>>
      %dma_wait3A_144 = tpu.memref_squeeze %dma_wait3A_143 : memref<1x128x16xf32, #tpu.memory_space<vmem>> -> memref<128x16xf32, #tpu.memory_space<vmem>>
      %dma_wait3A_145 = arith.constant 0 : i32
      %dma_wait3A_146 = tpu.memref_slice %arg6[%add3A_139, %dma_wait3A_145] : memref<80x128xi32, #tpu.memory_space<vmem>> -> memref<1x128xi32, #tpu.memory_space<vmem>>
      %dma_wait3A_147 = tpu.memref_squeeze %dma_wait3A_146 : memref<1x128xi32, #tpu.memory_space<vmem>> -> memref<128xi32, #tpu.memory_space<vmem>>
      %dma_wait3A_148 = arith.constant 0 : i32
      %dma_wait3A_149 = arith.constant 0 : i32
      %dma_wait3A_150 = tpu.memref_slice %arg2[%dma_wait3A_148, %dma_wait3A_149] : memref<10240x16xf32, #tpu.memory_space<hbm>> -> memref<10240x16xf32, #tpu.memory_space<hbm>>
      tpu.wait_indirect_dma semaphore(%arg11 : memref<!tpu.dma_semaphore, #tpu.memory_space<semaphore_mem>>) src(%dma_wait3A_150 : memref<10240x16xf32, #tpu.memory_space<hbm>>) dst(%dma_wait3A_144 : memref<128x16xf32, #tpu.memory_space<vmem>>)
      %run_scoped3A_151 = arith.constant 1 : i32
      "tpu.region"() ({
        %run_scoped3A_297 = tpu.sem_alloc : memref<!tpu.dma_semaphore, #tpu.memory_space<semaphore_mem>>
        %dma_start3A_298 = arith.constant 0 : i32
        %dma_start3A_299 = arith.constant 0 : i32
        %dma_start3A_300 = tpu.memref_slice %arg8[%run_scoped3A_151, %dma_start3A_298, %dma_start3A_299] : memref<8x128x16xf32, #tpu.memory_space<vmem>> -> memref<1x128x16xf32, #tpu.memory_space<vmem>>
        %dma_start3A_301 = tpu.memref_squeeze %dma_start3A_300 : memref<1x128x16xf32, #tpu.memory_space<vmem>> -> memref<128x16xf32, #tpu.memory_space<vmem>>
        %dma_start3A_302 = arith.constant 0 : i32
        %dma_start3A_303 = tpu.memref_slice %arg7[%add3A_139, %dma_start3A_302] : memref<80x128xi32, #tpu.memory_space<vmem>> -> memref<1x128xi32, #tpu.memory_space<vmem>>
        %dma_start3A_304 = tpu.memref_squeeze %dma_start3A_303 : memref<1x128xi32, #tpu.memory_space<vmem>> -> memref<128xi32, #tpu.memory_space<vmem>>
        %dma_start3A_305 = arith.constant 0 : i32
        %dma_start3A_306 = arith.constant 0 : i32
        %dma_start3A_307 = tpu.memref_slice %arg9[%dma_start3A_305, %dma_start3A_306] : memref<10240x16xf32, #tpu.memory_space<vmem_shared>> -> memref<10240x16xf32, #tpu.memory_space<vmem_shared>>
        tpu.enqueue_indirect_dma source(%dma_start3A_301 : memref<128x16xf32, #tpu.memory_space<vmem>>) target(%dma_start3A_307 : memref<10240x16xf32, #tpu.memory_space<vmem_shared>>) offsets(%dma_start3A_304 : memref<128xi32, #tpu.memory_space<vmem>>) semaphore(%run_scoped3A_297 : memref<!tpu.dma_semaphore, #tpu.memory_space<semaphore_mem>>) {add = true}
        %dma_wait3A_308 = arith.constant 0 : i32
        %dma_wait3A_309 = arith.constant 0 : i32
        %dma_wait3A_310 = tpu.memref_slice %arg8[%run_scoped3A_151, %dma_wait3A_308, %dma_wait3A_309] : memref<8x128x16xf32, #tpu.memory_space<vmem>> -> memref<1x128x16xf32, #tpu.memory_space<vmem>>
        %dma_wait3A_311 = tpu.memref_squeeze %dma_wait3A_310 : memref<1x128x16xf32, #tpu.memory_space<vmem>> -> memref<128x16xf32, #tpu.memory_space<vmem>>
        %dma_wait3A_312 = arith.constant 0 : i32
        %dma_wait3A_313 = tpu.memref_slice %arg7[%add3A_139, %dma_wait3A_312] : memref<80x128xi32, #tpu.memory_space<vmem>> -> memref<1x128xi32, #tpu.memory_space<vmem>>
        %dma_wait3A_314 = tpu.memref_squeeze %dma_wait3A_313 : memref<1x128xi32, #tpu.memory_space<vmem>> -> memref<128xi32, #tpu.memory_space<vmem>>
        %dma_wait3A_315 = arith.constant 0 : i32
        %dma_wait3A_316 = arith.constant 0 : i32
        %dma_wait3A_317 = tpu.memref_slice %arg9[%dma_wait3A_315, %dma_wait3A_316] : memref<10240x16xf32, #tpu.memory_space<vmem_shared>> -> memref<10240x16xf32, #tpu.memory_space<vmem_shared>>
        tpu.wait_indirect_dma semaphore(%run_scoped3A_297 : memref<!tpu.dma_semaphore, #tpu.memory_space<semaphore_mem>>) src(%dma_wait3A_311 : memref<128x16xf32, #tpu.memory_space<vmem>>) dst(%dma_wait3A_317 : memref<10240x16xf32, #tpu.memory_space<vmem_shared>>)
        tpu.yield
      }) : () -> ()
      %add3A_152 = arith.constant 8 : i32
      %add3A_153 = arith.addi %add3A_139, %add3A_152 : i32
      %lt3A_154 = arith.constant 80 : i32
      %lt3A_155 = arith.cmpi slt, %add3A_153, %lt3A_154 : i32
      %convert_element_type3A_156 = arith.extui %lt3A_155 : i1 to i32
      %cond3A_157 = arith.constant 0 : i32
      %cond3A_158 = arith.cmpi ne, %convert_element_type3A_156, %cond3A_157 : i32
      scf.if %cond3A_158 {
        %add3A_297 = arith.constant 8 : i32
        %add3A_298 = arith.addi %add3A_139, %add3A_297 : i32
        %dma_start3A_299 = arith.constant 1 : i32
        %dma_start3A_300 = arith.constant 0 : i32
        %dma_start3A_301 = arith.constant 0 : i32
        %dma_start3A_302 = tpu.memref_slice %arg8[%dma_start3A_299, %dma_start3A_300, %dma_start3A_301] : memref<8x128x16xf32, #tpu.memory_space<vmem>> -> memref<1x128x16xf32, #tpu.memory_space<vmem>>
        %dma_start3A_303 = tpu.memref_squeeze %dma_start3A_302 : memref<1x128x16xf32, #tpu.memory_space<vmem>> -> memref<128x16xf32, #tpu.memory_space<vmem>>
        %dma_start3A_304 = arith.constant 0 : i32
        %dma_start3A_305 = tpu.memref_slice %arg6[%add3A_298, %dma_start3A_304] : memref<80x128xi32, #tpu.memory_space<vmem>> -> memref<1x128xi32, #tpu.memory_space<vmem>>
        %dma_start3A_306 = tpu.memref_squeeze %dma_start3A_305 : memref<1x128xi32, #tpu.memory_space<vmem>> -> memref<128xi32, #tpu.memory_space<vmem>>
        %dma_start3A_307 = arith.constant 0 : i32
        %dma_start3A_308 = arith.constant 0 : i32
        %dma_start3A_309 = tpu.memref_slice %arg2[%dma_start3A_307, %dma_start3A_308] : memref<10240x16xf32, #tpu.memory_space<hbm>> -> memref<10240x16xf32, #tpu.memory_space<hbm>>
        tpu.enqueue_indirect_dma source(%dma_start3A_309 : memref<10240x16xf32, #tpu.memory_space<hbm>>) target(%dma_start3A_303 : memref<128x16xf32, #tpu.memory_space<vmem>>) offsets(%dma_start3A_306 : memref<128xi32, #tpu.memory_space<vmem>>) semaphore(%arg11 : memref<!tpu.dma_semaphore, #tpu.memory_space<semaphore_mem>>)
      } else {
      }
      %mul3A_159 = arith.constant 8 : i32
      %mul3A_160 = arith.muli %scan3A_116, %mul3A_159 : i32
      %add3A_161 = arith.constant 2 : i32
      %add3A_162 = arith.addi %mul3A_160, %add3A_161 : i32
      %dma_wait3A_163 = arith.constant 2 : i32
      %dma_wait3A_164 = arith.constant 0 : i32
      %dma_wait3A_165 = arith.constant 0 : i32
      %dma_wait3A_166 = tpu.memref_slice %arg8[%dma_wait3A_163, %dma_wait3A_164, %dma_wait3A_165] : memref<8x128x16xf32, #tpu.memory_space<vmem>> -> memref<1x128x16xf32, #tpu.memory_space<vmem>>
      %dma_wait3A_167 = tpu.memref_squeeze %dma_wait3A_166 : memref<1x128x16xf32, #tpu.memory_space<vmem>> -> memref<128x16xf32, #tpu.memory_space<vmem>>
      %dma_wait3A_168 = arith.constant 0 : i32
      %dma_wait3A_169 = tpu.memref_slice %arg6[%add3A_162, %dma_wait3A_168] : memref<80x128xi32, #tpu.memory_space<vmem>> -> memref<1x128xi32, #tpu.memory_space<vmem>>
      %dma_wait3A_170 = tpu.memref_squeeze %dma_wait3A_169 : memref<1x128xi32, #tpu.memory_space<vmem>> -> memref<128xi32, #tpu.memory_space<vmem>>
      %dma_wait3A_171 = arith.constant 0 : i32
      %dma_wait3A_172 = arith.constant 0 : i32
      %dma_wait3A_173 = tpu.memref_slice %arg2[%dma_wait3A_171, %dma_wait3A_172] : memref<10240x16xf32, #tpu.memory_space<hbm>> -> memref<10240x16xf32, #tpu.memory_space<hbm>>
      tpu.wait_indirect_dma semaphore(%arg12 : memref<!tpu.dma_semaphore, #tpu.memory_space<semaphore_mem>>) src(%dma_wait3A_173 : memref<10240x16xf32, #tpu.memory_space<hbm>>) dst(%dma_wait3A_167 : memref<128x16xf32, #tpu.memory_space<vmem>>)
      %run_scoped3A_174 = arith.constant 2 : i32
      "tpu.region"() ({
        %run_scoped3A_297 = tpu.sem_alloc : memref<!tpu.dma_semaphore, #tpu.memory_space<semaphore_mem>>
        %dma_start3A_298 = arith.constant 0 : i32
        %dma_start3A_299 = arith.constant 0 : i32
        %dma_start3A_300 = tpu.memref_slice %arg8[%run_scoped3A_174, %dma_start3A_298, %dma_start3A_299] : memref<8x128x16xf32, #tpu.memory_space<vmem>> -> memref<1x128x16xf32, #tpu.memory_space<vmem>>
        %dma_start3A_301 = tpu.memref_squeeze %dma_start3A_300 : memref<1x128x16xf32, #tpu.memory_space<vmem>> -> memref<128x16xf32, #tpu.memory_space<vmem>>
        %dma_start3A_302 = arith.constant 0 : i32
        %dma_start3A_303 = tpu.memref_slice %arg7[%add3A_162, %dma_start3A_302] : memref<80x128xi32, #tpu.memory_space<vmem>> -> memref<1x128xi32, #tpu.memory_space<vmem>>
        %dma_start3A_304 = tpu.memref_squeeze %dma_start3A_303 : memref<1x128xi32, #tpu.memory_space<vmem>> -> memref<128xi32, #tpu.memory_space<vmem>>
        %dma_start3A_305 = arith.constant 0 : i32
        %dma_start3A_306 = arith.constant 0 : i32
        %dma_start3A_307 = tpu.memref_slice %arg9[%dma_start3A_305, %dma_start3A_306] : memref<10240x16xf32, #tpu.memory_space<vmem_shared>> -> memref<10240x16xf32, #tpu.memory_space<vmem_shared>>
        tpu.enqueue_indirect_dma source(%dma_start3A_301 : memref<128x16xf32, #tpu.memory_space<vmem>>) target(%dma_start3A_307 : memref<10240x16xf32, #tpu.memory_space<vmem_shared>>) offsets(%dma_start3A_304 : memref<128xi32, #tpu.memory_space<vmem>>) semaphore(%run_scoped3A_297 : memref<!tpu.dma_semaphore, #tpu.memory_space<semaphore_mem>>) {add = true}
        %dma_wait3A_308 = arith.constant 0 : i32
        %dma_wait3A_309 = arith.constant 0 : i32
        %dma_wait3A_310 = tpu.memref_slice %arg8[%run_scoped3A_174, %dma_wait3A_308, %dma_wait3A_309] : memref<8x128x16xf32, #tpu.memory_space<vmem>> -> memref<1x128x16xf32, #tpu.memory_space<vmem>>
        %dma_wait3A_311 = tpu.memref_squeeze %dma_wait3A_310 : memref<1x128x16xf32, #tpu.memory_space<vmem>> -> memref<128x16xf32, #tpu.memory_space<vmem>>
        %dma_wait3A_312 = arith.constant 0 : i32
        %dma_wait3A_313 = tpu.memref_slice %arg7[%add3A_162, %dma_wait3A_312] : memref<80x128xi32, #tpu.memory_space<vmem>> -> memref<1x128xi32, #tpu.memory_space<vmem>>
        %dma_wait3A_314 = tpu.memref_squeeze %dma_wait3A_313 : memref<1x128xi32, #tpu.memory_space<vmem>> -> memref<128xi32, #tpu.memory_space<vmem>>
        %dma_wait3A_315 = arith.constant 0 : i32
        %dma_wait3A_316 = arith.constant 0 : i32
        %dma_wait3A_317 = tpu.memref_slice %arg9[%dma_wait3A_315, %dma_wait3A_316] : memref<10240x16xf32, #tpu.memory_space<vmem_shared>> -> memref<10240x16xf32, #tpu.memory_space<vmem_shared>>
        tpu.wait_indirect_dma semaphore(%run_scoped3A_297 : memref<!tpu.dma_semaphore, #tpu.memory_space<semaphore_mem>>) src(%dma_wait3A_311 : memref<128x16xf32, #tpu.memory_space<vmem>>) dst(%dma_wait3A_317 : memref<10240x16xf32, #tpu.memory_space<vmem_shared>>)
        tpu.yield
      }) : () -> ()
      %add3A_175 = arith.constant 8 : i32
      %add3A_176 = arith.addi %add3A_162, %add3A_175 : i32
      %lt3A_177 = arith.constant 80 : i32
      %lt3A_178 = arith.cmpi slt, %add3A_176, %lt3A_177 : i32
      %convert_element_type3A_179 = arith.extui %lt3A_178 : i1 to i32
      %cond3A_180 = arith.constant 0 : i32
      %cond3A_181 = arith.cmpi ne, %convert_element_type3A_179, %cond3A_180 : i32
      scf.if %cond3A_181 {
        %add3A_297 = arith.constant 8 : i32
        %add3A_298 = arith.addi %add3A_162, %add3A_297 : i32
        %dma_start3A_299 = arith.constant 2 : i32
        %dma_start3A_300 = arith.constant 0 : i32
        %dma_start3A_301 = arith.constant 0 : i32
        %dma_start3A_302 = tpu.memref_slice %arg8[%dma_start3A_299, %dma_start3A_300, %dma_start3A_301] : memref<8x128x16xf32, #tpu.memory_space<vmem>> -> memref<1x128x16xf32, #tpu.memory_space<vmem>>
        %dma_start3A_303 = tpu.memref_squeeze %dma_start3A_302 : memref<1x128x16xf32, #tpu.memory_space<vmem>> -> memref<128x16xf32, #tpu.memory_space<vmem>>
        %dma_start3A_304 = arith.constant 0 : i32
        %dma_start3A_305 = tpu.memref_slice %arg6[%add3A_298, %dma_start3A_304] : memref<80x128xi32, #tpu.memory_space<vmem>> -> memref<1x128xi32, #tpu.memory_space<vmem>>
        %dma_start3A_306 = tpu.memref_squeeze %dma_start3A_305 : memref<1x128xi32, #tpu.memory_space<vmem>> -> memref<128xi32, #tpu.memory_space<vmem>>
        %dma_start3A_307 = arith.constant 0 : i32
        %dma_start3A_308 = arith.constant 0 : i32
        %dma_start3A_309 = tpu.memref_slice %arg2[%dma_start3A_307, %dma_start3A_308] : memref<10240x16xf32, #tpu.memory_space<hbm>> -> memref<10240x16xf32, #tpu.memory_space<hbm>>
        tpu.enqueue_indirect_dma source(%dma_start3A_309 : memref<10240x16xf32, #tpu.memory_space<hbm>>) target(%dma_start3A_303 : memref<128x16xf32, #tpu.memory_space<vmem>>) offsets(%dma_start3A_306 : memref<128xi32, #tpu.memory_space<vmem>>) semaphore(%arg12 : memref<!tpu.dma_semaphore, #tpu.memory_space<semaphore_mem>>)
      } else {
      }
      %mul3A_182 = arith.constant 8 : i32
      %mul3A_183 = arith.muli %scan3A_116, %mul3A_182 : i32
      %add3A_184 = arith.constant 3 : i32
      %add3A_185 = arith.addi %mul3A_183, %add3A_184 : i32
      %dma_wait3A_186 = arith.constant 3 : i32
      %dma_wait3A_187 = arith.constant 0 : i32
      %dma_wait3A_188 = arith.constant 0 : i32
      %dma_wait3A_189 = tpu.memref_slice %arg8[%dma_wait3A_186, %dma_wait3A_187, %dma_wait3A_188] : memref<8x128x16xf32, #tpu.memory_space<vmem>> -> memref<1x128x16xf32, #tpu.memory_space<vmem>>
      %dma_wait3A_190 = tpu.memref_squeeze %dma_wait3A_189 : memref<1x128x16xf32, #tpu.memory_space<vmem>> -> memref<128x16xf32, #tpu.memory_space<vmem>>
      %dma_wait3A_191 = arith.constant 0 : i32
      %dma_wait3A_192 = tpu.memref_slice %arg6[%add3A_185, %dma_wait3A_191] : memref<80x128xi32, #tpu.memory_space<vmem>> -> memref<1x128xi32, #tpu.memory_space<vmem>>
      %dma_wait3A_193 = tpu.memref_squeeze %dma_wait3A_192 : memref<1x128xi32, #tpu.memory_space<vmem>> -> memref<128xi32, #tpu.memory_space<vmem>>
      %dma_wait3A_194 = arith.constant 0 : i32
      %dma_wait3A_195 = arith.constant 0 : i32
      %dma_wait3A_196 = tpu.memref_slice %arg2[%dma_wait3A_194, %dma_wait3A_195] : memref<10240x16xf32, #tpu.memory_space<hbm>> -> memref<10240x16xf32, #tpu.memory_space<hbm>>
      tpu.wait_indirect_dma semaphore(%arg13 : memref<!tpu.dma_semaphore, #tpu.memory_space<semaphore_mem>>) src(%dma_wait3A_196 : memref<10240x16xf32, #tpu.memory_space<hbm>>) dst(%dma_wait3A_190 : memref<128x16xf32, #tpu.memory_space<vmem>>)
      %run_scoped3A_197 = arith.constant 3 : i32
      "tpu.region"() ({
        %run_scoped3A_297 = tpu.sem_alloc : memref<!tpu.dma_semaphore, #tpu.memory_space<semaphore_mem>>
        %dma_start3A_298 = arith.constant 0 : i32
        %dma_start3A_299 = arith.constant 0 : i32
        %dma_start3A_300 = tpu.memref_slice %arg8[%run_scoped3A_197, %dma_start3A_298, %dma_start3A_299] : memref<8x128x16xf32, #tpu.memory_space<vmem>> -> memref<1x128x16xf32, #tpu.memory_space<vmem>>
        %dma_start3A_301 = tpu.memref_squeeze %dma_start3A_300 : memref<1x128x16xf32, #tpu.memory_space<vmem>> -> memref<128x16xf32, #tpu.memory_space<vmem>>
        %dma_start3A_302 = arith.constant 0 : i32
        %dma_start3A_303 = tpu.memref_slice %arg7[%add3A_185, %dma_start3A_302] : memref<80x128xi32, #tpu.memory_space<vmem>> -> memref<1x128xi32, #tpu.memory_space<vmem>>
        %dma_start3A_304 = tpu.memref_squeeze %dma_start3A_303 : memref<1x128xi32, #tpu.memory_space<vmem>> -> memref<128xi32, #tpu.memory_space<vmem>>
        %dma_start3A_305 = arith.constant 0 : i32
        %dma_start3A_306 = arith.constant 0 : i32
        %dma_start3A_307 = tpu.memref_slice %arg9[%dma_start3A_305, %dma_start3A_306] : memref<10240x16xf32, #tpu.memory_space<vmem_shared>> -> memref<10240x16xf32, #tpu.memory_space<vmem_shared>>
        tpu.enqueue_indirect_dma source(%dma_start3A_301 : memref<128x16xf32, #tpu.memory_space<vmem>>) target(%dma_start3A_307 : memref<10240x16xf32, #tpu.memory_space<vmem_shared>>) offsets(%dma_start3A_304 : memref<128xi32, #tpu.memory_space<vmem>>) semaphore(%run_scoped3A_297 : memref<!tpu.dma_semaphore, #tpu.memory_space<semaphore_mem>>) {add = true}
        %dma_wait3A_308 = arith.constant 0 : i32
        %dma_wait3A_309 = arith.constant 0 : i32
        %dma_wait3A_310 = tpu.memref_slice %arg8[%run_scoped3A_197, %dma_wait3A_308, %dma_wait3A_309] : memref<8x128x16xf32, #tpu.memory_space<vmem>> -> memref<1x128x16xf32, #tpu.memory_space<vmem>>
        %dma_wait3A_311 = tpu.memref_squeeze %dma_wait3A_310 : memref<1x128x16xf32, #tpu.memory_space<vmem>> -> memref<128x16xf32, #tpu.memory_space<vmem>>
        %dma_wait3A_312 = arith.constant 0 : i32
        %dma_wait3A_313 = tpu.memref_slice %arg7[%add3A_185, %dma_wait3A_312] : memref<80x128xi32, #tpu.memory_space<vmem>> -> memref<1x128xi32, #tpu.memory_space<vmem>>
        %dma_wait3A_314 = tpu.memref_squeeze %dma_wait3A_313 : memref<1x128xi32, #tpu.memory_space<vmem>> -> memref<128xi32, #tpu.memory_space<vmem>>
        %dma_wait3A_315 = arith.constant 0 : i32
        %dma_wait3A_316 = arith.constant 0 : i32
        %dma_wait3A_317 = tpu.memref_slice %arg9[%dma_wait3A_315, %dma_wait3A_316] : memref<10240x16xf32, #tpu.memory_space<vmem_shared>> -> memref<10240x16xf32, #tpu.memory_space<vmem_shared>>
        tpu.wait_indirect_dma semaphore(%run_scoped3A_297 : memref<!tpu.dma_semaphore, #tpu.memory_space<semaphore_mem>>) src(%dma_wait3A_311 : memref<128x16xf32, #tpu.memory_space<vmem>>) dst(%dma_wait3A_317 : memref<10240x16xf32, #tpu.memory_space<vmem_shared>>)
        tpu.yield
      }) : () -> ()
      %add3A_198 = arith.constant 8 : i32
      %add3A_199 = arith.addi %add3A_185, %add3A_198 : i32
      %lt3A_200 = arith.constant 80 : i32
      %lt3A_201 = arith.cmpi slt, %add3A_199, %lt3A_200 : i32
      %convert_element_type3A_202 = arith.extui %lt3A_201 : i1 to i32
      %cond3A_203 = arith.constant 0 : i32
      %cond3A_204 = arith.cmpi ne, %convert_element_type3A_202, %cond3A_203 : i32
      scf.if %cond3A_204 {
        %add3A_297 = arith.constant 8 : i32
        %add3A_298 = arith.addi %add3A_185, %add3A_297 : i32
        %dma_start3A_299 = arith.constant 3 : i32
        %dma_start3A_300 = arith.constant 0 : i32
        %dma_start3A_301 = arith.constant 0 : i32
        %dma_start3A_302 = tpu.memref_slice %arg8[%dma_start3A_299, %dma_start3A_300, %dma_start3A_301] : memref<8x128x16xf32, #tpu.memory_space<vmem>> -> memref<1x128x16xf32, #tpu.memory_space<vmem>>
        %dma_start3A_303 = tpu.memref_squeeze %dma_start3A_302 : memref<1x128x16xf32, #tpu.memory_space<vmem>> -> memref<128x16xf32, #tpu.memory_space<vmem>>
        %dma_start3A_304 = arith.constant 0 : i32
        %dma_start3A_305 = tpu.memref_slice %arg6[%add3A_298, %dma_start3A_304] : memref<80x128xi32, #tpu.memory_space<vmem>> -> memref<1x128xi32, #tpu.memory_space<vmem>>
        %dma_start3A_306 = tpu.memref_squeeze %dma_start3A_305 : memref<1x128xi32, #tpu.memory_space<vmem>> -> memref<128xi32, #tpu.memory_space<vmem>>
        %dma_start3A_307 = arith.constant 0 : i32
        %dma_start3A_308 = arith.constant 0 : i32
        %dma_start3A_309 = tpu.memref_slice %arg2[%dma_start3A_307, %dma_start3A_308] : memref<10240x16xf32, #tpu.memory_space<hbm>> -> memref<10240x16xf32, #tpu.memory_space<hbm>>
        tpu.enqueue_indirect_dma source(%dma_start3A_309 : memref<10240x16xf32, #tpu.memory_space<hbm>>) target(%dma_start3A_303 : memref<128x16xf32, #tpu.memory_space<vmem>>) offsets(%dma_start3A_306 : memref<128xi32, #tpu.memory_space<vmem>>) semaphore(%arg13 : memref<!tpu.dma_semaphore, #tpu.memory_space<semaphore_mem>>)
      } else {
      }
      %mul3A_205 = arith.constant 8 : i32
      %mul3A_206 = arith.muli %scan3A_116, %mul3A_205 : i32
      %add3A_207 = arith.constant 4 : i32
      %add3A_208 = arith.addi %mul3A_206, %add3A_207 : i32
      %dma_wait3A_209 = arith.constant 4 : i32
      %dma_wait3A_210 = arith.constant 0 : i32
      %dma_wait3A_211 = arith.constant 0 : i32
      %dma_wait3A_212 = tpu.memref_slice %arg8[%dma_wait3A_209, %dma_wait3A_210, %dma_wait3A_211] : memref<8x128x16xf32, #tpu.memory_space<vmem>> -> memref<1x128x16xf32, #tpu.memory_space<vmem>>
      %dma_wait3A_213 = tpu.memref_squeeze %dma_wait3A_212 : memref<1x128x16xf32, #tpu.memory_space<vmem>> -> memref<128x16xf32, #tpu.memory_space<vmem>>
      %dma_wait3A_214 = arith.constant 0 : i32
      %dma_wait3A_215 = tpu.memref_slice %arg6[%add3A_208, %dma_wait3A_214] : memref<80x128xi32, #tpu.memory_space<vmem>> -> memref<1x128xi32, #tpu.memory_space<vmem>>
      %dma_wait3A_216 = tpu.memref_squeeze %dma_wait3A_215 : memref<1x128xi32, #tpu.memory_space<vmem>> -> memref<128xi32, #tpu.memory_space<vmem>>
      %dma_wait3A_217 = arith.constant 0 : i32
      %dma_wait3A_218 = arith.constant 0 : i32
      %dma_wait3A_219 = tpu.memref_slice %arg2[%dma_wait3A_217, %dma_wait3A_218] : memref<10240x16xf32, #tpu.memory_space<hbm>> -> memref<10240x16xf32, #tpu.memory_space<hbm>>
      tpu.wait_indirect_dma semaphore(%arg14 : memref<!tpu.dma_semaphore, #tpu.memory_space<semaphore_mem>>) src(%dma_wait3A_219 : memref<10240x16xf32, #tpu.memory_space<hbm>>) dst(%dma_wait3A_213 : memref<128x16xf32, #tpu.memory_space<vmem>>)
      %run_scoped3A_220 = arith.constant 4 : i32
      "tpu.region"() ({
        %run_scoped3A_297 = tpu.sem_alloc : memref<!tpu.dma_semaphore, #tpu.memory_space<semaphore_mem>>
        %dma_start3A_298 = arith.constant 0 : i32
        %dma_start3A_299 = arith.constant 0 : i32
        %dma_start3A_300 = tpu.memref_slice %arg8[%run_scoped3A_220, %dma_start3A_298, %dma_start3A_299] : memref<8x128x16xf32, #tpu.memory_space<vmem>> -> memref<1x128x16xf32, #tpu.memory_space<vmem>>
        %dma_start3A_301 = tpu.memref_squeeze %dma_start3A_300 : memref<1x128x16xf32, #tpu.memory_space<vmem>> -> memref<128x16xf32, #tpu.memory_space<vmem>>
        %dma_start3A_302 = arith.constant 0 : i32
        %dma_start3A_303 = tpu.memref_slice %arg7[%add3A_208, %dma_start3A_302] : memref<80x128xi32, #tpu.memory_space<vmem>> -> memref<1x128xi32, #tpu.memory_space<vmem>>
        %dma_start3A_304 = tpu.memref_squeeze %dma_start3A_303 : memref<1x128xi32, #tpu.memory_space<vmem>> -> memref<128xi32, #tpu.memory_space<vmem>>
        %dma_start3A_305 = arith.constant 0 : i32
        %dma_start3A_306 = arith.constant 0 : i32
        %dma_start3A_307 = tpu.memref_slice %arg9[%dma_start3A_305, %dma_start3A_306] : memref<10240x16xf32, #tpu.memory_space<vmem_shared>> -> memref<10240x16xf32, #tpu.memory_space<vmem_shared>>
        tpu.enqueue_indirect_dma source(%dma_start3A_301 : memref<128x16xf32, #tpu.memory_space<vmem>>) target(%dma_start3A_307 : memref<10240x16xf32, #tpu.memory_space<vmem_shared>>) offsets(%dma_start3A_304 : memref<128xi32, #tpu.memory_space<vmem>>) semaphore(%run_scoped3A_297 : memref<!tpu.dma_semaphore, #tpu.memory_space<semaphore_mem>>) {add = true}
        %dma_wait3A_308 = arith.constant 0 : i32
        %dma_wait3A_309 = arith.constant 0 : i32
        %dma_wait3A_310 = tpu.memref_slice %arg8[%run_scoped3A_220, %dma_wait3A_308, %dma_wait3A_309] : memref<8x128x16xf32, #tpu.memory_space<vmem>> -> memref<1x128x16xf32, #tpu.memory_space<vmem>>
        %dma_wait3A_311 = tpu.memref_squeeze %dma_wait3A_310 : memref<1x128x16xf32, #tpu.memory_space<vmem>> -> memref<128x16xf32, #tpu.memory_space<vmem>>
        %dma_wait3A_312 = arith.constant 0 : i32
        %dma_wait3A_313 = tpu.memref_slice %arg7[%add3A_208, %dma_wait3A_312] : memref<80x128xi32, #tpu.memory_space<vmem>> -> memref<1x128xi32, #tpu.memory_space<vmem>>
        %dma_wait3A_314 = tpu.memref_squeeze %dma_wait3A_313 : memref<1x128xi32, #tpu.memory_space<vmem>> -> memref<128xi32, #tpu.memory_space<vmem>>
        %dma_wait3A_315 = arith.constant 0 : i32
        %dma_wait3A_316 = arith.constant 0 : i32
        %dma_wait3A_317 = tpu.memref_slice %arg9[%dma_wait3A_315, %dma_wait3A_316] : memref<10240x16xf32, #tpu.memory_space<vmem_shared>> -> memref<10240x16xf32, #tpu.memory_space<vmem_shared>>
        tpu.wait_indirect_dma semaphore(%run_scoped3A_297 : memref<!tpu.dma_semaphore, #tpu.memory_space<semaphore_mem>>) src(%dma_wait3A_311 : memref<128x16xf32, #tpu.memory_space<vmem>>) dst(%dma_wait3A_317 : memref<10240x16xf32, #tpu.memory_space<vmem_shared>>)
        tpu.yield
      }) : () -> ()
      %add3A_221 = arith.constant 8 : i32
      %add3A_222 = arith.addi %add3A_208, %add3A_221 : i32
      %lt3A_223 = arith.constant 80 : i32
      %lt3A_224 = arith.cmpi slt, %add3A_222, %lt3A_223 : i32
      %convert_element_type3A_225 = arith.extui %lt3A_224 : i1 to i32
      %cond3A_226 = arith.constant 0 : i32
      %cond3A_227 = arith.cmpi ne, %convert_element_type3A_225, %cond3A_226 : i32
      scf.if %cond3A_227 {
        %add3A_297 = arith.constant 8 : i32
        %add3A_298 = arith.addi %add3A_208, %add3A_297 : i32
        %dma_start3A_299 = arith.constant 4 : i32
        %dma_start3A_300 = arith.constant 0 : i32
        %dma_start3A_301 = arith.constant 0 : i32
        %dma_start3A_302 = tpu.memref_slice %arg8[%dma_start3A_299, %dma_start3A_300, %dma_start3A_301] : memref<8x128x16xf32, #tpu.memory_space<vmem>> -> memref<1x128x16xf32, #tpu.memory_space<vmem>>
        %dma_start3A_303 = tpu.memref_squeeze %dma_start3A_302 : memref<1x128x16xf32, #tpu.memory_space<vmem>> -> memref<128x16xf32, #tpu.memory_space<vmem>>
        %dma_start3A_304 = arith.constant 0 : i32
        %dma_start3A_305 = tpu.memref_slice %arg6[%add3A_298, %dma_start3A_304] : memref<80x128xi32, #tpu.memory_space<vmem>> -> memref<1x128xi32, #tpu.memory_space<vmem>>
        %dma_start3A_306 = tpu.memref_squeeze %dma_start3A_305 : memref<1x128xi32, #tpu.memory_space<vmem>> -> memref<128xi32, #tpu.memory_space<vmem>>
        %dma_start3A_307 = arith.constant 0 : i32
        %dma_start3A_308 = arith.constant 0 : i32
        %dma_start3A_309 = tpu.memref_slice %arg2[%dma_start3A_307, %dma_start3A_308] : memref<10240x16xf32, #tpu.memory_space<hbm>> -> memref<10240x16xf32, #tpu.memory_space<hbm>>
        tpu.enqueue_indirect_dma source(%dma_start3A_309 : memref<10240x16xf32, #tpu.memory_space<hbm>>) target(%dma_start3A_303 : memref<128x16xf32, #tpu.memory_space<vmem>>) offsets(%dma_start3A_306 : memref<128xi32, #tpu.memory_space<vmem>>) semaphore(%arg14 : memref<!tpu.dma_semaphore, #tpu.memory_space<semaphore_mem>>)
      } else {
      }
      %mul3A_228 = arith.constant 8 : i32
      %mul3A_229 = arith.muli %scan3A_116, %mul3A_228 : i32
      %add3A_230 = arith.constant 5 : i32
      %add3A_231 = arith.addi %mul3A_229, %add3A_230 : i32
      %dma_wait3A_232 = arith.constant 5 : i32
      %dma_wait3A_233 = arith.constant 0 : i32
      %dma_wait3A_234 = arith.constant 0 : i32
      %dma_wait3A_235 = tpu.memref_slice %arg8[%dma_wait3A_232, %dma_wait3A_233, %dma_wait3A_234] : memref<8x128x16xf32, #tpu.memory_space<vmem>> -> memref<1x128x16xf32, #tpu.memory_space<vmem>>
      %dma_wait3A_236 = tpu.memref_squeeze %dma_wait3A_235 : memref<1x128x16xf32, #tpu.memory_space<vmem>> -> memref<128x16xf32, #tpu.memory_space<vmem>>
      %dma_wait3A_237 = arith.constant 0 : i32
      %dma_wait3A_238 = tpu.memref_slice %arg6[%add3A_231, %dma_wait3A_237] : memref<80x128xi32, #tpu.memory_space<vmem>> -> memref<1x128xi32, #tpu.memory_space<vmem>>
      %dma_wait3A_239 = tpu.memref_squeeze %dma_wait3A_238 : memref<1x128xi32, #tpu.memory_space<vmem>> -> memref<128xi32, #tpu.memory_space<vmem>>
      %dma_wait3A_240 = arith.constant 0 : i32
      %dma_wait3A_241 = arith.constant 0 : i32
      %dma_wait3A_242 = tpu.memref_slice %arg2[%dma_wait3A_240, %dma_wait3A_241] : memref<10240x16xf32, #tpu.memory_space<hbm>> -> memref<10240x16xf32, #tpu.memory_space<hbm>>
      tpu.wait_indirect_dma semaphore(%arg15 : memref<!tpu.dma_semaphore, #tpu.memory_space<semaphore_mem>>) src(%dma_wait3A_242 : memref<10240x16xf32, #tpu.memory_space<hbm>>) dst(%dma_wait3A_236 : memref<128x16xf32, #tpu.memory_space<vmem>>)
      %run_scoped3A_243 = arith.constant 5 : i32
      "tpu.region"() ({
        %run_scoped3A_297 = tpu.sem_alloc : memref<!tpu.dma_semaphore, #tpu.memory_space<semaphore_mem>>
        %dma_start3A_298 = arith.constant 0 : i32
        %dma_start3A_299 = arith.constant 0 : i32
        %dma_start3A_300 = tpu.memref_slice %arg8[%run_scoped3A_243, %dma_start3A_298, %dma_start3A_299] : memref<8x128x16xf32, #tpu.memory_space<vmem>> -> memref<1x128x16xf32, #tpu.memory_space<vmem>>
        %dma_start3A_301 = tpu.memref_squeeze %dma_start3A_300 : memref<1x128x16xf32, #tpu.memory_space<vmem>> -> memref<128x16xf32, #tpu.memory_space<vmem>>
        %dma_start3A_302 = arith.constant 0 : i32
        %dma_start3A_303 = tpu.memref_slice %arg7[%add3A_231, %dma_start3A_302] : memref<80x128xi32, #tpu.memory_space<vmem>> -> memref<1x128xi32, #tpu.memory_space<vmem>>
        %dma_start3A_304 = tpu.memref_squeeze %dma_start3A_303 : memref<1x128xi32, #tpu.memory_space<vmem>> -> memref<128xi32, #tpu.memory_space<vmem>>
        %dma_start3A_305 = arith.constant 0 : i32
        %dma_start3A_306 = arith.constant 0 : i32
        %dma_start3A_307 = tpu.memref_slice %arg9[%dma_start3A_305, %dma_start3A_306] : memref<10240x16xf32, #tpu.memory_space<vmem_shared>> -> memref<10240x16xf32, #tpu.memory_space<vmem_shared>>
        tpu.enqueue_indirect_dma source(%dma_start3A_301 : memref<128x16xf32, #tpu.memory_space<vmem>>) target(%dma_start3A_307 : memref<10240x16xf32, #tpu.memory_space<vmem_shared>>) offsets(%dma_start3A_304 : memref<128xi32, #tpu.memory_space<vmem>>) semaphore(%run_scoped3A_297 : memref<!tpu.dma_semaphore, #tpu.memory_space<semaphore_mem>>) {add = true}
        %dma_wait3A_308 = arith.constant 0 : i32
        %dma_wait3A_309 = arith.constant 0 : i32
        %dma_wait3A_310 = tpu.memref_slice %arg8[%run_scoped3A_243, %dma_wait3A_308, %dma_wait3A_309] : memref<8x128x16xf32, #tpu.memory_space<vmem>> -> memref<1x128x16xf32, #tpu.memory_space<vmem>>
        %dma_wait3A_311 = tpu.memref_squeeze %dma_wait3A_310 : memref<1x128x16xf32, #tpu.memory_space<vmem>> -> memref<128x16xf32, #tpu.memory_space<vmem>>
        %dma_wait3A_312 = arith.constant 0 : i32
        %dma_wait3A_313 = tpu.memref_slice %arg7[%add3A_231, %dma_wait3A_312] : memref<80x128xi32, #tpu.memory_space<vmem>> -> memref<1x128xi32, #tpu.memory_space<vmem>>
        %dma_wait3A_314 = tpu.memref_squeeze %dma_wait3A_313 : memref<1x128xi32, #tpu.memory_space<vmem>> -> memref<128xi32, #tpu.memory_space<vmem>>
        %dma_wait3A_315 = arith.constant 0 : i32
        %dma_wait3A_316 = arith.constant 0 : i32
        %dma_wait3A_317 = tpu.memref_slice %arg9[%dma_wait3A_315, %dma_wait3A_316] : memref<10240x16xf32, #tpu.memory_space<vmem_shared>> -> memref<10240x16xf32, #tpu.memory_space<vmem_shared>>
        tpu.wait_indirect_dma semaphore(%run_scoped3A_297 : memref<!tpu.dma_semaphore, #tpu.memory_space<semaphore_mem>>) src(%dma_wait3A_311 : memref<128x16xf32, #tpu.memory_space<vmem>>) dst(%dma_wait3A_317 : memref<10240x16xf32, #tpu.memory_space<vmem_shared>>)
        tpu.yield
      }) : () -> ()
      %add3A_244 = arith.constant 8 : i32
      %add3A_245 = arith.addi %add3A_231, %add3A_244 : i32
      %lt3A_246 = arith.constant 80 : i32
      %lt3A_247 = arith.cmpi slt, %add3A_245, %lt3A_246 : i32
      %convert_element_type3A_248 = arith.extui %lt3A_247 : i1 to i32
      %cond3A_249 = arith.constant 0 : i32
      %cond3A_250 = arith.cmpi ne, %convert_element_type3A_248, %cond3A_249 : i32
      scf.if %cond3A_250 {
        %add3A_297 = arith.constant 8 : i32
        %add3A_298 = arith.addi %add3A_231, %add3A_297 : i32
        %dma_start3A_299 = arith.constant 5 : i32
        %dma_start3A_300 = arith.constant 0 : i32
        %dma_start3A_301 = arith.constant 0 : i32
        %dma_start3A_302 = tpu.memref_slice %arg8[%dma_start3A_299, %dma_start3A_300, %dma_start3A_301] : memref<8x128x16xf32, #tpu.memory_space<vmem>> -> memref<1x128x16xf32, #tpu.memory_space<vmem>>
        %dma_start3A_303 = tpu.memref_squeeze %dma_start3A_302 : memref<1x128x16xf32, #tpu.memory_space<vmem>> -> memref<128x16xf32, #tpu.memory_space<vmem>>
        %dma_start3A_304 = arith.constant 0 : i32
        %dma_start3A_305 = tpu.memref_slice %arg6[%add3A_298, %dma_start3A_304] : memref<80x128xi32, #tpu.memory_space<vmem>> -> memref<1x128xi32, #tpu.memory_space<vmem>>
        %dma_start3A_306 = tpu.memref_squeeze %dma_start3A_305 : memref<1x128xi32, #tpu.memory_space<vmem>> -> memref<128xi32, #tpu.memory_space<vmem>>
        %dma_start3A_307 = arith.constant 0 : i32
        %dma_start3A_308 = arith.constant 0 : i32
        %dma_start3A_309 = tpu.memref_slice %arg2[%dma_start3A_307, %dma_start3A_308] : memref<10240x16xf32, #tpu.memory_space<hbm>> -> memref<10240x16xf32, #tpu.memory_space<hbm>>
        tpu.enqueue_indirect_dma source(%dma_start3A_309 : memref<10240x16xf32, #tpu.memory_space<hbm>>) target(%dma_start3A_303 : memref<128x16xf32, #tpu.memory_space<vmem>>) offsets(%dma_start3A_306 : memref<128xi32, #tpu.memory_space<vmem>>) semaphore(%arg15 : memref<!tpu.dma_semaphore, #tpu.memory_space<semaphore_mem>>)
      } else {
      }
      %mul3A_251 = arith.constant 8 : i32
      %mul3A_252 = arith.muli %scan3A_116, %mul3A_251 : i32
      %add3A_253 = arith.constant 6 : i32
      %add3A_254 = arith.addi %mul3A_252, %add3A_253 : i32
      %dma_wait3A_255 = arith.constant 6 : i32
      %dma_wait3A_256 = arith.constant 0 : i32
      %dma_wait3A_257 = arith.constant 0 : i32
      %dma_wait3A_258 = tpu.memref_slice %arg8[%dma_wait3A_255, %dma_wait3A_256, %dma_wait3A_257] : memref<8x128x16xf32, #tpu.memory_space<vmem>> -> memref<1x128x16xf32, #tpu.memory_space<vmem>>
      %dma_wait3A_259 = tpu.memref_squeeze %dma_wait3A_258 : memref<1x128x16xf32, #tpu.memory_space<vmem>> -> memref<128x16xf32, #tpu.memory_space<vmem>>
      %dma_wait3A_260 = arith.constant 0 : i32
      %dma_wait3A_261 = tpu.memref_slice %arg6[%add3A_254, %dma_wait3A_260] : memref<80x128xi32, #tpu.memory_space<vmem>> -> memref<1x128xi32, #tpu.memory_space<vmem>>
      %dma_wait3A_262 = tpu.memref_squeeze %dma_wait3A_261 : memref<1x128xi32, #tpu.memory_space<vmem>> -> memref<128xi32, #tpu.memory_space<vmem>>
      %dma_wait3A_263 = arith.constant 0 : i32
      %dma_wait3A_264 = arith.constant 0 : i32
      %dma_wait3A_265 = tpu.memref_slice %arg2[%dma_wait3A_263, %dma_wait3A_264] : memref<10240x16xf32, #tpu.memory_space<hbm>> -> memref<10240x16xf32, #tpu.memory_space<hbm>>
      tpu.wait_indirect_dma semaphore(%arg16 : memref<!tpu.dma_semaphore, #tpu.memory_space<semaphore_mem>>) src(%dma_wait3A_265 : memref<10240x16xf32, #tpu.memory_space<hbm>>) dst(%dma_wait3A_259 : memref<128x16xf32, #tpu.memory_space<vmem>>)
      %run_scoped3A_266 = arith.constant 6 : i32
      "tpu.region"() ({
        %run_scoped3A_297 = tpu.sem_alloc : memref<!tpu.dma_semaphore, #tpu.memory_space<semaphore_mem>>
        %dma_start3A_298 = arith.constant 0 : i32
        %dma_start3A_299 = arith.constant 0 : i32
        %dma_start3A_300 = tpu.memref_slice %arg8[%run_scoped3A_266, %dma_start3A_298, %dma_start3A_299] : memref<8x128x16xf32, #tpu.memory_space<vmem>> -> memref<1x128x16xf32, #tpu.memory_space<vmem>>
        %dma_start3A_301 = tpu.memref_squeeze %dma_start3A_300 : memref<1x128x16xf32, #tpu.memory_space<vmem>> -> memref<128x16xf32, #tpu.memory_space<vmem>>
        %dma_start3A_302 = arith.constant 0 : i32
        %dma_start3A_303 = tpu.memref_slice %arg7[%add3A_254, %dma_start3A_302] : memref<80x128xi32, #tpu.memory_space<vmem>> -> memref<1x128xi32, #tpu.memory_space<vmem>>
        %dma_start3A_304 = tpu.memref_squeeze %dma_start3A_303 : memref<1x128xi32, #tpu.memory_space<vmem>> -> memref<128xi32, #tpu.memory_space<vmem>>
        %dma_start3A_305 = arith.constant 0 : i32
        %dma_start3A_306 = arith.constant 0 : i32
        %dma_start3A_307 = tpu.memref_slice %arg9[%dma_start3A_305, %dma_start3A_306] : memref<10240x16xf32, #tpu.memory_space<vmem_shared>> -> memref<10240x16xf32, #tpu.memory_space<vmem_shared>>
        tpu.enqueue_indirect_dma source(%dma_start3A_301 : memref<128x16xf32, #tpu.memory_space<vmem>>) target(%dma_start3A_307 : memref<10240x16xf32, #tpu.memory_space<vmem_shared>>) offsets(%dma_start3A_304 : memref<128xi32, #tpu.memory_space<vmem>>) semaphore(%run_scoped3A_297 : memref<!tpu.dma_semaphore, #tpu.memory_space<semaphore_mem>>) {add = true}
        %dma_wait3A_308 = arith.constant 0 : i32
        %dma_wait3A_309 = arith.constant 0 : i32
        %dma_wait3A_310 = tpu.memref_slice %arg8[%run_scoped3A_266, %dma_wait3A_308, %dma_wait3A_309] : memref<8x128x16xf32, #tpu.memory_space<vmem>> -> memref<1x128x16xf32, #tpu.memory_space<vmem>>
        %dma_wait3A_311 = tpu.memref_squeeze %dma_wait3A_310 : memref<1x128x16xf32, #tpu.memory_space<vmem>> -> memref<128x16xf32, #tpu.memory_space<vmem>>
        %dma_wait3A_312 = arith.constant 0 : i32
        %dma_wait3A_313 = tpu.memref_slice %arg7[%add3A_254, %dma_wait3A_312] : memref<80x128xi32, #tpu.memory_space<vmem>> -> memref<1x128xi32, #tpu.memory_space<vmem>>
        %dma_wait3A_314 = tpu.memref_squeeze %dma_wait3A_313 : memref<1x128xi32, #tpu.memory_space<vmem>> -> memref<128xi32, #tpu.memory_space<vmem>>
        %dma_wait3A_315 = arith.constant 0 : i32
        %dma_wait3A_316 = arith.constant 0 : i32
        %dma_wait3A_317 = tpu.memref_slice %arg9[%dma_wait3A_315, %dma_wait3A_316] : memref<10240x16xf32, #tpu.memory_space<vmem_shared>> -> memref<10240x16xf32, #tpu.memory_space<vmem_shared>>
        tpu.wait_indirect_dma semaphore(%run_scoped3A_297 : memref<!tpu.dma_semaphore, #tpu.memory_space<semaphore_mem>>) src(%dma_wait3A_311 : memref<128x16xf32, #tpu.memory_space<vmem>>) dst(%dma_wait3A_317 : memref<10240x16xf32, #tpu.memory_space<vmem_shared>>)
        tpu.yield
      }) : () -> ()
      %add3A_267 = arith.constant 8 : i32
      %add3A_268 = arith.addi %add3A_254, %add3A_267 : i32
      %lt3A_269 = arith.constant 80 : i32
      %lt3A_270 = arith.cmpi slt, %add3A_268, %lt3A_269 : i32
      %convert_element_type3A_271 = arith.extui %lt3A_270 : i1 to i32
      %cond3A_272 = arith.constant 0 : i32
      %cond3A_273 = arith.cmpi ne, %convert_element_type3A_271, %cond3A_272 : i32
      scf.if %cond3A_273 {
        %add3A_297 = arith.constant 8 : i32
        %add3A_298 = arith.addi %add3A_254, %add3A_297 : i32
        %dma_start3A_299 = arith.constant 6 : i32
        %dma_start3A_300 = arith.constant 0 : i32
        %dma_start3A_301 = arith.constant 0 : i32
        %dma_start3A_302 = tpu.memref_slice %arg8[%dma_start3A_299, %dma_start3A_300, %dma_start3A_301] : memref<8x128x16xf32, #tpu.memory_space<vmem>> -> memref<1x128x16xf32, #tpu.memory_space<vmem>>
        %dma_start3A_303 = tpu.memref_squeeze %dma_start3A_302 : memref<1x128x16xf32, #tpu.memory_space<vmem>> -> memref<128x16xf32, #tpu.memory_space<vmem>>
        %dma_start3A_304 = arith.constant 0 : i32
        %dma_start3A_305 = tpu.memref_slice %arg6[%add3A_298, %dma_start3A_304] : memref<80x128xi32, #tpu.memory_space<vmem>> -> memref<1x128xi32, #tpu.memory_space<vmem>>
        %dma_start3A_306 = tpu.memref_squeeze %dma_start3A_305 : memref<1x128xi32, #tpu.memory_space<vmem>> -> memref<128xi32, #tpu.memory_space<vmem>>
        %dma_start3A_307 = arith.constant 0 : i32
        %dma_start3A_308 = arith.constant 0 : i32
        %dma_start3A_309 = tpu.memref_slice %arg2[%dma_start3A_307, %dma_start3A_308] : memref<10240x16xf32, #tpu.memory_space<hbm>> -> memref<10240x16xf32, #tpu.memory_space<hbm>>
        tpu.enqueue_indirect_dma source(%dma_start3A_309 : memref<10240x16xf32, #tpu.memory_space<hbm>>) target(%dma_start3A_303 : memref<128x16xf32, #tpu.memory_space<vmem>>) offsets(%dma_start3A_306 : memref<128xi32, #tpu.memory_space<vmem>>) semaphore(%arg16 : memref<!tpu.dma_semaphore, #tpu.memory_space<semaphore_mem>>)
      } else {
      }
      %mul3A_274 = arith.constant 8 : i32
      %mul3A_275 = arith.muli %scan3A_116, %mul3A_274 : i32
      %add3A_276 = arith.constant 7 : i32
      %add3A_277 = arith.addi %mul3A_275, %add3A_276 : i32
      %dma_wait3A_278 = arith.constant 7 : i32
      %dma_wait3A_279 = arith.constant 0 : i32
      %dma_wait3A_280 = arith.constant 0 : i32
      %dma_wait3A_281 = tpu.memref_slice %arg8[%dma_wait3A_278, %dma_wait3A_279, %dma_wait3A_280] : memref<8x128x16xf32, #tpu.memory_space<vmem>> -> memref<1x128x16xf32, #tpu.memory_space<vmem>>
      %dma_wait3A_282 = tpu.memref_squeeze %dma_wait3A_281 : memref<1x128x16xf32, #tpu.memory_space<vmem>> -> memref<128x16xf32, #tpu.memory_space<vmem>>
      %dma_wait3A_283 = arith.constant 0 : i32
      %dma_wait3A_284 = tpu.memref_slice %arg6[%add3A_277, %dma_wait3A_283] : memref<80x128xi32, #tpu.memory_space<vmem>> -> memref<1x128xi32, #tpu.memory_space<vmem>>
      %dma_wait3A_285 = tpu.memref_squeeze %dma_wait3A_284 : memref<1x128xi32, #tpu.memory_space<vmem>> -> memref<128xi32, #tpu.memory_space<vmem>>
      %dma_wait3A_286 = arith.constant 0 : i32
      %dma_wait3A_287 = arith.constant 0 : i32
      %dma_wait3A_288 = tpu.memref_slice %arg2[%dma_wait3A_286, %dma_wait3A_287] : memref<10240x16xf32, #tpu.memory_space<hbm>> -> memref<10240x16xf32, #tpu.memory_space<hbm>>
      tpu.wait_indirect_dma semaphore(%arg17 : memref<!tpu.dma_semaphore, #tpu.memory_space<semaphore_mem>>) src(%dma_wait3A_288 : memref<10240x16xf32, #tpu.memory_space<hbm>>) dst(%dma_wait3A_282 : memref<128x16xf32, #tpu.memory_space<vmem>>)
      %run_scoped3A_289 = arith.constant 7 : i32
      "tpu.region"() ({
        %run_scoped3A_297 = tpu.sem_alloc : memref<!tpu.dma_semaphore, #tpu.memory_space<semaphore_mem>>
        %dma_start3A_298 = arith.constant 0 : i32
        %dma_start3A_299 = arith.constant 0 : i32
        %dma_start3A_300 = tpu.memref_slice %arg8[%run_scoped3A_289, %dma_start3A_298, %dma_start3A_299] : memref<8x128x16xf32, #tpu.memory_space<vmem>> -> memref<1x128x16xf32, #tpu.memory_space<vmem>>
        %dma_start3A_301 = tpu.memref_squeeze %dma_start3A_300 : memref<1x128x16xf32, #tpu.memory_space<vmem>> -> memref<128x16xf32, #tpu.memory_space<vmem>>
        %dma_start3A_302 = arith.constant 0 : i32
        %dma_start3A_303 = tpu.memref_slice %arg7[%add3A_277, %dma_start3A_302] : memref<80x128xi32, #tpu.memory_space<vmem>> -> memref<1x128xi32, #tpu.memory_space<vmem>>
        %dma_start3A_304 = tpu.memref_squeeze %dma_start3A_303 : memref<1x128xi32, #tpu.memory_space<vmem>> -> memref<128xi32, #tpu.memory_space<vmem>>
        %dma_start3A_305 = arith.constant 0 : i32
        %dma_start3A_306 = arith.constant 0 : i32
        %dma_start3A_307 = tpu.memref_slice %arg9[%dma_start3A_305, %dma_start3A_306] : memref<10240x16xf32, #tpu.memory_space<vmem_shared>> -> memref<10240x16xf32, #tpu.memory_space<vmem_shared>>
        tpu.enqueue_indirect_dma source(%dma_start3A_301 : memref<128x16xf32, #tpu.memory_space<vmem>>) target(%dma_start3A_307 : memref<10240x16xf32, #tpu.memory_space<vmem_shared>>) offsets(%dma_start3A_304 : memref<128xi32, #tpu.memory_space<vmem>>) semaphore(%run_scoped3A_297 : memref<!tpu.dma_semaphore, #tpu.memory_space<semaphore_mem>>) {add = true}
        %dma_wait3A_308 = arith.constant 0 : i32
        %dma_wait3A_309 = arith.constant 0 : i32
        %dma_wait3A_310 = tpu.memref_slice %arg8[%run_scoped3A_289, %dma_wait3A_308, %dma_wait3A_309] : memref<8x128x16xf32, #tpu.memory_space<vmem>> -> memref<1x128x16xf32, #tpu.memory_space<vmem>>
        %dma_wait3A_311 = tpu.memref_squeeze %dma_wait3A_310 : memref<1x128x16xf32, #tpu.memory_space<vmem>> -> memref<128x16xf32, #tpu.memory_space<vmem>>
        %dma_wait3A_312 = arith.constant 0 : i32
        %dma_wait3A_313 = tpu.memref_slice %arg7[%add3A_277, %dma_wait3A_312] : memref<80x128xi32, #tpu.memory_space<vmem>> -> memref<1x128xi32, #tpu.memory_space<vmem>>
        %dma_wait3A_314 = tpu.memref_squeeze %dma_wait3A_313 : memref<1x128xi32, #tpu.memory_space<vmem>> -> memref<128xi32, #tpu.memory_space<vmem>>
        %dma_wait3A_315 = arith.constant 0 : i32
        %dma_wait3A_316 = arith.constant 0 : i32
        %dma_wait3A_317 = tpu.memref_slice %arg9[%dma_wait3A_315, %dma_wait3A_316] : memref<10240x16xf32, #tpu.memory_space<vmem_shared>> -> memref<10240x16xf32, #tpu.memory_space<vmem_shared>>
        tpu.wait_indirect_dma semaphore(%run_scoped3A_297 : memref<!tpu.dma_semaphore, #tpu.memory_space<semaphore_mem>>) src(%dma_wait3A_311 : memref<128x16xf32, #tpu.memory_space<vmem>>) dst(%dma_wait3A_317 : memref<10240x16xf32, #tpu.memory_space<vmem_shared>>)
        tpu.yield
      }) : () -> ()
      %add3A_290 = arith.constant 8 : i32
      %add3A_291 = arith.addi %add3A_277, %add3A_290 : i32
      %lt3A_292 = arith.constant 80 : i32
      %lt3A_293 = arith.cmpi slt, %add3A_291, %lt3A_292 : i32
      %convert_element_type3A_294 = arith.extui %lt3A_293 : i1 to i32
      %cond3A_295 = arith.constant 0 : i32
      %cond3A_296 = arith.cmpi ne, %convert_element_type3A_294, %cond3A_295 : i32
      scf.if %cond3A_296 {
        %add3A_297 = arith.constant 8 : i32
        %add3A_298 = arith.addi %add3A_277, %add3A_297 : i32
        %dma_start3A_299 = arith.constant 7 : i32
        %dma_start3A_300 = arith.constant 0 : i32
        %dma_start3A_301 = arith.constant 0 : i32
        %dma_start3A_302 = tpu.memref_slice %arg8[%dma_start3A_299, %dma_start3A_300, %dma_start3A_301] : memref<8x128x16xf32, #tpu.memory_space<vmem>> -> memref<1x128x16xf32, #tpu.memory_space<vmem>>
        %dma_start3A_303 = tpu.memref_squeeze %dma_start3A_302 : memref<1x128x16xf32, #tpu.memory_space<vmem>> -> memref<128x16xf32, #tpu.memory_space<vmem>>
        %dma_start3A_304 = arith.constant 0 : i32
        %dma_start3A_305 = tpu.memref_slice %arg6[%add3A_298, %dma_start3A_304] : memref<80x128xi32, #tpu.memory_space<vmem>> -> memref<1x128xi32, #tpu.memory_space<vmem>>
        %dma_start3A_306 = tpu.memref_squeeze %dma_start3A_305 : memref<1x128xi32, #tpu.memory_space<vmem>> -> memref<128xi32, #tpu.memory_space<vmem>>
        %dma_start3A_307 = arith.constant 0 : i32
        %dma_start3A_308 = arith.constant 0 : i32
        %dma_start3A_309 = tpu.memref_slice %arg2[%dma_start3A_307, %dma_start3A_308] : memref<10240x16xf32, #tpu.memory_space<hbm>> -> memref<10240x16xf32, #tpu.memory_space<hbm>>
        tpu.enqueue_indirect_dma source(%dma_start3A_309 : memref<10240x16xf32, #tpu.memory_space<hbm>>) target(%dma_start3A_303 : memref<128x16xf32, #tpu.memory_space<vmem>>) offsets(%dma_start3A_306 : memref<128xi32, #tpu.memory_space<vmem>>) semaphore(%arg17 : memref<!tpu.dma_semaphore, #tpu.memory_space<semaphore_mem>>)
      } else {
      }
    }
    %scan3A_109 = arith.constant 10 : i32
    %barrier3A_110 = arith.constant 0 : index
    tpu.barrier barrier_id(%barrier3A_110)
    %scan3A_111 = arith.constant 0 : i32
    %scan3A_112 = arith.constant 5 : i32
    %scan3A_113 = arith.addi %scan3A_111, %scan3A_112 : i32
    %scan3A_114 = arith.constant 1 : i32
    scf.for %scan3A_116 = %scan3A_111 to %scan3A_113 step %scan3A_114  : i32 {
      %mul3A_117 = arith.constant 640 : i32
      %mul3A_118 = arith.muli %arg1, %mul3A_117 : i32
      %mul3A_119 = arith.constant 128 : i32
      %mul3A_120 = arith.muli %scan3A_116, %mul3A_119 : i32
      %add3A_121 = arith.addi %mul3A_118, %mul3A_120 : i32
      "tpu.region"() ({
        %run_scoped3A_122 = tpu.sem_alloc : memref<!tpu.dma_semaphore, #tpu.memory_space<semaphore_mem>>
        %dma_start3A_123 = arith.constant 0 : i32
        %dma_start3A_124 = tpu.memref_slice %arg5[%arg0, %add3A_121, %dma_start3A_123] : memref<2x10240x16xf32, #tpu.memory_space<hbm>> -> memref<1x128x16xf32, #tpu.memory_space<hbm>>
        %dma_start3A_125 = tpu.memref_squeeze %dma_start3A_124 : memref<1x128x16xf32, #tpu.memory_space<hbm>> -> memref<128x16xf32, #tpu.memory_space<hbm>>
        %dma_start3A_126 = arith.constant 0 : i32
        %dma_start3A_127 = tpu.memref_slice %arg9[%add3A_121, %dma_start3A_126] : memref<10240x16xf32, #tpu.memory_space<vmem_shared>> -> memref<128x16xf32, #tpu.memory_space<vmem_shared>>
        tpu.enqueue_dma source(%dma_start3A_127 : memref<128x16xf32, #tpu.memory_space<vmem_shared>>) target(%dma_start3A_125 : memref<128x16xf32, #tpu.memory_space<hbm>>) target_semaphore(%run_scoped3A_122 : memref<!tpu.dma_semaphore, #tpu.memory_space<semaphore_mem>>)
        %dma_wait3A = arith.constant 0 : i32
        %dma_wait3A_128 = tpu.memref_slice %arg5[%arg0, %add3A_121, %dma_wait3A] : memref<2x10240x16xf32, #tpu.memory_space<hbm>> -> memref<1x128x16xf32, #tpu.memory_space<hbm>>
        %dma_wait3A_129 = tpu.memref_squeeze %dma_wait3A_128 : memref<1x128x16xf32, #tpu.memory_space<hbm>> -> memref<128x16xf32, #tpu.memory_space<hbm>>
        %dma_wait3A_130 = arith.constant 0 : i32
        %dma_wait3A_131 = tpu.memref_slice %arg9[%add3A_121, %dma_wait3A_130] : memref<10240x16xf32, #tpu.memory_space<vmem_shared>> -> memref<128x16xf32, #tpu.memory_space<vmem_shared>>
        tpu.wait_dma2 semaphore(%run_scoped3A_122 : memref<!tpu.dma_semaphore, #tpu.memory_space<semaphore_mem>>) src(%dma_wait3A_131 : memref<128x16xf32, #tpu.memory_space<vmem_shared>>) dst(%dma_wait3A_129 : memref<128x16xf32, #tpu.memory_space<hbm>>)
        tpu.yield
      }) : () -> ()
    }
    %scan3A_115 = arith.constant 5 : i32
    return
  }
}

module attributes {stable_mosaic.version = 14 : i64} {
  func.func @_tc_pre_body(%arg0: i32, %arg1: memref<32x2048xf32, #tpu.memory_space<vmem>>, %arg2: memref<2048x128xf32, #tpu.memory_space<vmem>>, %arg3: memref<128x16xf32, #tpu.memory_space<vmem>>, %arg4: memref<2048x16xf32, #tpu.memory_space<vmem>>, %arg5: memref<2048x16xf32, #tpu.memory_space<vmem>>, %arg6: memref<2048x1xf32, #tpu.memory_space<vmem>>) attributes {dimension_semantics = [#tpu.dimension_semantics<arbitrary>], iteration_bounds = array<i64: 5>, scalar_prefetch = 0 : i64, scratch_operands = 0 : i64, tpu.core_type = #tpu.core_type<tc>, window_params = [{transform_indices = @transform_0, window_bounds = array<i64: 32, 2048>}, {transform_indices = @transform_1, window_bounds = array<i64: 2048, 128>}, {pipeline_mode = #tpu.pipeline_mode<synchronous>, transform_indices = @transform_2, window_bounds = array<i64: 128, 16>}, {transform_indices = @transform_3, window_bounds = array<i64: 2048, 16>}, {transform_indices = @transform_4, window_bounds = array<i64: 2048, 16>}, {transform_indices = @transform_5, window_bounds = array<i64: 2048, 1>}]} {
    %get3A = arith.constant 0 : index
    %get3A_0 = arith.constant 0 : index
    %get3A_1 = vector.load %arg1[%get3A, %get3A_0] : memref<32x2048xf32, #tpu.memory_space<vmem>>, vector<32x2048xf32>
    %reduce_sum3A = arith.constant dense<0.000000e+00> : vector<2048xf32>
    %reduce_sum3A_2 = vector.multi_reduction <add>, %get3A_1, %reduce_sum3A [0] : vector<32x2048xf32> to vector<2048xf32>
    %add3A = arith.constant 1.000000e+00 : f32
    %add3A_3 = vector.broadcast %add3A : f32 to vector<2048xf32>
    %add3A_4 = arith.addf %reduce_sum3A_2, %add3A_3 : vector<2048xf32>
    %rsqrt3A = math.rsqrt %add3A_4 : vector<2048xf32>
    %broadcast_in_dim3A = vector.shape_cast %rsqrt3A : vector<2048xf32> to vector<2048x1xf32>
    %get3A_5 = arith.constant 0 : index
    %get3A_6 = arith.constant 0 : index
    %get3A_7 = vector.load %arg2[%get3A_5, %get3A_6] : memref<2048x128xf32, #tpu.memory_space<vmem>>, vector<2048x128xf32>
    %get3A_8 = arith.constant 0 : index
    %get3A_9 = arith.constant 0 : index
    %get3A_10 = vector.load %arg3[%get3A_8, %get3A_9] : memref<128x16xf32, #tpu.memory_space<vmem>>, vector<128x16xf32>
    %dot_general3A = arith.constant dense<0.000000e+00> : vector<2048x16xf32>
    %dot_general3A_11 = tpu.matmul %get3A_7, %get3A_10, %dot_general3A {dimension_numbers = #tpu.dot_dimension_numbers<[1], [0], [0], [1], [0, 0, 1, 1], [], []>, transpose_lhs_hint = false} : vector<2048x128xf32>, vector<128x16xf32>, vector<2048x16xf32> -> vector<2048x16xf32>
    %mul3A = arith.constant 2048 : i32
    %mul3A_12 = arith.muli %arg0, %mul3A : i32
    %iota3A = tpu.iota {dimensions = array<i32: 0>} : vector<2048x1xi32>
    %add3A_13 = vector.broadcast %mul3A_12 : i32 to vector<2048x1xi32>
    %add3A_14 = arith.addi %add3A_13, %iota3A : vector<2048x1xi32>
    %swap3A = arith.constant 0 : index
    %swap3A_15 = arith.constant 0 : index
    %swap3A_16 = vector.load %arg4[%swap3A, %swap3A_15] : memref<2048x16xf32, #tpu.memory_space<vmem>>, vector<2048x16xf32>
    tpu.vector_store %arg4[%swap3A, %swap3A_15], %dot_general3A_11 {strides = array<i32>} : memref<2048x16xf32, #tpu.memory_space<vmem>>, vector<2048x16xf32>,
    %lt3A = arith.constant 10000 : i32
    %lt3A_17 = vector.broadcast %lt3A : i32 to vector<2048x1xi32>
    %lt3A_18 = arith.cmpi slt, %add3A_14, %lt3A_17 : vector<2048x1xi32>
    %mul3A_19 = vector.broadcast %broadcast_in_dim3A : vector<2048x1xf32> to vector<2048x16xf32>
    %mul3A_20 = arith.mulf %dot_general3A_11, %mul3A_19 : vector<2048x16xf32>
    %jit3A = arith.constant 0.000000e+00 : f32
    %broadcast_in_dim3A_21 = vector.shape_cast %lt3A_18 : vector<2048x1xi1> to vector<2048x1xi1>
    %broadcast_in_dim3A_22 = vector.broadcast %broadcast_in_dim3A_21 : vector<2048x1xi1> to vector<2048x16xi1>
    %broadcast_in_dim3A_23 = vector.broadcast %jit3A : f32 to vector<2048x16xf32>
    %select_n3A = arith.select %broadcast_in_dim3A_22, %mul3A_20, %broadcast_in_dim3A_23 : vector<2048x16xi1>, vector<2048x16xf32>
    %swap3A_24 = arith.constant 0 : index
    %swap3A_25 = arith.constant 0 : index
    %swap3A_26 = vector.load %arg5[%swap3A_24, %swap3A_25] : memref<2048x16xf32, #tpu.memory_space<vmem>>, vector<2048x16xf32>
    tpu.vector_store %arg5[%swap3A_24, %swap3A_25], %select_n3A {strides = array<i32>} : memref<2048x16xf32, #tpu.memory_space<vmem>>, vector<2048x16xf32>,
    %swap3A_27 = arith.constant 0 : index
    %swap3A_28 = arith.constant 0 : index
    %swap3A_29 = vector.load %arg6[%swap3A_27, %swap3A_28] : memref<2048x1xf32, #tpu.memory_space<vmem>>, vector<2048x1xf32>
    tpu.vector_store %arg6[%swap3A_27, %swap3A_28], %broadcast_in_dim3A {strides = array<i32>} : memref<2048x1xf32, #tpu.memory_space<vmem>>, vector<2048x1xf32>,
    return
  }
  func.func @transform_0(%arg0: i32) -> (i32, i32) {
    %c0_i32 = arith.constant 0 : i32
    %c0_i32_0 = arith.constant 0 : i32
    return %c0_i32, %arg0 : i32, i32
  }
  func.func @transform_1(%arg0: i32) -> (i32, i32) {
    %c0_i32 = arith.constant 0 : i32
    %c0_i32_0 = arith.constant 0 : i32
    return %arg0, %c0_i32 : i32, i32
  }
  func.func @transform_2(%arg0: i32) -> (i32, i32) {
    %c0_i32 = arith.constant 0 : i32
    %c0_i32_0 = arith.constant 0 : i32
    %c0_i32_1 = arith.constant 0 : i32
    return %c0_i32, %c0_i32_0 : i32, i32
  }
  func.func @transform_3(%arg0: i32) -> (i32, i32) {
    %c0_i32 = arith.constant 0 : i32
    %c0_i32_0 = arith.constant 0 : i32
    return %arg0, %c0_i32 : i32, i32
  }
  func.func @transform_4(%arg0: i32) -> (i32, i32) {
    %c0_i32 = arith.constant 0 : i32
    %c0_i32_0 = arith.constant 0 : i32
    return %arg0, %c0_i32 : i32, i32
  }
  func.func @transform_5(%arg0: i32) -> (i32, i32) {
    %c0_i32 = arith.constant 0 : i32
    %c0_i32_0 = arith.constant 0 : i32
    return %arg0, %c0_i32 : i32, i32
  }
}

module attributes {stable_mosaic.version = 14 : i64} {
  func.func @_tc_mid_body(%arg0: i32, %arg1: memref<2x2048x16xf32, #tpu.memory_space<vmem>>, %arg2: memref<2048x16xf32, #tpu.memory_space<vmem>>, %arg3: memref<2048x1xf32, #tpu.memory_space<vmem>>, %arg4: memref<16x40xf32, #tpu.memory_space<vmem>>, %arg5: memref<1x16xf32, #tpu.memory_space<vmem>>, %arg6: memref<2048x40xf32, #tpu.memory_space<vmem>>, %arg7: memref<2048x40xf32, #tpu.memory_space<vmem>>) attributes {dimension_semantics = [#tpu.dimension_semantics<arbitrary>], iteration_bounds = array<i64: 5>, scalar_prefetch = 0 : i64, scratch_operands = 0 : i64, tpu.core_type = #tpu.core_type<tc>, window_params = [{transform_indices = @transform_0, window_bounds = array<i64: 2, 2048, 16>}, {transform_indices = @transform_1, window_bounds = array<i64: 2048, 16>}, {transform_indices = @transform_2, window_bounds = array<i64: 2048, 1>}, {pipeline_mode = #tpu.pipeline_mode<synchronous>, transform_indices = @transform_3, window_bounds = array<i64: 16, 40>}, {pipeline_mode = #tpu.pipeline_mode<synchronous>, transform_indices = @transform_4, window_bounds = array<i64: 1, 16>}, {transform_indices = @transform_5, window_bounds = array<i64: 2048, 40>}, {transform_indices = @transform_6, window_bounds = array<i64: 2048, 40>}]} {
    %get3A = arith.constant 0 : index
    %get3A_0 = arith.constant 0 : index
    %get3A_1 = vector.load %arg3[%get3A, %get3A_0] : memref<2048x1xf32, #tpu.memory_space<vmem>>, vector<2048x1xf32>
    %get3A_2 = arith.constant 0 : index
    %get3A_3 = arith.constant 0 : index
    %get3A_4 = arith.constant 0 : index
    %get3A_5 = vector.load %arg1[%get3A_2, %get3A_3, %get3A_4] : memref<2x2048x16xf32, #tpu.memory_space<vmem>>, vector<1x2048x16xf32>
    %get3A_6 = vector.shape_cast %get3A_5 : vector<1x2048x16xf32> to vector<2048x16xf32>
    %get3A_7 = arith.constant 1 : index
    %get3A_8 = arith.constant 0 : index
    %get3A_9 = arith.constant 0 : index
    %get3A_10 = vector.load %arg1[%get3A_7, %get3A_8, %get3A_9] : memref<2x2048x16xf32, #tpu.memory_space<vmem>>, vector<1x2048x16xf32>
    %get3A_11 = vector.shape_cast %get3A_10 : vector<1x2048x16xf32> to vector<2048x16xf32>
    %add3A = arith.addf %get3A_6, %get3A_11 : vector<2048x16xf32>
    %mul3A = vector.broadcast %get3A_1 : vector<2048x1xf32> to vector<2048x16xf32>
    %mul3A_12 = arith.mulf %mul3A, %add3A : vector<2048x16xf32>
    %mul3A_13 = arith.mulf %get3A_1, %get3A_1 : vector<2048x1xf32>
    %get3A_14 = arith.constant 0 : index
    %get3A_15 = arith.constant 0 : index
    %get3A_16 = vector.load %arg2[%get3A_14, %get3A_15] : memref<2048x16xf32, #tpu.memory_space<vmem>>, vector<2048x16xf32>
    %mul3A_17 = vector.broadcast %mul3A_13 : vector<2048x1xf32> to vector<2048x16xf32>
    %mul3A_18 = arith.mulf %mul3A_17, %get3A_16 : vector<2048x16xf32>
    %add3A_19 = arith.addf %mul3A_12, %mul3A_18 : vector<2048x16xf32>
    %get3A_20 = arith.constant 0 : index
    %get3A_21 = arith.constant 0 : index
    %get3A_22 = vector.load %arg5[%get3A_20, %get3A_21] : memref<1x16xf32, #tpu.memory_space<vmem>>, vector<1x16xf32>
    %add3A_23 = vector.broadcast %get3A_22 : vector<1x16xf32> to vector<2048x16xf32>
    %add3A_24 = arith.addf %add3A_19, %add3A_23 : vector<2048x16xf32>
    %max3A = arith.constant 0.000000e+00 : f32
    %max3A_25 = vector.broadcast %max3A : f32 to vector<2048x16xf32>
    %max3A_26 = arith.maximumf %add3A_24, %max3A_25 : vector<2048x16xf32>
    %mul3A_27 = arith.constant 2048 : i32
    %mul3A_28 = arith.muli %arg0, %mul3A_27 : i32
    %iota3A = tpu.iota {dimensions = array<i32: 0>} : vector<2048x1xi32>
    %add3A_29 = vector.broadcast %mul3A_28 : i32 to vector<2048x1xi32>
    %add3A_30 = arith.addi %add3A_29, %iota3A : vector<2048x1xi32>
    %lt3A = arith.constant 10000 : i32
    %lt3A_31 = vector.broadcast %lt3A : i32 to vector<2048x1xi32>
    %lt3A_32 = arith.cmpi slt, %add3A_30, %lt3A_31 : vector<2048x1xi32>
    %jit3A = arith.constant 0.000000e+00 : f32
    %broadcast_in_dim3A = vector.shape_cast %lt3A_32 : vector<2048x1xi1> to vector<2048x1xi1>
    %broadcast_in_dim3A_33 = vector.broadcast %broadcast_in_dim3A : vector<2048x1xi1> to vector<2048x16xi1>
    %broadcast_in_dim3A_34 = vector.broadcast %jit3A : f32 to vector<2048x16xf32>
    %select_n3A = arith.select %broadcast_in_dim3A_33, %max3A_26, %broadcast_in_dim3A_34 : vector<2048x16xi1>, vector<2048x16xf32>
    %get3A_35 = arith.constant 0 : index
    %get3A_36 = arith.constant 0 : index
    %get3A_37 = vector.load %arg4[%get3A_35, %get3A_36] : memref<16x40xf32, #tpu.memory_space<vmem>>, vector<16x40xf32>
    %dot_general3A = arith.constant dense<0.000000e+00> : vector<2048x40xf32>
    %dot_general3A_38 = tpu.matmul %select_n3A, %get3A_37, %dot_general3A {dimension_numbers = #tpu.dot_dimension_numbers<[1], [0], [0], [1], [0, 0, 1, 1], [], []>, transpose_lhs_hint = false} : vector<2048x16xf32>, vector<16x40xf32>, vector<2048x40xf32> -> vector<2048x40xf32>
    %swap3A = arith.constant 0 : index
    %swap3A_39 = arith.constant 0 : index
    %swap3A_40 = vector.load %arg7[%swap3A, %swap3A_39] : memref<2048x40xf32, #tpu.memory_space<vmem>>, vector<2048x40xf32>
    tpu.vector_store %arg7[%swap3A, %swap3A_39], %dot_general3A_38 {strides = array<i32>} : memref<2048x40xf32, #tpu.memory_space<vmem>>, vector<2048x40xf32>,
    %mul3A_41 = vector.broadcast %get3A_1 : vector<2048x1xf32> to vector<2048x40xf32>
    %mul3A_42 = arith.mulf %dot_general3A_38, %mul3A_41 : vector<2048x40xf32>
    %swap3A_43 = arith.constant 0 : index
    %swap3A_44 = arith.constant 0 : index
    %swap3A_45 = vector.load %arg6[%swap3A_43, %swap3A_44] : memref<2048x40xf32, #tpu.memory_space<vmem>>, vector<2048x40xf32>
    tpu.vector_store %arg6[%swap3A_43, %swap3A_44], %mul3A_42 {strides = array<i32>} : memref<2048x40xf32, #tpu.memory_space<vmem>>, vector<2048x40xf32>,
    return
  }
  func.func @transform_0(%arg0: i32) -> (i32, i32, i32) {
    %c0_i32 = arith.constant 0 : i32
    %c0_i32_0 = arith.constant 0 : i32
    %c0_i32_1 = arith.constant 0 : i32
    return %c0_i32, %arg0, %c0_i32_0 : i32, i32, i32
  }
  func.func @transform_1(%arg0: i32) -> (i32, i32) {
    %c0_i32 = arith.constant 0 : i32
    %c0_i32_0 = arith.constant 0 : i32
    return %arg0, %c0_i32 : i32, i32
  }
  func.func @transform_2(%arg0: i32) -> (i32, i32) {
    %c0_i32 = arith.constant 0 : i32
    %c0_i32_0 = arith.constant 0 : i32
    return %arg0, %c0_i32 : i32, i32
  }
  func.func @transform_3(%arg0: i32) -> (i32, i32) {
    %c0_i32 = arith.constant 0 : i32
    %c0_i32_0 = arith.constant 0 : i32
    %c0_i32_1 = arith.constant 0 : i32
    return %c0_i32, %c0_i32_0 : i32, i32
  }
  func.func @transform_4(%arg0: i32) -> (i32, i32) {
    %c0_i32 = arith.constant 0 : i32
    %c0_i32_0 = arith.constant 0 : i32
    %c0_i32_1 = arith.constant 0 : i32
    return %c0_i32, %c0_i32_0 : i32, i32
  }
  func.func @transform_5(%arg0: i32) -> (i32, i32) {
    %c0_i32 = arith.constant 0 : i32
    %c0_i32_0 = arith.constant 0 : i32
    return %arg0, %c0_i32 : i32, i32
  }
  func.func @transform_6(%arg0: i32) -> (i32, i32) {
    %c0_i32 = arith.constant 0 : i32
    %c0_i32_0 = arith.constant 0 : i32
    return %arg0, %c0_i32 : i32, i32
  }
}

module attributes {stable_mosaic.version = 14 : i64} {
  func.func @_tc_post_body(%arg0: i32, %arg1: memref<2x1000x40xf32, #tpu.memory_space<vmem>>, %arg2: memref<1000x40xf32, #tpu.memory_space<vmem>>, %arg3: memref<1000x1xf32, #tpu.memory_space<vmem>>, %arg4: memref<1x40xf32, #tpu.memory_space<vmem>>, %arg5: memref<1000x40xf32, #tpu.memory_space<vmem>>) attributes {dimension_semantics = [#tpu.dimension_semantics<arbitrary>], iteration_bounds = array<i64: 10>, scalar_prefetch = 0 : i64, scratch_operands = 0 : i64, tpu.core_type = #tpu.core_type<tc>, window_params = [{transform_indices = @transform_0, window_bounds = array<i64: 2, 1000, 40>}, {transform_indices = @transform_1, window_bounds = array<i64: 1000, 40>}, {transform_indices = @transform_2, window_bounds = array<i64: 1000, 1>}, {pipeline_mode = #tpu.pipeline_mode<synchronous>, transform_indices = @transform_3, window_bounds = array<i64: 1, 40>}, {transform_indices = @transform_4, window_bounds = array<i64: 1000, 40>}]} {
    %get3A = arith.constant 0 : index
    %get3A_0 = arith.constant 0 : index
    %get3A_1 = vector.load %arg3[%get3A, %get3A_0] : memref<1000x1xf32, #tpu.memory_space<vmem>>, vector<1000x1xf32>
    %get3A_2 = arith.constant 0 : index
    %get3A_3 = arith.constant 0 : index
    %get3A_4 = arith.constant 0 : index
    %get3A_5 = vector.load %arg1[%get3A_2, %get3A_3, %get3A_4] : memref<2x1000x40xf32, #tpu.memory_space<vmem>>, vector<1x1000x40xf32>
    %get3A_6 = vector.shape_cast %get3A_5 : vector<1x1000x40xf32> to vector<1000x40xf32>
    %get3A_7 = arith.constant 1 : index
    %get3A_8 = arith.constant 0 : index
    %get3A_9 = arith.constant 0 : index
    %get3A_10 = vector.load %arg1[%get3A_7, %get3A_8, %get3A_9] : memref<2x1000x40xf32, #tpu.memory_space<vmem>>, vector<1x1000x40xf32>
    %get3A_11 = vector.shape_cast %get3A_10 : vector<1x1000x40xf32> to vector<1000x40xf32>
    %add3A = arith.addf %get3A_6, %get3A_11 : vector<1000x40xf32>
    %mul3A = vector.broadcast %get3A_1 : vector<1000x1xf32> to vector<1000x40xf32>
    %mul3A_12 = arith.mulf %mul3A, %add3A : vector<1000x40xf32>
    %mul3A_13 = arith.mulf %get3A_1, %get3A_1 : vector<1000x1xf32>
    %get3A_14 = arith.constant 0 : index
    %get3A_15 = arith.constant 0 : index
    %get3A_16 = vector.load %arg2[%get3A_14, %get3A_15] : memref<1000x40xf32, #tpu.memory_space<vmem>>, vector<1000x40xf32>
    %mul3A_17 = vector.broadcast %mul3A_13 : vector<1000x1xf32> to vector<1000x40xf32>
    %mul3A_18 = arith.mulf %mul3A_17, %get3A_16 : vector<1000x40xf32>
    %add3A_19 = arith.addf %mul3A_12, %mul3A_18 : vector<1000x40xf32>
    %get3A_20 = arith.constant 0 : index
    %get3A_21 = arith.constant 0 : index
    %get3A_22 = vector.load %arg4[%get3A_20, %get3A_21] : memref<1x40xf32, #tpu.memory_space<vmem>>, vector<1x40xf32>
    %add3A_23 = vector.broadcast %get3A_22 : vector<1x40xf32> to vector<1000x40xf32>
    %add3A_24 = arith.addf %add3A_19, %add3A_23 : vector<1000x40xf32>
    %swap3A = arith.constant 0 : index
    %swap3A_25 = arith.constant 0 : index
    %swap3A_26 = vector.load %arg5[%swap3A, %swap3A_25] : memref<1000x40xf32, #tpu.memory_space<vmem>>, vector<1000x40xf32>
    tpu.vector_store %arg5[%swap3A, %swap3A_25], %add3A_24 {strides = array<i32>} : memref<1000x40xf32, #tpu.memory_space<vmem>>, vector<1000x40xf32>,
    return
  }
  func.func @transform_0(%arg0: i32) -> (i32, i32, i32) {
    %c0_i32 = arith.constant 0 : i32
    %c0_i32_0 = arith.constant 0 : i32
    %c0_i32_1 = arith.constant 0 : i32
    return %c0_i32, %arg0, %c0_i32_0 : i32, i32, i32
  }
  func.func @transform_1(%arg0: i32) -> (i32, i32) {
    %c0_i32 = arith.constant 0 : i32
    %c0_i32_0 = arith.constant 0 : i32
    return %arg0, %c0_i32 : i32, i32
  }
  func.func @transform_2(%arg0: i32) -> (i32, i32) {
    %c0_i32 = arith.constant 0 : i32
    %c0_i32_0 = arith.constant 0 : i32
    return %arg0, %c0_i32 : i32, i32
  }
  func.func @transform_3(%arg0: i32) -> (i32, i32) {
    %c0_i32 = arith.constant 0 : i32
    %c0_i32_0 = arith.constant 0 : i32
    %c0_i32_1 = arith.constant 0 : i32
    return %c0_i32, %c0_i32_0 : i32, i32
  }
  func.func @transform_4(%arg0: i32) -> (i32, i32) {
    %c0_i32 = arith.constant 0 : i32
    %c0_i32_0 = arith.constant 0 : i32
    return %arg0, %c0_i32 : i32, i32
  }
}

</mosaic_0001>

<sc_bundles>
// kernel: kernel.11.cloned.1.call-start
scs
__scs_entry_jumppad:
0x0: {  	(pc) =	sbr.rel $0x88, $3  }
0x1: {  	(tag) =	ssettag $0x0;
	lr =	simm.s32 $0x1  }
0x2: {  	[smem:$0x3F9B] =	sst lr;
	_ =	strace $0xD0000000  }
0x3: {  	_ = 	snop  }
0x4: {  	_ = 	snop  }
0x5: {  	_ = 	snop  }
0x6: {  	_ = 	snop  }
0x7: {  	_ = 	snop  }
__scs_overlays_trampoline_lowered:
0x8: {  	[smem:$0x3FAA] =	sst s0  }
0x9: {  	[smem:$0x3FAB] =	sst s1  }
0xa: {  	[smem:$0x3FAC] =	sst s2  }
0xb: {  	[smem:$0x3FAD] =	sst s3  }
0xc: {  	[smem:$0x3FAE] =	sst s4  }
0xd: {  	[smem:$0x3FAF] =	sst s5  }
0xe: {  	[smem:$0x3FB0] =	sst s6  }
0xf: {  	[smem:$0x3FB1] =	sst s7  }
0x10: {  	[smem:$0x3FB2] =	sst s8  }
0x11: {  	[smem:$0x3FB3] =	sst s9;
	s0 =	simm.s32 @!p0 $0x0  }
0x12: {  	s1 =	sld [smem:$0x3F99];
	s0 =	simm.s32 @p0 $0x1  }
0x13: {  	[smem:$0x3FB4] =	sst s0;
	s0 =	simm.s32 @!p1 $0x0  }
0x14: {  	s2 =	sld [smem:$0x3F98];
	s0 =	simm.s32 @p1 $0x1  }
0x15: {  	[smem:$0x3FB5] =	sst s0;
	s0 =	simm.s32 @!p2 $0x0  }
0x16: {  	s3 =	sld [smem:$0x3FDB];
	s0 =	simm.s32 @p2 $0x1  }
0x17: {  	s4 =	simm.s32 $0x1BF5;
	[smem:$0x3FB7] =	sst s0  }
0x18: {  	s0 =	sld [smem:$0x3F9A];
	_ =	swait.ge [sflag:s4], $0x0  }
0x19: {  	s7 =	sld [smem:$0x3F9B]  }
0x1a: {  	s8 =	sadd.s32 $0xFFFFE003, lr  }
0x1b: {  	s9 =	sadd.s32 $0xFFFFFEF7, lr;
	s5 =	simm.s32 $0xFFFFFFFF;
	p2 =	slt.u32 s8, $0xFFFFF086  }
0x1c: {  	p1 =	slt.u32 s9, $0xF7A;
	s5 =	simm.s32 @!p2 $0x0  }
0x1d: {  	s5 =	simm.s32 @p1 $0x1;
	p0 =	seq.s32 s7, s2  }
0x1e: {  	s7 =	smul.u32 @!p0 $0xF7A, s2;
	p2 =	seq.s32 @!p0 s5, $0x0  }
0x1f: {  	s9 =	smul.u32 $0xF7A, s1;
	s8 =	simm.s32 @!p0 $0x1BF5;
	p2 =	por !p2, p0  }
0x20: {  	[sflag:s8] =	ssyncset.s32 @!p0 $0xFFFFF086;
	s6 =	sadd.s32 @!p0 s3, s7;
	s7 =	simm.s32 @!p0 $0x108  }
0x21: {  	s3 =	sadd.s32 s3, s9;
	s6 =	sadd.s32 @!p0 $0x88, s6;
	s7 =	simm.s32 @p2 $0x1082  }
0x22: {  	[simem:s7], [sflag:s8] =	dma.local @!p0 [hbm:s6], $0xF7A  }
0x23: {  	s9 =	sor.u32 $0xD0000000, s2;
	s6 =	simm.s32 $0x108;
	_ =	swait.ge @!p0 [sflag:s8], $0x0  }
0x24: {  	s3 =	sadd.s32 $0x88, s3;
	s6 =	simm.s32 @!p1 $0x1082;
	[sflag:s4] =	ssyncset.s32 $0xFFFFF086  }
0x25: {  	[simem:s6], [sflag:s4] =	dma.local [hbm:s3], $0xF7A  }
0x26: {  	[smem:$0x3F9B] =	sst s1;
	(tag) =	ssettag s2;
	_ =	strace s9  }
0x27: {  	s1 =	sld [smem:$0x3FAB]  }
0x28: {  	s2 =	sld [smem:$0x3FAC]  }
0x29: {  	s4 =	sld [smem:$0x3FAE]  }
0x2a: {  	p0 =	seq.s32 s5, $0x0;
	s5 =	sld [smem:$0x3FAF]  }
0x2b: {  	s6 =	sld [smem:$0x3FB0]  }
0x2c: {  	s7 =	sld [smem:$0x3FB1]  }
0x2d: {  	s3 =	simm.s32 $0x108;
	s8 =	sld [smem:$0x3FB2]  }
0x2e: {  	s3 =	simm.s32 @!p0 $0x1082;
	s9 =	sld [smem:$0x3FB3]  }
0x2f: {  	lr =	sadd.s32 s0, s3;
	s0 =	sld [smem:$0x3FAA]  }
0x30: {  	s3 =	sld [smem:$0x3FAD]  }
0x31: {  	[smem:$0x3FB6] =	sst s10  }
0x32: {  	s10 =	sld [smem:$0x3FB4];
	_ =	sdelay $0x3  }
0x33: {  	p0 =	seq.s32 s10, $0x1;
	s10 =	sld [smem:$0x3FB6];
	_ =	sdelay $0x3  }
0x34: {  	[smem:$0x3FB6] =	sst s10  }
0x35: {  	s10 =	sld [smem:$0x3FB5];
	_ =	sdelay $0x3  }
0x36: {  	p1 =	seq.s32 s10, $0x1;
	s10 =	sld [smem:$0x3FB6];
	_ =	sdelay $0x3  }
0x37: {  	[smem:$0x3FB6] =	sst s10  }
0x38: {  	s10 =	sld [smem:$0x3FB7]  }
0x39: {  	_ = 	snop;
	(pc) =	sbr.ind lr, $3  }
0x3a: {  	_ = 	snop  }
0x3b: {  	_ = 	snop  }
0x3c: {  	p2 =	seq.s32 s10, $0x1;
	s10 =	sld [smem:$0x3FB6]  }
0x3d: {  	_ =	shalt  }
0x3e: {  	_ =	shalt  }
0x3f: {  	_ =	shalt  }
0x40: {  	_ =	shalt  }
0x41: {  	_ =	shalt  }
0x42: {  	_ =	shalt  }
0x43: {  	_ =	shalt  }
0x44: {  	_ =	shalt  }
0x45: {  	_ =	shalt  }
0x46: {  	_ =	shalt  }
0x47: {  	_ =	shalt  }
0x48: {  	_ =	shalt  }
0x49: {  	_ =	shalt  }
0x4a: {  	_ =	shalt  }
0x4b: {  	_ =	shalt  }
0x4c: {  	_ =	shalt  }
0x4d: {  	_ =	shalt  }
0x4e: {  	_ =	shalt  }
0x4f: {  	_ =	shalt  }
0x50: {  	_ =	shalt  }
0x51: {  	_ =	shalt  }
0x52: {  	_ =	shalt  }
0x53: {  	_ =	shalt  }
0x54: {  	_ =	shalt  }
0x55: {  	_ =	shalt  }
0x56: {  	_ =	shalt  }
0x57: {  	_ =	shalt  }
0x58: {  	_ =	shalt  }
0x59: {  	_ =	shalt  }
0x5a: {  	_ =	shalt  }
0x5b: {  	_ =	shalt  }
0x5c: {  	_ =	shalt  }
0x5d: {  	_ =	shalt  }
0x5e: {  	_ =	shalt  }
0x5f: {  	_ =	shalt  }
0x60: {  	_ =	shalt  }
0x61: {  	_ =	shalt  }
0x62: {  	_ =	shalt  }
0x63: {  	_ =	shalt  }
0x64: {  	_ =	shalt  }
0x65: {  	_ =	shalt  }
0x66: {  	_ =	shalt  }
0x67: {  	_ =	shalt  }
0x68: {  	_ =	shalt  }
0x69: {  	_ =	shalt  }
0x6a: {  	_ =	shalt  }
0x6b: {  	_ =	shalt  }
0x6c: {  	_ =	shalt  }
0x6d: {  	_ =	shalt  }
0x6e: {  	_ =	shalt  }
0x6f: {  	_ =	shalt  }
0x70: {  	_ =	shalt  }
0x71: {  	_ =	shalt  }
0x72: {  	_ =	shalt  }
0x73: {  	_ =	shalt  }
0x74: {  	_ =	shalt  }
0x75: {  	_ =	shalt  }
0x76: {  	_ =	shalt  }
0x77: {  	_ =	shalt  }
0x78: {  	_ =	shalt  }
0x79: {  	_ =	shalt  }
0x7a: {  	_ =	shalt  }
0x7b: {  	_ =	shalt  }
0x7c: {  	_ =	shalt  }
0x7d: {  	_ =	shalt  }
0x7e: {  	_ =	shalt  }
0x7f: {  	_ =	shalt  }
0x80: {  	_ =	shalt  }
0x81: {  	_ =	shalt  }
0x82: {  	_ =	shalt  }
0x83: {  	_ =	shalt  }
0x84: {  	_ =	shalt  }
0x85: {  	_ =	shalt  }
0x86: {  	_ =	shalt  }
0x87: {  	_ =	shalt  }
.Lfunc_end0:
.L_simem_size_0:
called_computation.1_lowered:
.L_overlay_start_0:
0x88: {  	s2 =	sld [smem:$0x3FD9]  }
0x89: {  	s3 =	sld [smem:$0x3FFE];
	_ =	sdelay $0x1  }
0x8a: {  	s1 =	srdreg.scid  }
0x8b: {  	s0 =	sand.u32 $0x1, s1  }
0x8c: {  	s17 =	sshll.u32 s0, $0xA;
	s2 =	sadd.s32 s3, s2  }
0x8d: {  	s2 =	sadd.s32 s2, s17  }
0x8e: {  	[smem:$0x3FC2] =	sst s2  }
0x8f: {  	_ = 	snop  }
0x90: {  	s2 =	sld [smem:$0x3FD0];
	(tm) =	ssettm $0x1  }
0x91: {  	s18 =	sld [smem:$0x3FFB];
	_ =	sdelay $0x3  }
0x92: {  	_ =	strace s18  }
0x93: {  	s3 =	sld [smem:$0x3FFC];
	_ =	sdelay $0x3  }
0x94: {  	_ =	strace s3  }
0x95: {  	s3 =	sld [smem:$0x3FFD];
	_ =	sdelay $0x3  }
0x96: {  	_ =	strace s3  }
0x97: {  	_ =	strace $0x8FFFFFFF  }
0x98: {  	s19 =	sld [smem:$0x3FDB];
	_ =	sdelay $0x1  }
0x99: {  	s4 =	simm.s32 $_scs_section_size  }
0x9a: {  	s5 =	simm.s32 $_size__tile_overlayer_lowered;
	s6 =	simm.s32 $_tile_overlayer_lowered  }
0x9b: {  	s22 =	simm.s32 $0x1BFF;
	s21 =	sshll.u32 s6, $0x1;
	s3 =	sadd.s32 s4, s19  }
0x9c: {  	s7 =	simm.s32 $0x0;
	s20 =	sshll.u32 s5, $0x1;
	s5 =	sadd.s32 s21, s3  }
0x9d: {  	[timem:s7], [sflag:s22] =	dma.local [hbm:s5], s20  }
0x9e: {  	_ =	swait.ge [sflag:s22], s20  }
0x9f: {  	s4 =	ssub.s32 $0x0, s20;
	[sflag:s22] =	ssyncset.done $0x0  }
0xa0: {  	[sflag:s22] =	ssyncadd.s32 s4;
	_ =	sdelay $0x1  }
0xa1: {  	s23 =	simm.s32 $0x1B8B  }
0xa2: {  	_ =	swait.ge [sflag:s23], $0x1  }
0xa3: {  	[sflag:s23] =	ssyncset.done $0x0  }
0xa4: {  	s25 =	simm.s32 $0x1B8E;
	s24 =	sld [smem:$0x3FFE];
	[sflag:s23] =	ssyncadd.s32 $0xFFFFFFFF  }
0xa5: {  	s26 =	simm.s32 $execute0_lowered;
	[smem:$0x3FD2] =	sst s25  }
0xa6: {  	s5 =	sshll.u32 s26, $0x1;
	_ =	strace $0x80000049;
	[dreg:$0x1] =	wrdreg $0xFFFFFFFF  }
0xa7: {  	s28 =	simm.s32 $_size_execute0_lowered;
	s3 =	sadd.s32 s3, s5;
	[dreg:$0x0] =	wrdreg $0x0  }
0xa8: {  	s5 =	sshll.u32 s28, $0x1;
	[dreg:$0x2] =	wrdreg s3  }
0xa9: {  	[dreg:$0x3] =	wrdreg s5  }
0xaa: {  	[dreg:$0x4] =	wrdreg $0xC0  }
0xab: {  	_ =	task [dreg:s7], $0x5FFFF  }
0xac: {  	[dreg:$0x1] =	wrdreg $0xFFFFFFFF  }
0xad: {  	[dreg:$0x0] =	wrdreg $0x60  }
0xae: {  	[dreg:$0x2] =	wrdreg s24  }
0xaf: {  	[dreg:$0x3] =	wrdreg s2  }
0xb0: {  	[dreg:$0x4] =	wrdreg $0x90000  }
0xb1: {  	[dreg:$0x5] =	wrdreg $0x9  }
0xb2: {  	_ =	task.clear_ibuf [dreg:s7], $0x6FFFF;
	_ =	strace $0x90000049  }
0xb3: {  	s29 =	simm.s32 $0x9;
	_ =	strace $0x8000004B  }
0xb4: {  	_ =	swait.ge [sflag:s29], $0x1  }
0xb5: {  	[sflag:s29] =	ssyncadd.s32 $0xFFFFFFFF  }
0xb6: {  	_ =	strace $0x9000004B  }
0xb7: {  	_ =	sfence  }
0xb8: {  	s30 =	sld [smem:$0x0];
	_ =	sdelay $0x2  }
0xb9: {  	s31 =	sshll.u32 s1, $0xD;
	s1 =	sshrl.u32 s1, $0x2  }
0xba: {  	s3 =	sand.u32 $0x4000, s31;
	s1 =	sadd.s32 s1, s30  }
0xbb: {  	s0 =	sor.u32 s3, s0;
	s1 =	sshll.u32 s1, $0x11  }
0xbc: {  	s0 =	sor.u32 s1, s0  }
0xbd: {  	s0 =	sadd.s32 $0x8F2B, s0  }
0xbe: {  	[sflag:s0] =	ssyncadd.remote.s32 $0x1  }
0xbf: {  	_ =	sfence.sel $0xFFFF  }
0xc0: {  	[dreg:$0x0] =	wrdreg $0xFFFFFFFF;
	(pc) =	sbr.abs _section_cstart, $3  }
0xc1: {  	[dreg:$0x1] =	wrdreg $0xFFFFFFFF  }
0xc2: {  	_ =	task.clear_ibuf [dreg:s7], $0x2FFFF;
	_ =	strace $0x9FFFFFFF  }
0xc3: {  	(tm) =	ssettm $0x7FFFFFFF  }
tec
execute0_lowered:
.L_overlay_start_1:
0x0: {  	(tag) =	ssettag $0x1  }
0x1: {  	s0 =	rddreg [dreg:$0x0]  }
0x2: {  	s1 =	rddreg [dreg:$0x1];
	s3 =	srdreg.scid  }
0x3: {  	s12 =	stileid.u32;
	s2 =	rddreg [dreg:$0x2]  }
0x4: {  	s28 =	simm.s32 $0x80;
	s29 =	simm.s32 $0x5000;
	s31 =	simm.s32 $0x7000  }
0x5: {  	s30 =	simm.s32 $0x8800;
	s5 =	sand.u32 $0x1, s3;
	s7 =	smul.u32 $0xA000, s12  }
0x6: {  	s4 =	sshll.u32 s12, $0x1;
	s3 =	simm.s32 $0x0;
	s11 =	smul.u32 $0x2800, s12  }
0x7: {  	s18 =	sshll.u32 s12, $0x6;
	s12 =	simm.s32 $0x0;
	s4 =	sor.u32 s5, s4  }
0x8: {  	[smem:$0x7FF] =	sst s3;
	s8 =	ssub.s32 $0x2, s5;
	s9 =	smul.u32 $0x28000, s5  }
0x9: {  	s5 =	sadd.s32 $0x7400, s0;
	s6 =	smul.u32 $0x2800, s4;
	_ =	strace $0x8000004A  }
0xa: {  	s4 =	sadd.s32 $0x2400, s0;
	s10 =	sshrl.u32 s8, $0x1;
	s7 =	sshrl.u32 s7, $0x2  }
0xb: {  	s24 =	sadd.s32 $0x800, s11;
	s14 =	sadd.s32 s11, s2;
	s15 =	sadd.s32 $0x1000, s11  }
0xc: {  	s16 =	sadd.s32 $0x1800, s11;
	s17 =	ssub.s32 s8, s10;
	s13 =	sadd.s32 s7, s2  }
0xd: {  	s19 =	sadd.s32 s9, s11;
	s7 =	sor.u32 $0x1C09, s18;
	s18 =	sadd.s32 s9, s15  }
0xe: {  	s11 =	sadd.s32 $0x2000, s11;
	s15 =	sadd.s32 s15, s2;
	s10 =	simm.s32 $0x7  }
0xf: {  	s6 =	sshrl.u32 s6, $0x3;
	s8 =	sshrl.u32 s19, $0x3;
	s22 =	sadd.s32 $0x800, s13  }
0x10: {  	s23 =	sadd.s32 $0x1000, s13;
	s25 =	sadd.s32 $0x1800, s13;
	[dreg:$0x4] =	wrdreg s13  }
0x11: {  	s26 =	sadd.s32 $0x2000, s13;
	s6 =	sadd.s32 s6, s0;
	s21 =	sadd.s32 s1, s8  }
0x12: {  	s0 =	smax.u32 s17, $0x1;
	s17 =	sadd.s32 s9, s24;
	[dreg:$0x7] =	wrdreg s21  }
0x13: {  	s8 =	sadd.s32 s24, s2;
	s24 =	sshrl.u32 s26, $0x3;
	[dreg:$0x8] =	wrdreg s0  }
0x14: {  	s19 =	sadd.s32 s9, s16;
	s20 =	sadd.s32 $0x16400, s6;
	[dreg:$0x10] =	wrdreg s24  }
0x15: {  	s9 =	sadd.s32 s9, s11;
	s6 =	sadd.s32 $0x20400, s6;
	[dreg:$0x5] =	wrdreg s20  }
0x16: {  	s13 =	sshrl.u32 s17, $0x3;
	s0 =	sshrl.u32 s22, $0x3;
	[dreg:$0x6] =	wrdreg s6  }
0x17: {  	s9 =	sshrl.u32 s9, $0x3;
	s22 =	sshrl.u32 s23, $0x3;
	[dreg:$0xd] =	wrdreg s0  }
0x18: {  	s21 =	sadd.s32 s11, s2;
	s23 =	sshrl.u32 s25, $0x3;
	[dreg:$0xe] =	wrdreg s22  }
0x19: {  	s25 =	sshrl.u32 s14, $0x3;
	s26 =	sshrl.u32 s8, $0x3;
	[dreg:$0xf] =	wrdreg s23  }
0x1a: {  	s8 =	simm.s32 $0x3;
	s11 =	simm.s32 $0x8;
	[dreg:$0x11] =	wrdreg s25  }
0x1b: {  	s13 =	sadd.s32 s1, s13;
	s20 =	sadd.s32 s16, s2;
	[dreg:$0x12] =	wrdreg s26  }
0x1c: {  	s16 =	simm.s32 $0x9;
	[dreg:$0x9] =	wrdreg s13;
	s13 =	sshrl.u32 s18, $0x3  }
.Ltmp0:
0x1d: {  	s23 =	sshrl.u32 s15, $0x3;
	s13 =	sadd.s32 s1, s13;
	(pc) =	sbr.rel .LBB2_1-.Ltmp0, $4  }
0x1e: {  	s25 =	sshrl.u32 s21, $0x3;
	[dreg:$0xa] =	wrdreg s13;
	s13 =	sshrl.u32 s19, $0x3  }
0x1f: {  	s0 =	simm.s32 $0x8000;
	s26 =	simm.s32 $0x1;
	s13 =	sadd.s32 s1, s13  }
0x20: {  	s24 =	sshrl.u32 s20, $0x3;
	s1 =	sadd.s32 s1, s9;
	[dreg:$0xb] =	wrdreg s13  }
0x21: {  	s9 =	simm.s32 $0x5;
	[dreg:$0xc] =	wrdreg s1;
	s1 =	simm.s32 $0x6000  }
.LBB2_4:
0x22: {  	_ =	swait.ge [sflag:s11], $0x800  }
0x23: {  	[sflag:s11] =	ssyncset.done $0x0  }
0x24: {  	[sflag:s11] =	ssyncadd.s32 $0xFFFFF800  }
0x25: {  	[spmem:s2] =	stream.indirect.scatter.add.f32 [tilespmem:s30], [sflag:$0x9], $0x10, s6, s28, $0xb8;
	[tilespmem:$0xB800] =	vst v63  }
0x26: {  	_ =	swait.ge [sflag:s16], $0x800  }
0x27: {  	[sflag:s16] =	ssyncset.done $0x0  }
0x28: {  	[sflag:s16] =	ssyncadd.s32 $0xFFFFF800  }
0x29: {  	[bflag:$0x0] =	sbarrier.arrive $0xFFFF  }
0x2a: {  	s15 =	rddreg [dreg:$0x7]  }
0x2b: {  	s13 =	rddreg [dreg:$0x11]  }
0x2c: {  	[hbm:s15], [sflag:s7] =	dma.local [spmem:s13], $0x100  }
0x2d: {  	_ =	swait.ge [sflag:s16], $0x100  }
0x2e: {  	[sflag:s16] =	ssyncset.done $0x0;
	s17 =	rddreg [dreg:$0x9]  }
0x2f: {  	s18 =	rddreg [dreg:$0x12];
	[sflag:s16] =	ssyncadd.s32 $0xFFFFFF00  }
0x30: {  	[hbm:s17], [sflag:s7] =	dma.local [spmem:s18], $0x100  }
0x31: {  	_ =	swait.ge [sflag:s16], $0x100  }
0x32: {  	[sflag:s16] =	ssyncset.done $0x0  }
0x33: {  	s19 =	rddreg [dreg:$0xa];
	[sflag:s16] =	ssyncadd.s32 $0xFFFFFF00  }
0x34: {  	[hbm:s19], [sflag:s7] =	dma.local [spmem:s23], $0x100  }
0x35: {  	_ =	swait.ge [sflag:s16], $0x100  }
0x36: {  	[sflag:s16] =	ssyncset.done $0x0  }
0x37: {  	s20 =	rddreg [dreg:$0xb];
	[sflag:s16] =	ssyncadd.s32 $0xFFFFFF00  }
0x38: {  	[hbm:s20], [sflag:s7] =	dma.local [spmem:s24], $0x100  }
0x39: {  	_ =	swait.ge [sflag:s16], $0x100  }
0x3a: {  	[sflag:s16] =	ssyncset.done $0x0  }
0x3b: {  	s21 =	rddreg [dreg:$0xc];
	[sflag:s16] =	ssyncadd.s32 $0xFFFFFF00  }
0x3c: {  	[hbm:s21], [sflag:s7] =	dma.local [spmem:s25], $0x100  }
0x3d: {  	_ =	swait.ge [sflag:s16], $0x100  }
0x3e: {  	s12 =	sadd.s32 $0x1, s12;
	s22 =	rddreg [dreg:$0x8]  }
0x3f: {  	p0 =	sne.s32 s12, s22  }
.Ltmp1:
0x40: {  	_ = 	snop;
	(pc) =	sbr.rel @!p0 .LBB2_5-.Ltmp1, $3  }
0x41: {  	_ =	sdelay $0x1  }
0x42: {  	[sflag:s16] =	ssyncset.done $0x0  }
0x43: {  	[sflag:s16] =	ssyncadd.s32 $0xFFFFFF00  }
.LBB2_1:
0x44: {  	s6 =	rddreg [dreg:$0x4]  }
0x45: {  	s6 =	sshrl.u32 s6, $0x3  }
0x46: {  	[spmem:s6], [sflag:s7] =	dma.local [hbm:s5], $0x100  }
0x47: {  	_ =	swait.ge [sflag:s16], $0x100  }
0x48: {  	[sflag:s16] =	ssyncset.done $0x0  }
0x49: {  	s17 =	rddreg [dreg:$0xd];
	[sflag:s16] =	ssyncadd.s32 $0xFFFFFF00  }
0x4a: {  	[spmem:s17], [sflag:s7] =	dma.local [hbm:s5], $0x100  }
0x4b: {  	_ =	swait.ge [sflag:s16], $0x100  }
0x4c: {  	[sflag:s16] =	ssyncset.done $0x0  }
0x4d: {  	s18 =	rddreg [dreg:$0xe];
	[sflag:s16] =	ssyncadd.s32 $0xFFFFFF00  }
0x4e: {  	[spmem:s18], [sflag:s7] =	dma.local [hbm:s5], $0x100  }
0x4f: {  	_ =	swait.ge [sflag:s16], $0x100  }
0x50: {  	[sflag:s16] =	ssyncset.done $0x0  }
0x51: {  	s19 =	rddreg [dreg:$0xf];
	[sflag:s16] =	ssyncadd.s32 $0xFFFFFF00  }
0x52: {  	[spmem:s19], [sflag:s7] =	dma.local [hbm:s5], $0x100  }
0x53: {  	_ =	swait.ge [sflag:s16], $0x100  }
0x54: {  	[sflag:s16] =	ssyncset.done $0x0  }
0x55: {  	s20 =	rddreg [dreg:$0x10];
	[sflag:s16] =	ssyncadd.s32 $0xFFFFFF00  }
0x56: {  	[spmem:s20], [sflag:s7] =	dma.local [hbm:s5], $0x100  }
0x57: {  	_ =	swait.ge [sflag:s16], $0x100  }
0x58: {  	[sflag:s16] =	ssyncset.done $0x0  }
0x59: {  	s21 =	rddreg [dreg:$0x5];
	[sflag:s16] =	ssyncadd.s32 $0xFFFFFF00  }
0x5a: {  	[tilespmem:s3], [sflag:$0x9] =	stream.linear.gather [hbm4b:s21+s3], $0x2800, $0x38;
	[tilespmem:$0xB800] =	vst v63  }
0x5b: {  	_ =	swait.ge [sflag:s16], $0x2800  }
0x5c: {  	[sflag:s16] =	ssyncset.done $0x0  }
0x5d: {  	s13 =	simm.s32 $0x2800;
	s22 =	rddreg [dreg:$0x6];
	[sflag:s16] =	ssyncadd.s32 $0xFFFFD800  }
0x5e: {  	[tilespmem:s13], [sflag:$0x9] =	stream.linear.gather [hbm4b:s22+s3], $0x2800, $0x38;
	[tilespmem:$0xB800] =	vst v63  }
0x5f: {  	_ =	swait.ge [sflag:s16], $0x2800  }
0x60: {  	[sflag:s16] =	ssyncset.done $0x0  }
0x61: {  	[sflag:s16] =	ssyncadd.s32 $0xFFFFD800  }
0x62: {  	[bflag:$0x0] =	sbarrier.arrive $0xFFFF  }
0x63: {  	[tilespmem:s29], [sflag:$0x1] =	stream.indirect.gather [hbm4b:s4+s28], $0x10, s3, s28, $0xb8;
	[tilespmem:$0xB800] =	vst v63  }
0x64: {  	s13 =	simm.s32 $0x5800  }
0x65: {  	[tilespmem:s13], [sflag:$0x2] =	stream.indirect.gather [hbm4b:s4+s28], $0x10, s28, s28, $0xb8;
	[tilespmem:$0xB800] =	vst v63  }
0x66: {  	s14 =	simm.s32 $0x100  }
0x67: {  	[tilespmem:s1], [sflag:$0x3] =	stream.indirect.gather [hbm4b:s4+s28], $0x10, s14, s28, $0xb8;
	[tilespmem:$0xB800] =	vst v63  }
0x68: {  	s15 =	simm.s32 $0x180;
	s17 =	simm.s32 $0x6800  }
0x69: {  	[tilespmem:s17], [sflag:$0x4] =	stream.indirect.gather [hbm4b:s4+s28], $0x10, s15, s28, $0xb8;
	[tilespmem:$0xB800] =	vst v63  }
0x6a: {  	s18 =	simm.s32 $0x200  }
0x6b: {  	[tilespmem:s31], [sflag:$0x5] =	stream.indirect.gather [hbm4b:s4+s28], $0x10, s18, s28, $0xb8;
	[tilespmem:$0xB800] =	vst v63  }
0x6c: {  	s19 =	simm.s32 $0x280;
	s20 =	simm.s32 $0x7800  }
0x6d: {  	[tilespmem:s20], [sflag:$0x6] =	stream.indirect.gather [hbm4b:s4+s28], $0x10, s19, s28, $0xb8;
	[tilespmem:$0xB800] =	vst v63  }
0x6e: {  	s21 =	simm.s32 $0x300  }
0x6f: {  	[tilespmem:s0], [sflag:$0x7] =	stream.indirect.gather [hbm4b:s4+s28], $0x10, s21, s28, $0xb8;
	[tilespmem:$0xB800] =	vst v63  }
0x70: {  	s22 =	simm.s32 $0x380;
	s13 =	simm.s32 $0x0  }
0x71: {  	[tilespmem:s30], [sflag:$0x8] =	stream.indirect.gather [hbm4b:s4+s28], $0x10, s22, s28, $0xb8;
	[tilespmem:$0xB800] =	vst v63  }
.LBB2_2:
0x72: {  	_ =	swait.ge [sflag:s26], $0x800  }
0x73: {  	s14 =	sshra.s32 s13, $0x2;
	[sflag:s26] =	ssyncset.done $0x0  }
0x74: {  	s6 =	sadd.s32 $0x2800, s14;
	[sflag:s26] =	ssyncadd.s32 $0xFFFFF800  }
0x75: {  	[spmem:s2] =	stream.indirect.scatter.add.f32 [tilespmem:s29], [sflag:$0x9], $0x10, s6, s28, $0xb8;
	[tilespmem:$0xB800] =	vst v63  }
0x76: {  	_ =	swait.ge [sflag:s16], $0x800  }
0x77: {  	p0 =	seq.s32 s13, $0x9000;
	[sflag:s16] =	ssyncset.done $0x0  }
0x78: {  	s6 =	simm.s32 @p0 $0x2;
	[sflag:s16] =	ssyncadd.s32 $0xFFFFF800  }
0x79: {  	s17 =	sshra.s32 @p0 s13, $0x2;
	_ =	swait.ge @p0 [sflag:s6], $0x800  }
0x7a: {  	s18 =	simm.s32 @p0 $0x80;
	s15 =	simm.s32 @p0 $0x5800;
	[sflag:s6] =	ssyncset.done @p0 $0x0  }
0x7b: {  	s19 =	simm.s32 @p0 $0x9;
	[sflag:s6] =	ssyncadd.s32 @p0 $0xFFFFF800;
	s6 =	sadd.s32 @p0 $0x2880, s17  }
0x7c: {  	[spmem:s2] =	stream.indirect.scatter.add.f32 @p0 [tilespmem:s15], [sflag:$0x9], $0x10, s6, s18, $0xb8;
	[tilespmem:$0xB800] =	vst v63  }
0x7d: {  	_ =	swait.ge @p0 [sflag:s19], $0x800  }
0x7e: {  	s21 =	simm.s32 @!p0 $0x5000;
	s15 =	sshra.s32 @!p0 s13, $0x2;
	[sflag:s19] =	ssyncset.done @p0 $0x0  }
0x7f: {  	s6 =	simm.s32 @!p0 $0x80;
	s20 =	sadd.s32 @!p0 $0x400, s15;
	[sflag:s19] =	ssyncadd.s32 @p0 $0xFFFFF800  }
0x80: {  	[tilespmem:s21], [sflag:$0x1] =	stream.indirect.gather @!p0 [hbm4b:s4+s6], $0x10, s20, s6, $0xb8;
	[tilespmem:$0xB800] =	vst v63  }
0x81: {  	s20 =	simm.s32 @!p0 $0x2  }
0x82: {  	_ =	swait.ge @!p0 [sflag:s20], $0x800  }
0x83: {  	[sflag:s20] =	ssyncset.done @!p0 $0x0  }
0x84: {  	s21 =	simm.s32 @!p0 $0x5800;
	[sflag:s20] =	ssyncadd.s32 @!p0 $0xFFFFF800;
	s20 =	sadd.s32 @!p0 $0x2880, s15  }
0x85: {  	[spmem:s2] =	stream.indirect.scatter.add.f32 @!p0 [tilespmem:s21], [sflag:$0x9], $0x10, s20, s6, $0xb8;
	[tilespmem:$0xB800] =	vst v63  }
0x86: {  	s20 =	simm.s32 @!p0 $0x9  }
0x87: {  	_ =	swait.ge @!p0 [sflag:s20], $0x800  }
0x88: {  	[sflag:s20] =	ssyncset.done @!p0 $0x0  }
0x89: {  	s22 =	sadd.s32 @!p0 $0x480, s15;
	[sflag:s20] =	ssyncadd.s32 @!p0 $0xFFFFF800  }
0x8a: {  	[tilespmem:s21], [sflag:$0x2] =	stream.indirect.gather @!p0 [hbm4b:s4+s6], $0x10, s22, s6, $0xb8;
	[tilespmem:$0xB800] =	vst v63  }
0x8b: {  	_ =	swait.ge [sflag:s8], $0x800  }
0x8c: {  	[sflag:s8] =	ssyncset.done $0x0  }
0x8d: {  	s22 =	sadd.s32 $0x2900, s14;
	[sflag:s8] =	ssyncadd.s32 $0xFFFFF800  }
0x8e: {  	[spmem:s2] =	stream.indirect.scatter.add.f32 [tilespmem:s1], [sflag:$0x9], $0x10, s22, s28, $0xb8;
	[tilespmem:$0xB800] =	vst v63  }
0x8f: {  	_ =	swait.ge [sflag:s16], $0x800  }
0x90: {  	[sflag:s16] =	ssyncset.done $0x0  }
0x91: {  	s21 =	simm.s32 @p0 $0x4;
	[sflag:s16] =	ssyncadd.s32 $0xFFFFF800  }
0x92: {  	_ =	swait.ge @p0 [sflag:s21], $0x800  }
0x93: {  	[sflag:s21] =	ssyncset.done @p0 $0x0  }
0x94: {  	s22 =	simm.s32 @p0 $0x6800;
	[sflag:s21] =	ssyncadd.s32 @p0 $0xFFFFF800;
	s21 =	sadd.s32 @p0 $0x2980, s17  }
0x95: {  	[spmem:s2] =	stream.indirect.scatter.add.f32 @p0 [tilespmem:s22], [sflag:$0x9], $0x10, s21, s18, $0xb8;
	[tilespmem:$0xB800] =	vst v63  }
0x96: {  	_ =	swait.ge @p0 [sflag:s19], $0x800  }
0x97: {  	[sflag:s19] =	ssyncset.done @p0 $0x0  }
0x98: {  	s21 =	sadd.s32 @!p0 $0x500, s15;
	s22 =	simm.s32 @!p0 $0x6000;
	[sflag:s19] =	ssyncadd.s32 @p0 $0xFFFFF800  }
0x99: {  	[tilespmem:s22], [sflag:$0x3] =	stream.indirect.gather @!p0 [hbm4b:s4+s6], $0x10, s21, s6, $0xb8;
	[tilespmem:$0xB800] =	vst v63  }
0x9a: {  	s21 =	simm.s32 @!p0 $0x4  }
0x9b: {  	_ =	swait.ge @!p0 [sflag:s21], $0x800  }
0x9c: {  	[sflag:s21] =	ssyncset.done @!p0 $0x0  }
0x9d: {  	s22 =	simm.s32 @!p0 $0x6800;
	[sflag:s21] =	ssyncadd.s32 @!p0 $0xFFFFF800;
	s21 =	sadd.s32 @!p0 $0x2980, s15  }
0x9e: {  	[spmem:s2] =	stream.indirect.scatter.add.f32 @!p0 [tilespmem:s22], [sflag:$0x9], $0x10, s21, s6, $0xb8;
	[tilespmem:$0xB800] =	vst v63  }
0x9f: {  	_ =	swait.ge @!p0 [sflag:s20], $0x800  }
0xa0: {  	[sflag:s20] =	ssyncset.done @!p0 $0x0  }
0xa1: {  	s21 =	sadd.s32 @!p0 $0x580, s15;
	[sflag:s20] =	ssyncadd.s32 @!p0 $0xFFFFF800  }
0xa2: {  	[tilespmem:s22], [sflag:$0x4] =	stream.indirect.gather @!p0 [hbm4b:s4+s6], $0x10, s21, s6, $0xb8;
	[tilespmem:$0xB800] =	vst v63  }
0xa3: {  	_ =	swait.ge [sflag:s9], $0x800  }
0xa4: {  	[sflag:s9] =	ssyncset.done $0x0  }
0xa5: {  	s22 =	sadd.s32 $0x2A00, s14;
	[sflag:s9] =	ssyncadd.s32 $0xFFFFF800  }
0xa6: {  	[spmem:s2] =	stream.indirect.scatter.add.f32 [tilespmem:s31], [sflag:$0x9], $0x10, s22, s28, $0xb8;
	[tilespmem:$0xB800] =	vst v63  }
0xa7: {  	_ =	swait.ge [sflag:s16], $0x800  }
0xa8: {  	[sflag:s16] =	ssyncset.done $0x0  }
0xa9: {  	s21 =	simm.s32 @p0 $0x6;
	[sflag:s16] =	ssyncadd.s32 $0xFFFFF800  }
0xaa: {  	_ =	swait.ge @p0 [sflag:s21], $0x800  }
0xab: {  	[sflag:s21] =	ssyncset.done @p0 $0x0  }
0xac: {  	s17 =	sadd.s32 @p0 $0x2A80, s17;
	[sflag:s21] =	ssyncadd.s32 @p0 $0xFFFFF800;
	s21 =	simm.s32 @p0 $0x7800  }
0xad: {  	[spmem:s2] =	stream.indirect.scatter.add.f32 @p0 [tilespmem:s21], [sflag:$0x9], $0x10, s17, s18, $0xb8;
	[tilespmem:$0xB800] =	vst v63  }
0xae: {  	_ =	swait.ge @p0 [sflag:s19], $0x800  }
0xaf: {  	[sflag:s19] =	ssyncset.done @p0 $0x0  }
0xb0: {  	s17 =	sadd.s32 @!p0 $0x600, s15;
	s18 =	simm.s32 @!p0 $0x7000;
	[sflag:s19] =	ssyncadd.s32 @p0 $0xFFFFF800  }
0xb1: {  	[tilespmem:s18], [sflag:$0x5] =	stream.indirect.gather @!p0 [hbm4b:s4+s6], $0x10, s17, s6, $0xb8;
	[tilespmem:$0xB800] =	vst v63  }
0xb2: {  	s17 =	simm.s32 @!p0 $0x6  }
0xb3: {  	_ =	swait.ge @!p0 [sflag:s17], $0x800  }
0xb4: {  	[sflag:s17] =	ssyncset.done @!p0 $0x0  }
0xb5: {  	s18 =	simm.s32 @!p0 $0x7800;
	[sflag:s17] =	ssyncadd.s32 @!p0 $0xFFFFF800;
	s17 =	sadd.s32 @!p0 $0x2A80, s15  }
0xb6: {  	[spmem:s2] =	stream.indirect.scatter.add.f32 @!p0 [tilespmem:s18], [sflag:$0x9], $0x10, s17, s6, $0xb8;
	[tilespmem:$0xB800] =	vst v63  }
0xb7: {  	_ =	swait.ge @!p0 [sflag:s20], $0x800  }
0xb8: {  	[sflag:s20] =	ssyncset.done @!p0 $0x0  }
0xb9: {  	s15 =	sadd.s32 @!p0 $0x680, s15;
	[sflag:s20] =	ssyncadd.s32 @!p0 $0xFFFFF800  }
0xba: {  	[tilespmem:s18], [sflag:$0x6] =	stream.indirect.gather @!p0 [hbm4b:s4+s6], $0x10, s15, s6, $0xb8;
	[tilespmem:$0xB800] =	vst v63  }
0xbb: {  	_ =	swait.ge [sflag:s10], $0x800  }
0xbc: {  	[sflag:s10] =	ssyncset.done $0x0  }
.Ltmp2:
0xbd: {  	s22 =	sadd.s32 $0x2B00, s14;
	[sflag:s10] =	ssyncadd.s32 $0xFFFFF800;
	(pc) =	sbr.rel @p0 .LBB2_4-.Ltmp2, $4  }
0xbe: {  	[spmem:s2] =	stream.indirect.scatter.add.f32 [tilespmem:s0], [sflag:$0x9], $0x10, s22, s28, $0xb8;
	[tilespmem:$0xB800] =	vst v63  }
0xbf: {  	_ =	swait.ge [sflag:s16], $0x800  }
0xc0: {  	[sflag:s16] =	ssyncset.done $0x0  }
0xc1: {  	s6 =	sadd.s32 $0x2B80, s14;
	[sflag:s16] =	ssyncadd.s32 $0xFFFFF800  }
0xc2: {  	s15 =	sadd.s32 $0x700, s14  }
0xc3: {  	[tilespmem:s0], [sflag:$0x7] =	stream.indirect.gather [hbm4b:s4+s28], $0x10, s15, s28, $0xb8;
	[tilespmem:$0xB800] =	vst v63  }
0xc4: {  	_ =	swait.ge [sflag:s11], $0x800  }
0xc5: {  	[sflag:s11] =	ssyncset.done $0x0  }
0xc6: {  	[sflag:s11] =	ssyncadd.s32 $0xFFFFF800  }
0xc7: {  	[spmem:s2] =	stream.indirect.scatter.add.f32 [tilespmem:s30], [sflag:$0x9], $0x10, s6, s28, $0xb8;
	[tilespmem:$0xB800] =	vst v63  }
.Ltmp3:
0xc8: {  	_ = 	snop;
	(pc) =	sbr.rel .LBB2_2-.Ltmp3, $4  }
0xc9: {  	_ =	swait.ge [sflag:s16], $0x800  }
0xca: {  	[sflag:s16] =	ssyncset.done $0x0  }
0xcb: {  	s22 =	sadd.s32 $0x780, s14;
	s13 =	sadd.s32 $0x1000, s13;
	[sflag:s16] =	ssyncadd.s32 $0xFFFFF800  }
0xcc: {  	[tilespmem:s30], [sflag:$0x8] =	stream.indirect.gather [hbm4b:s4+s28], $0x10, s22, s28, $0xb8;
	[tilespmem:$0xB800] =	vst v63  }
.LBB2_5:
0xcd: {  	_ =	sfence.sel $0x180000  }
0xce: {  	[bflag:$0x0] =	sbarrier.arrive $0xFFFF  }
0xcf: {  	_ =	strace $0x9000004A  }
0xd0: {  	s0 =	stileid.u32;
	[bflag:$0x2] =	sbarrier.arrive $0xFFFF  }
0xd1: {  	p0 =	sne.s32 s0, $0x0;
	s0 =	rddreg [dreg:$0x3]  }
0xd2: {  	s0 =	sadd.s32 @!p0 $0x100000, s0  }
0xd3: {  	[sflag:s0] =	ssyncadd.tile.s32 @!p0 $0x1;
	_ =	shalt  }
.Lfunc_end2:
_tile_overlayer_lowered:
.L_overlay_start_2:
0xd4: {  	(tag) =	ssettag $0x2  }
0xd5: {  	s0 =	rddreg [dreg:$0x0];
	s2 =	stileid.u32  }
0xd6: {  	s1 =	rddreg [dreg:$0x1];
	p0 =	sne.s32 s2, $0x0  }
0xd7: {  	s3 =	rddreg [dreg:$0x2];
	[bflag:$0x3] =	sbarrier.arrive $0xFFFF;
	s2 =	simm.s32 @!p0 $0x1C09  }
0xd8: {  	[timem:s3], [sflag:s2] =	dma.local @!p0 [hbm:s0], s1  }
0xd9: {  	s0 =	simm.s32 @!p0 $0x9  }
0xda: {  	_ =	swait.ge @!p0 [sflag:s0], s1  }
0xdb: {  	s1 =	ssub.s32 @!p0 $0x0, s1;
	[sflag:s0] =	ssyncset.done @!p0 $0x0  }
0xdc: {  	[sflag:s0] =	ssyncadd.s32 @!p0 s1  }
0xdd: {  	[bflag:$0x3] =	sbarrier.arrive $0xFFFF  }
0xde: {  	_ =	shalt  }

// kernel: kernel.14.cloned.1.call-start
scs
__scs_entry_jumppad:
0x0: {  	(pc) =	sbr.rel $0x88, $3  }
0x1: {  	(tag) =	ssettag $0x0;
	lr =	simm.s32 $0x1  }
0x2: {  	[smem:$0x3F9B] =	sst lr;
	_ =	strace $0xD0000000  }
0x3: {  	_ = 	snop  }
0x4: {  	_ = 	snop  }
0x5: {  	_ = 	snop  }
0x6: {  	_ = 	snop  }
0x7: {  	_ = 	snop  }
__scs_overlays_trampoline_lowered:
0x8: {  	[smem:$0x3FAA] =	sst s0  }
0x9: {  	[smem:$0x3FAB] =	sst s1  }
0xa: {  	[smem:$0x3FAC] =	sst s2  }
0xb: {  	[smem:$0x3FAD] =	sst s3  }
0xc: {  	[smem:$0x3FAE] =	sst s4  }
0xd: {  	[smem:$0x3FAF] =	sst s5  }
0xe: {  	[smem:$0x3FB0] =	sst s6  }
0xf: {  	[smem:$0x3FB1] =	sst s7  }
0x10: {  	[smem:$0x3FB2] =	sst s8  }
0x11: {  	[smem:$0x3FB3] =	sst s9;
	s0 =	simm.s32 @!p0 $0x0  }
0x12: {  	s1 =	sld [smem:$0x3F99];
	s0 =	simm.s32 @p0 $0x1  }
0x13: {  	[smem:$0x3FB4] =	sst s0;
	s0 =	simm.s32 @!p1 $0x0  }
0x14: {  	s2 =	sld [smem:$0x3F98];
	s0 =	simm.s32 @p1 $0x1  }
0x15: {  	[smem:$0x3FB5] =	sst s0;
	s0 =	simm.s32 @!p2 $0x0  }
0x16: {  	s3 =	sld [smem:$0x3FDB];
	s0 =	simm.s32 @p2 $0x1  }
0x17: {  	s4 =	simm.s32 $0x1BF5;
	[smem:$0x3FB7] =	sst s0  }
0x18: {  	s0 =	sld [smem:$0x3F9A];
	_ =	swait.ge [sflag:s4], $0x0  }
0x19: {  	s7 =	sld [smem:$0x3F9B]  }
0x1a: {  	s8 =	sadd.s32 $0xFFFFE003, lr  }
0x1b: {  	s9 =	sadd.s32 $0xFFFFFEF7, lr;
	s5 =	simm.s32 $0xFFFFFFFF;
	p2 =	slt.u32 s8, $0xFFFFF086  }
0x1c: {  	p1 =	slt.u32 s9, $0xF7A;
	s5 =	simm.s32 @!p2 $0x0  }
0x1d: {  	s5 =	simm.s32 @p1 $0x1;
	p0 =	seq.s32 s7, s2  }
0x1e: {  	s7 =	smul.u32 @!p0 $0xF7A, s2;
	p2 =	seq.s32 @!p0 s5, $0x0  }
0x1f: {  	s9 =	smul.u32 $0xF7A, s1;
	s8 =	simm.s32 @!p0 $0x1BF5;
	p2 =	por !p2, p0  }
0x20: {  	[sflag:s8] =	ssyncset.s32 @!p0 $0xFFFFF086;
	s6 =	sadd.s32 @!p0 s3, s7;
	s7 =	simm.s32 @!p0 $0x108  }
0x21: {  	s3 =	sadd.s32 s3, s9;
	s6 =	sadd.s32 @!p0 $0x88, s6;
	s7 =	simm.s32 @p2 $0x1082  }
0x22: {  	[simem:s7], [sflag:s8] =	dma.local @!p0 [hbm:s6], $0xF7A  }
0x23: {  	s9 =	sor.u32 $0xD0000000, s2;
	s6 =	simm.s32 $0x108;
	_ =	swait.ge @!p0 [sflag:s8], $0x0  }
0x24: {  	s3 =	sadd.s32 $0x88, s3;
	s6 =	simm.s32 @!p1 $0x1082;
	[sflag:s4] =	ssyncset.s32 $0xFFFFF086  }
0x25: {  	[simem:s6], [sflag:s4] =	dma.local [hbm:s3], $0xF7A  }
0x26: {  	[smem:$0x3F9B] =	sst s1;
	(tag) =	ssettag s2;
	_ =	strace s9  }
0x27: {  	s1 =	sld [smem:$0x3FAB]  }
0x28: {  	s2 =	sld [smem:$0x3FAC]  }
0x29: {  	s4 =	sld [smem:$0x3FAE]  }
0x2a: {  	p0 =	seq.s32 s5, $0x0;
	s5 =	sld [smem:$0x3FAF]  }
0x2b: {  	s6 =	sld [smem:$0x3FB0]  }
0x2c: {  	s7 =	sld [smem:$0x3FB1]  }
0x2d: {  	s3 =	simm.s32 $0x108;
	s8 =	sld [smem:$0x3FB2]  }
0x2e: {  	s3 =	simm.s32 @!p0 $0x1082;
	s9 =	sld [smem:$0x3FB3]  }
0x2f: {  	lr =	sadd.s32 s0, s3;
	s0 =	sld [smem:$0x3FAA]  }
0x30: {  	s3 =	sld [smem:$0x3FAD]  }
0x31: {  	[smem:$0x3FB6] =	sst s10  }
0x32: {  	s10 =	sld [smem:$0x3FB4];
	_ =	sdelay $0x3  }
0x33: {  	p0 =	seq.s32 s10, $0x1;
	s10 =	sld [smem:$0x3FB6];
	_ =	sdelay $0x3  }
0x34: {  	[smem:$0x3FB6] =	sst s10  }
0x35: {  	s10 =	sld [smem:$0x3FB5];
	_ =	sdelay $0x3  }
0x36: {  	p1 =	seq.s32 s10, $0x1;
	s10 =	sld [smem:$0x3FB6];
	_ =	sdelay $0x3  }
0x37: {  	[smem:$0x3FB6] =	sst s10  }
0x38: {  	s10 =	sld [smem:$0x3FB7]  }
0x39: {  	_ = 	snop;
	(pc) =	sbr.ind lr, $3  }
0x3a: {  	_ = 	snop  }
0x3b: {  	_ = 	snop  }
0x3c: {  	p2 =	seq.s32 s10, $0x1;
	s10 =	sld [smem:$0x3FB6]  }
0x3d: {  	_ =	shalt  }
0x3e: {  	_ =	shalt  }
0x3f: {  	_ =	shalt  }
0x40: {  	_ =	shalt  }
0x41: {  	_ =	shalt  }
0x42: {  	_ =	shalt  }
0x43: {  	_ =	shalt  }
0x44: {  	_ =	shalt  }
0x45: {  	_ =	shalt  }
0x46: {  	_ =	shalt  }
0x47: {  	_ =	shalt  }
0x48: {  	_ =	shalt  }
0x49: {  	_ =	shalt  }
0x4a: {  	_ =	shalt  }
0x4b: {  	_ =	shalt  }
0x4c: {  	_ =	shalt  }
0x4d: {  	_ =	shalt  }
0x4e: {  	_ =	shalt  }
0x4f: {  	_ =	shalt  }
0x50: {  	_ =	shalt  }
0x51: {  	_ =	shalt  }
0x52: {  	_ =	shalt  }
0x53: {  	_ =	shalt  }
0x54: {  	_ =	shalt  }
0x55: {  	_ =	shalt  }
0x56: {  	_ =	shalt  }
0x57: {  	_ =	shalt  }
0x58: {  	_ =	shalt  }
0x59: {  	_ =	shalt  }
0x5a: {  	_ =	shalt  }
0x5b: {  	_ =	shalt  }
0x5c: {  	_ =	shalt  }
0x5d: {  	_ =	shalt  }
0x5e: {  	_ =	shalt  }
0x5f: {  	_ =	shalt  }
0x60: {  	_ =	shalt  }
0x61: {  	_ =	shalt  }
0x62: {  	_ =	shalt  }
0x63: {  	_ =	shalt  }
0x64: {  	_ =	shalt  }
0x65: {  	_ =	shalt  }
0x66: {  	_ =	shalt  }
0x67: {  	_ =	shalt  }
0x68: {  	_ =	shalt  }
0x69: {  	_ =	shalt  }
0x6a: {  	_ =	shalt  }
0x6b: {  	_ =	shalt  }
0x6c: {  	_ =	shalt  }
0x6d: {  	_ =	shalt  }
0x6e: {  	_ =	shalt  }
0x6f: {  	_ =	shalt  }
0x70: {  	_ =	shalt  }
0x71: {  	_ =	shalt  }
0x72: {  	_ =	shalt  }
0x73: {  	_ =	shalt  }
0x74: {  	_ =	shalt  }
0x75: {  	_ =	shalt  }
0x76: {  	_ =	shalt  }
0x77: {  	_ =	shalt  }
0x78: {  	_ =	shalt  }
0x79: {  	_ =	shalt  }
0x7a: {  	_ =	shalt  }
0x7b: {  	_ =	shalt  }
0x7c: {  	_ =	shalt  }
0x7d: {  	_ =	shalt  }
0x7e: {  	_ =	shalt  }
0x7f: {  	_ =	shalt  }
0x80: {  	_ =	shalt  }
0x81: {  	_ =	shalt  }
0x82: {  	_ =	shalt  }
0x83: {  	_ =	shalt  }
0x84: {  	_ =	shalt  }
0x85: {  	_ =	shalt  }
0x86: {  	_ =	shalt  }
0x87: {  	_ =	shalt  }
.Lfunc_end0:
.L_simem_size_0:
called_computation.2_lowered:
.L_overlay_start_0:
0x88: {  	s2 =	sld [smem:$0x3FD9]  }
0x89: {  	s3 =	sld [smem:$0x3FFE];
	_ =	sdelay $0x1  }
0x8a: {  	s1 =	srdreg.scid  }
0x8b: {  	s0 =	sand.u32 $0x1, s1  }
0x8c: {  	s17 =	sshll.u32 s0, $0xA;
	s2 =	sadd.s32 s3, s2  }
0x8d: {  	s2 =	sadd.s32 s2, s17  }
0x8e: {  	[smem:$0x3FC2] =	sst s2  }
0x8f: {  	_ = 	snop  }
0x90: {  	s2 =	sld [smem:$0x3FD0];
	(tm) =	ssettm $0x1  }
0x91: {  	s18 =	sld [smem:$0x3FFB];
	_ =	sdelay $0x3  }
0x92: {  	_ =	strace s18  }
0x93: {  	s3 =	sld [smem:$0x3FFC];
	_ =	sdelay $0x3  }
0x94: {  	_ =	strace s3  }
0x95: {  	s3 =	sld [smem:$0x3FFD];
	_ =	sdelay $0x3  }
0x96: {  	_ =	strace s3  }
0x97: {  	_ =	strace $0x8FFFFFFF  }
0x98: {  	s19 =	sld [smem:$0x3FDB];
	_ =	sdelay $0x1  }
0x99: {  	s4 =	simm.s32 $_scs_section_size  }
0x9a: {  	s5 =	simm.s32 $_size__tile_overlayer_lowered;
	s6 =	simm.s32 $_tile_overlayer_lowered  }
0x9b: {  	s22 =	simm.s32 $0x1BFF;
	s21 =	sshll.u32 s6, $0x1;
	s3 =	sadd.s32 s4, s19  }
0x9c: {  	s7 =	simm.s32 $0x0;
	s20 =	sshll.u32 s5, $0x1;
	s5 =	sadd.s32 s21, s3  }
0x9d: {  	[timem:s7], [sflag:s22] =	dma.local [hbm:s5], s20  }
0x9e: {  	_ =	swait.ge [sflag:s22], s20  }
0x9f: {  	s4 =	ssub.s32 $0x0, s20;
	[sflag:s22] =	ssyncset.done $0x0  }
0xa0: {  	[sflag:s22] =	ssyncadd.s32 s4;
	_ =	sdelay $0x1  }
0xa1: {  	s23 =	simm.s32 $0x1B8B  }
0xa2: {  	_ =	swait.ge [sflag:s23], $0x1  }
0xa3: {  	[sflag:s23] =	ssyncset.done $0x0  }
0xa4: {  	s25 =	simm.s32 $0x1B8E;
	s24 =	sld [smem:$0x3FFE];
	[sflag:s23] =	ssyncadd.s32 $0xFFFFFFFF  }
0xa5: {  	s26 =	simm.s32 $execute0_lowered;
	[smem:$0x3FD2] =	sst s25  }
0xa6: {  	s5 =	sshll.u32 s26, $0x1;
	_ =	strace $0x8000004C;
	[dreg:$0x1] =	wrdreg $0xFFFFFFFF  }
0xa7: {  	s28 =	simm.s32 $_size_execute0_lowered;
	s3 =	sadd.s32 s3, s5;
	[dreg:$0x0] =	wrdreg $0x0  }
0xa8: {  	s5 =	sshll.u32 s28, $0x1;
	[dreg:$0x2] =	wrdreg s3  }
0xa9: {  	[dreg:$0x3] =	wrdreg s5  }
0xaa: {  	[dreg:$0x4] =	wrdreg $0xC0  }
0xab: {  	_ =	task [dreg:s7], $0x5FFFF  }
0xac: {  	[dreg:$0x1] =	wrdreg $0xFFFFFFFF  }
0xad: {  	[dreg:$0x0] =	wrdreg $0x60  }
0xae: {  	[dreg:$0x2] =	wrdreg s24  }
0xaf: {  	[dreg:$0x3] =	wrdreg s2  }
0xb0: {  	[dreg:$0x4] =	wrdreg $0xF0000  }
0xb1: {  	[dreg:$0x5] =	wrdreg $0x9  }
0xb2: {  	_ =	task.clear_ibuf [dreg:s7], $0x6FFFF;
	_ =	strace $0x9000004C  }
0xb3: {  	s29 =	simm.s32 $0x9;
	_ =	strace $0x8000004E  }
0xb4: {  	_ =	swait.ge [sflag:s29], $0x1  }
0xb5: {  	[sflag:s29] =	ssyncadd.s32 $0xFFFFFFFF  }
0xb6: {  	_ =	strace $0x9000004E  }
0xb7: {  	_ =	sfence  }
0xb8: {  	s30 =	sld [smem:$0x0];
	_ =	sdelay $0x2  }
0xb9: {  	s31 =	sshll.u32 s1, $0xD;
	s1 =	sshrl.u32 s1, $0x2  }
0xba: {  	s3 =	sand.u32 $0x4000, s31;
	s1 =	sadd.s32 s1, s30  }
0xbb: {  	s0 =	sor.u32 s3, s0;
	s1 =	sshll.u32 s1, $0x11  }
0xbc: {  	s0 =	sor.u32 s1, s0  }
0xbd: {  	s0 =	sadd.s32 $0x8F2B, s0  }
0xbe: {  	[sflag:s0] =	ssyncadd.remote.s32 $0x1  }
0xbf: {  	_ =	sfence.sel $0xFFFF  }
0xc0: {  	[dreg:$0x0] =	wrdreg $0xFFFFFFFF;
	(pc) =	sbr.abs _section_cstart, $3  }
0xc1: {  	[dreg:$0x1] =	wrdreg $0xFFFFFFFF  }
0xc2: {  	_ =	task.clear_ibuf [dreg:s7], $0x2FFFF;
	_ =	strace $0x9FFFFFFF  }
0xc3: {  	(tm) =	ssettm $0x7FFFFFFF  }
tec
execute0_lowered:
.L_overlay_start_1:
0x0: {  	(tag) =	ssettag $0x1  }
0x1: {  	s0 =	rddreg [dreg:$0x0];
	s1 =	srdreg.scid  }
0x2: {  	s12 =	stileid.u32;
	s2 =	rddreg [dreg:$0x1]  }
0x3: {  	s3 =	rddreg [dreg:$0x2];
	s28 =	simm.s32 $0x80;
	s29 =	simm.s32 $0x5000  }
0x4: {  	s31 =	simm.s32 $0xA000;
	s30 =	simm.s32 $0xDC00;
	s8 =	smul.u32 $0x280, s12  }
0x5: {  	s1 =	sand.u32 $0x1, s1;
	s4 =	sshll.u32 s12, $0x1;
	s11 =	smul.u32 $0x6400, s12  }
0x6: {  	s10 =	sshll.u32 s12, $0x6;
	s12 =	smul.u32 $0x19000, s12;
	s5 =	sor.u32 s1, s4  }
0x7: {  	s4 =	simm.s32 $0x0;
	s17 =	ssub.s32 $0x2, s1;
	s1 =	smul.u32 $0x64000, s1  }
0x8: {  	s5 =	smul.u32 $0x2800, s5;
	[smem:$0x7FF] =	sst s4;
	s9 =	sshrl.u32 s17, $0x1  }
0x9: {  	s8 =	sadd.s32 $0x80, s8;
	s23 =	sshrl.u32 s12, $0x2;
	s25 =	sadd.s32 $0xA000, s12  }
0xa: {  	s13 =	sadd.s32 $0xF000, s12;
	s12 =	sadd.s32 $0x14000, s12;
	s15 =	sadd.s32 s11, s3  }
0xb: {  	s26 =	sadd.s32 $0x2800, s11;
	_ =	strace $0x8000004D;
	s21 =	smul.u32 $0xA0, s8  }
0xc: {  	s9 =	ssub.s32 s17, s9;
	s19 =	sadd.s32 s1, s11;
	s8 =	smul.u32 $0x28, s8  }
0xd: {  	s13 =	sshrl.u32 s13, $0x2;
	s12 =	sshrl.u32 s12, $0x2;
	s16 =	sadd.s32 s1, s26  }
0xe: {  	s17 =	sadd.s32 $0x3C00, s11;
	s11 =	sadd.s32 $0x5000, s11;
	s6 =	sshrl.u32 s5, $0x3  }
0xf: {  	s5 =	sadd.s32 $0x2400, s0;
	s20 =	sshrl.u32 s19, $0x3;
	s22 =	smax.u32 s9, $0x1  }
0x10: {  	s13 =	sadd.s32 s13, s3;
	s12 =	sadd.s32 s12, s3;
	s16 =	sshrl.u32 s16, $0x3  }
0x11: {  	s19 =	sadd.s32 s11, s3;
	s7 =	sadd.s32 s6, s0;
	s0 =	sadd.s32 $0x2A400, s0  }
0x12: {  	s6 =	sor.u32 $0x1C09, s10;
	[dreg:$0x7] =	wrdreg s22;
	s24 =	sshrl.u32 s21, $0x2  }
0x13: {  	s10 =	sshrl.u32 s25, $0x2;
	s14 =	sadd.s32 s1, s8;
	s8 =	sadd.s32 s8, s3  }
0x14: {  	s25 =	sshrl.u32 s15, $0x3;
	s18 =	sadd.s32 $0x16400, s7;
	s7 =	sadd.s32 $0x20400, s7  }
0x15: {  	s9 =	sadd.s32 s24, s3;
	s10 =	sadd.s32 s10, s3;
	[dreg:$0x11] =	wrdreg s25  }
0x16: {  	s14 =	sshrl.u32 s14, $0x3;
	s16 =	sadd.s32 s0, s16;
	[dreg:$0x4] =	wrdreg s18  }
0x17: {  	s24 =	sshrl.u32 s12, $0x3;
	s25 =	sshrl.u32 s19, $0x3;
	[dreg:$0x5] =	wrdreg s7  }
0x18: {  	s7 =	sadd.s32 s0, s20;
	s14 =	sadd.s32 s0, s14;
	s18 =	sadd.s32 s1, s17  }
0x19: {  	[dreg:$0x9] =	wrdreg s16;
	s1 =	sadd.s32 s1, s11;
	s17 =	sadd.s32 s17, s3  }
0x1a: {  	s21 =	sshrl.u32 s9, $0x3;
	s22 =	sshrl.u32 s10, $0x3;
	[dreg:$0x10] =	wrdreg s24  }
0x1b: {  	s9 =	simm.s32 $0x7;
	s10 =	simm.s32 $0x8;
	[dreg:$0x6] =	wrdreg s7  }
0x1c: {  	s11 =	simm.s32 $0x0;
	s7 =	sadd.s32 s23, s3;
	[dreg:$0x8] =	wrdreg s14  }
0x1d: {  	s18 =	sshrl.u32 s18, $0x3;
	s14 =	sadd.s32 s26, s3;
	[dreg:$0xd] =	wrdreg s21  }
0x1e: {  	s1 =	sshrl.u32 s1, $0x3;
	[dreg:$0xe] =	wrdreg s22;
	s23 =	sshrl.u32 s13, $0x3  }
0x1f: {  	s26 =	sshrl.u32 s8, $0x3;
	s24 =	sshrl.u32 s17, $0x3;
	s8 =	simm.s32 $0x5  }
.Ltmp0:
0x20: {  	s16 =	sadd.s32 s0, s18;
	[dreg:$0xf] =	wrdreg s23;
	(pc) =	sbr.rel .LBB2_1-.Ltmp0, $4  }
0x21: {  	s0 =	sadd.s32 s0, s1;
	s20 =	sshrl.u32 s7, $0x3;
	[dreg:$0x12] =	wrdreg s26  }
0x22: {  	s23 =	sshrl.u32 s14, $0x3;
	s1 =	simm.s32 $0x7800;
	[dreg:$0xa] =	wrdreg s16  }
0x23: {  	s26 =	simm.s32 $0x1;
	s7 =	simm.s32 $0x3;
	[dreg:$0xb] =	wrdreg s0  }
0x24: {  	[dreg:$0xc] =	wrdreg s20;
	s16 =	simm.s32 $0x9;
	s0 =	simm.s32 $0xC800  }
.LBB2_4:
0x25: {  	_ =	swait.ge [sflag:s10], $0x1400  }
0x26: {  	[sflag:s10] =	ssyncset.done $0x0  }
0x27: {  	[sflag:s10] =	ssyncadd.s32 $0xFFFFEC00  }
0x28: {  	[spmem:s3] =	stream.indirect.scatter.add.f32 [tilespmem:s30], [sflag:$0x9], $0x28, s14, s28, $0xb8;
	[tilespmem:$0x15400] =	vst v63  }
0x29: {  	_ =	swait.ge [sflag:s16], $0x1400  }
0x2a: {  	[sflag:s16] =	ssyncset.done $0x0  }
0x2b: {  	[sflag:s16] =	ssyncadd.s32 $0xFFFFEC00  }
0x2c: {  	[bflag:$0x0] =	sbarrier.arrive $0xFFFF  }
0x2d: {  	s12 =	rddreg [dreg:$0x6]  }
0x2e: {  	s13 =	rddreg [dreg:$0x11]  }
0x2f: {  	[hbm:s12], [sflag:s6] =	dma.local [spmem:s13], $0x280  }
0x30: {  	_ =	swait.ge [sflag:s16], $0x280  }
0x31: {  	[sflag:s16] =	ssyncset.done $0x0;
	s17 =	rddreg [dreg:$0x8]  }
0x32: {  	s18 =	rddreg [dreg:$0x12];
	[sflag:s16] =	ssyncadd.s32 $0xFFFFFD80  }
0x33: {  	[hbm:s17], [sflag:s6] =	dma.local [spmem:s18], $0x280  }
0x34: {  	_ =	swait.ge [sflag:s16], $0x280  }
0x35: {  	[sflag:s16] =	ssyncset.done $0x0  }
0x36: {  	s19 =	rddreg [dreg:$0x9];
	[sflag:s16] =	ssyncadd.s32 $0xFFFFFD80  }
0x37: {  	[hbm:s19], [sflag:s6] =	dma.local [spmem:s23], $0x280  }
0x38: {  	_ =	swait.ge [sflag:s16], $0x280  }
0x39: {  	[sflag:s16] =	ssyncset.done $0x0  }
0x3a: {  	s20 =	rddreg [dreg:$0xa];
	[sflag:s16] =	ssyncadd.s32 $0xFFFFFD80  }
0x3b: {  	[hbm:s20], [sflag:s6] =	dma.local [spmem:s24], $0x280  }
0x3c: {  	_ =	swait.ge [sflag:s16], $0x280  }
0x3d: {  	[sflag:s16] =	ssyncset.done $0x0  }
0x3e: {  	s21 =	rddreg [dreg:$0xb];
	[sflag:s16] =	ssyncadd.s32 $0xFFFFFD80  }
0x3f: {  	[hbm:s21], [sflag:s6] =	dma.local [spmem:s25], $0x280  }
0x40: {  	_ =	swait.ge [sflag:s16], $0x280  }
0x41: {  	s11 =	sadd.s32 $0x1, s11;
	s22 =	rddreg [dreg:$0x7]  }
0x42: {  	p0 =	sne.s32 s11, s22  }
.Ltmp1:
0x43: {  	_ = 	snop;
	(pc) =	sbr.rel @!p0 .LBB2_5-.Ltmp1, $3  }
0x44: {  	_ =	sdelay $0x1  }
0x45: {  	[sflag:s16] =	ssyncset.done $0x0  }
0x46: {  	[sflag:s16] =	ssyncadd.s32 $0xFFFFFD80  }
.LBB2_1:
0x47: {  	s12 =	rddreg [dreg:$0xc]  }
0x48: {  	[spmem:s12], [sflag:s6] =	dma.local [hbm:s2], $0x280  }
0x49: {  	_ =	swait.ge [sflag:s16], $0x280  }
0x4a: {  	[sflag:s16] =	ssyncset.done $0x0  }
0x4b: {  	s17 =	rddreg [dreg:$0xd];
	[sflag:s16] =	ssyncadd.s32 $0xFFFFFD80  }
0x4c: {  	[spmem:s17], [sflag:s6] =	dma.local [hbm:s2], $0x280  }
0x4d: {  	_ =	swait.ge [sflag:s16], $0x280  }
0x4e: {  	[sflag:s16] =	ssyncset.done $0x0  }
0x4f: {  	s18 =	rddreg [dreg:$0xe];
	[sflag:s16] =	ssyncadd.s32 $0xFFFFFD80  }
0x50: {  	[spmem:s18], [sflag:s6] =	dma.local [hbm:s2], $0x280  }
0x51: {  	_ =	swait.ge [sflag:s16], $0x280  }
0x52: {  	[sflag:s16] =	ssyncset.done $0x0  }
0x53: {  	s19 =	rddreg [dreg:$0xf];
	[sflag:s16] =	ssyncadd.s32 $0xFFFFFD80  }
0x54: {  	[spmem:s19], [sflag:s6] =	dma.local [hbm:s2], $0x280  }
0x55: {  	_ =	swait.ge [sflag:s16], $0x280  }
0x56: {  	[sflag:s16] =	ssyncset.done $0x0  }
0x57: {  	s20 =	rddreg [dreg:$0x10];
	[sflag:s16] =	ssyncadd.s32 $0xFFFFFD80  }
0x58: {  	[spmem:s20], [sflag:s6] =	dma.local [hbm:s2], $0x280  }
0x59: {  	_ =	swait.ge [sflag:s16], $0x280  }
0x5a: {  	[sflag:s16] =	ssyncset.done $0x0  }
0x5b: {  	s21 =	rddreg [dreg:$0x4];
	[sflag:s16] =	ssyncadd.s32 $0xFFFFFD80  }
0x5c: {  	[tilespmem:s4], [sflag:$0x9] =	stream.linear.gather [hbm4b:s21+s4], $0x2800, $0x38;
	[tilespmem:$0x15400] =	vst v63  }
0x5d: {  	_ =	swait.ge [sflag:s16], $0x2800  }
0x5e: {  	[sflag:s16] =	ssyncset.done $0x0  }
0x5f: {  	s13 =	simm.s32 $0x2800;
	s22 =	rddreg [dreg:$0x5];
	[sflag:s16] =	ssyncadd.s32 $0xFFFFD800  }
0x60: {  	[tilespmem:s13], [sflag:$0x9] =	stream.linear.gather [hbm4b:s22+s4], $0x2800, $0x38;
	[tilespmem:$0x15400] =	vst v63  }
0x61: {  	_ =	swait.ge [sflag:s16], $0x2800  }
0x62: {  	[sflag:s16] =	ssyncset.done $0x0  }
0x63: {  	[sflag:s16] =	ssyncadd.s32 $0xFFFFD800  }
0x64: {  	[bflag:$0x0] =	sbarrier.arrive $0xFFFF  }
0x65: {  	[tilespmem:s29], [sflag:$0x1] =	stream.indirect.gather [hbm4b:s5+s28], $0x28, s4, s28, $0xb8;
	[tilespmem:$0x15400] =	vst v63  }
0x66: {  	s13 =	simm.s32 $0x6400  }
0x67: {  	[tilespmem:s13], [sflag:$0x2] =	stream.indirect.gather [hbm4b:s5+s28], $0x28, s28, s28, $0xb8;
	[tilespmem:$0x15400] =	vst v63  }
0x68: {  	s14 =	simm.s32 $0x100  }
0x69: {  	[tilespmem:s1], [sflag:$0x3] =	stream.indirect.gather [hbm4b:s5+s28], $0x28, s14, s28, $0xb8;
	[tilespmem:$0x15400] =	vst v63  }
0x6a: {  	s15 =	simm.s32 $0x180;
	s17 =	simm.s32 $0x8C00  }
0x6b: {  	[tilespmem:s17], [sflag:$0x4] =	stream.indirect.gather [hbm4b:s5+s28], $0x28, s15, s28, $0xb8;
	[tilespmem:$0x15400] =	vst v63  }
0x6c: {  	s18 =	simm.s32 $0x200  }
0x6d: {  	[tilespmem:s31], [sflag:$0x5] =	stream.indirect.gather [hbm4b:s5+s28], $0x28, s18, s28, $0xb8;
	[tilespmem:$0x15400] =	vst v63  }
0x6e: {  	s19 =	simm.s32 $0x280;
	s20 =	simm.s32 $0xB400  }
0x6f: {  	[tilespmem:s20], [sflag:$0x6] =	stream.indirect.gather [hbm4b:s5+s28], $0x28, s19, s28, $0xb8;
	[tilespmem:$0x15400] =	vst v63  }
0x70: {  	s21 =	simm.s32 $0x300  }
0x71: {  	[tilespmem:s0], [sflag:$0x7] =	stream.indirect.gather [hbm4b:s5+s28], $0x28, s21, s28, $0xb8;
	[tilespmem:$0x15400] =	vst v63  }
0x72: {  	s12 =	simm.s32 $0x0;
	s22 =	simm.s32 $0x380  }
0x73: {  	[tilespmem:s30], [sflag:$0x8] =	stream.indirect.gather [hbm4b:s5+s28], $0x28, s22, s28, $0xb8;
	[tilespmem:$0x15400] =	vst v63  }
.LBB2_2:
0x74: {  	_ =	swait.ge [sflag:s26], $0x1400  }
0x75: {  	s13 =	sshra.s32 s12, $0x2;
	[sflag:s26] =	ssyncset.done $0x0  }
0x76: {  	s14 =	sadd.s32 $0x2800, s13;
	[sflag:s26] =	ssyncadd.s32 $0xFFFFEC00  }
0x77: {  	[spmem:s3] =	stream.indirect.scatter.add.f32 [tilespmem:s29], [sflag:$0x9], $0x28, s14, s28, $0xb8;
	[tilespmem:$0x15400] =	vst v63  }
0x78: {  	_ =	swait.ge [sflag:s16], $0x1400  }
0x79: {  	p0 =	seq.s32 s12, $0x9000;
	[sflag:s16] =	ssyncset.done $0x0  }
0x7a: {  	s14 =	simm.s32 @p0 $0x2;
	[sflag:s16] =	ssyncadd.s32 $0xFFFFEC00  }
0x7b: {  	s17 =	sshra.s32 @p0 s12, $0x2;
	_ =	swait.ge @p0 [sflag:s14], $0x1400  }
0x7c: {  	s18 =	simm.s32 @p0 $0x80;
	s15 =	simm.s32 @p0 $0x6400;
	[sflag:s14] =	ssyncset.done @p0 $0x0  }
0x7d: {  	s19 =	simm.s32 @p0 $0x9;
	[sflag:s14] =	ssyncadd.s32 @p0 $0xFFFFEC00;
	s14 =	sadd.s32 @p0 $0x2880, s17  }
0x7e: {  	[spmem:s3] =	stream.indirect.scatter.add.f32 @p0 [tilespmem:s15], [sflag:$0x9], $0x28, s14, s18, $0xb8;
	[tilespmem:$0x15400] =	vst v63  }
0x7f: {  	_ =	swait.ge @p0 [sflag:s19], $0x1400  }
0x80: {  	s21 =	simm.s32 @!p0 $0x5000;
	s14 =	sshra.s32 @!p0 s12, $0x2;
	[sflag:s19] =	ssyncset.done @p0 $0x0  }
0x81: {  	s15 =	simm.s32 @!p0 $0x80;
	s20 =	sadd.s32 @!p0 $0x400, s14;
	[sflag:s19] =	ssyncadd.s32 @p0 $0xFFFFEC00  }
0x82: {  	[tilespmem:s21], [sflag:$0x1] =	stream.indirect.gather @!p0 [hbm4b:s5+s15], $0x28, s20, s15, $0xb8;
	[tilespmem:$0x15400] =	vst v63  }
0x83: {  	s20 =	simm.s32 @!p0 $0x2  }
0x84: {  	_ =	swait.ge @!p0 [sflag:s20], $0x1400  }
0x85: {  	[sflag:s20] =	ssyncset.done @!p0 $0x0  }
0x86: {  	s21 =	simm.s32 @!p0 $0x6400;
	[sflag:s20] =	ssyncadd.s32 @!p0 $0xFFFFEC00;
	s20 =	sadd.s32 @!p0 $0x2880, s14  }
0x87: {  	[spmem:s3] =	stream.indirect.scatter.add.f32 @!p0 [tilespmem:s21], [sflag:$0x9], $0x28, s20, s15, $0xb8;
	[tilespmem:$0x15400] =	vst v63  }
0x88: {  	s20 =	simm.s32 @!p0 $0x9  }
0x89: {  	_ =	swait.ge @!p0 [sflag:s20], $0x1400  }
0x8a: {  	[sflag:s20] =	ssyncset.done @!p0 $0x0  }
0x8b: {  	s22 =	sadd.s32 @!p0 $0x480, s14;
	[sflag:s20] =	ssyncadd.s32 @!p0 $0xFFFFEC00  }
0x8c: {  	[tilespmem:s21], [sflag:$0x2] =	stream.indirect.gather @!p0 [hbm4b:s5+s15], $0x28, s22, s15, $0xb8;
	[tilespmem:$0x15400] =	vst v63  }
0x8d: {  	_ =	swait.ge [sflag:s7], $0x1400  }
0x8e: {  	[sflag:s7] =	ssyncset.done $0x0  }
0x8f: {  	s22 =	sadd.s32 $0x2900, s13;
	[sflag:s7] =	ssyncadd.s32 $0xFFFFEC00  }
0x90: {  	[spmem:s3] =	stream.indirect.scatter.add.f32 [tilespmem:s1], [sflag:$0x9], $0x28, s22, s28, $0xb8;
	[tilespmem:$0x15400] =	vst v63  }
0x91: {  	_ =	swait.ge [sflag:s16], $0x1400  }
0x92: {  	[sflag:s16] =	ssyncset.done $0x0  }
0x93: {  	s21 =	simm.s32 @p0 $0x4;
	[sflag:s16] =	ssyncadd.s32 $0xFFFFEC00  }
0x94: {  	_ =	swait.ge @p0 [sflag:s21], $0x1400  }
0x95: {  	[sflag:s21] =	ssyncset.done @p0 $0x0  }
0x96: {  	s22 =	simm.s32 @p0 $0x8C00;
	[sflag:s21] =	ssyncadd.s32 @p0 $0xFFFFEC00;
	s21 =	sadd.s32 @p0 $0x2980, s17  }
0x97: {  	[spmem:s3] =	stream.indirect.scatter.add.f32 @p0 [tilespmem:s22], [sflag:$0x9], $0x28, s21, s18, $0xb8;
	[tilespmem:$0x15400] =	vst v63  }
0x98: {  	_ =	swait.ge @p0 [sflag:s19], $0x1400  }
0x99: {  	[sflag:s19] =	ssyncset.done @p0 $0x0  }
0x9a: {  	s21 =	sadd.s32 @!p0 $0x500, s14;
	s22 =	simm.s32 @!p0 $0x7800;
	[sflag:s19] =	ssyncadd.s32 @p0 $0xFFFFEC00  }
0x9b: {  	[tilespmem:s22], [sflag:$0x3] =	stream.indirect.gather @!p0 [hbm4b:s5+s15], $0x28, s21, s15, $0xb8;
	[tilespmem:$0x15400] =	vst v63  }
0x9c: {  	s21 =	simm.s32 @!p0 $0x4  }
0x9d: {  	_ =	swait.ge @!p0 [sflag:s21], $0x1400  }
0x9e: {  	[sflag:s21] =	ssyncset.done @!p0 $0x0  }
0x9f: {  	s22 =	simm.s32 @!p0 $0x8C00;
	[sflag:s21] =	ssyncadd.s32 @!p0 $0xFFFFEC00;
	s21 =	sadd.s32 @!p0 $0x2980, s14  }
0xa0: {  	[spmem:s3] =	stream.indirect.scatter.add.f32 @!p0 [tilespmem:s22], [sflag:$0x9], $0x28, s21, s15, $0xb8;
	[tilespmem:$0x15400] =	vst v63  }
0xa1: {  	_ =	swait.ge @!p0 [sflag:s20], $0x1400  }
0xa2: {  	[sflag:s20] =	ssyncset.done @!p0 $0x0  }
0xa3: {  	s21 =	sadd.s32 @!p0 $0x580, s14;
	[sflag:s20] =	ssyncadd.s32 @!p0 $0xFFFFEC00  }
0xa4: {  	[tilespmem:s22], [sflag:$0x4] =	stream.indirect.gather @!p0 [hbm4b:s5+s15], $0x28, s21, s15, $0xb8;
	[tilespmem:$0x15400] =	vst v63  }
0xa5: {  	_ =	swait.ge [sflag:s8], $0x1400  }
0xa6: {  	[sflag:s8] =	ssyncset.done $0x0  }
0xa7: {  	s22 =	sadd.s32 $0x2A00, s13;
	[sflag:s8] =	ssyncadd.s32 $0xFFFFEC00  }
0xa8: {  	[spmem:s3] =	stream.indirect.scatter.add.f32 [tilespmem:s31], [sflag:$0x9], $0x28, s22, s28, $0xb8;
	[tilespmem:$0x15400] =	vst v63  }
0xa9: {  	_ =	swait.ge [sflag:s16], $0x1400  }
0xaa: {  	[sflag:s16] =	ssyncset.done $0x0  }
0xab: {  	s21 =	simm.s32 @p0 $0x6;
	[sflag:s16] =	ssyncadd.s32 $0xFFFFEC00  }
0xac: {  	_ =	swait.ge @p0 [sflag:s21], $0x1400  }
0xad: {  	[sflag:s21] =	ssyncset.done @p0 $0x0  }
0xae: {  	s17 =	sadd.s32 @p0 $0x2A80, s17;
	[sflag:s21] =	ssyncadd.s32 @p0 $0xFFFFEC00;
	s21 =	simm.s32 @p0 $0xB400  }
0xaf: {  	[spmem:s3] =	stream.indirect.scatter.add.f32 @p0 [tilespmem:s21], [sflag:$0x9], $0x28, s17, s18, $0xb8;
	[tilespmem:$0x15400] =	vst v63  }
0xb0: {  	_ =	swait.ge @p0 [sflag:s19], $0x1400  }
0xb1: {  	[sflag:s19] =	ssyncset.done @p0 $0x0  }
0xb2: {  	s17 =	sadd.s32 @!p0 $0x600, s14;
	s18 =	simm.s32 @!p0 $0xA000;
	[sflag:s19] =	ssyncadd.s32 @p0 $0xFFFFEC00  }
0xb3: {  	[tilespmem:s18], [sflag:$0x5] =	stream.indirect.gather @!p0 [hbm4b:s5+s15], $0x28, s17, s15, $0xb8;
	[tilespmem:$0x15400] =	vst v63  }
0xb4: {  	s17 =	simm.s32 @!p0 $0x6  }
0xb5: {  	_ =	swait.ge @!p0 [sflag:s17], $0x1400  }
0xb6: {  	[sflag:s17] =	ssyncset.done @!p0 $0x0  }
0xb7: {  	s18 =	simm.s32 @!p0 $0xB400;
	[sflag:s17] =	ssyncadd.s32 @!p0 $0xFFFFEC00;
	s17 =	sadd.s32 @!p0 $0x2A80, s14  }
0xb8: {  	[spmem:s3] =	stream.indirect.scatter.add.f32 @!p0 [tilespmem:s18], [sflag:$0x9], $0x28, s17, s15, $0xb8;
	[tilespmem:$0x15400] =	vst v63  }
0xb9: {  	_ =	swait.ge @!p0 [sflag:s20], $0x1400  }
0xba: {  	[sflag:s20] =	ssyncset.done @!p0 $0x0  }
0xbb: {  	s14 =	sadd.s32 @!p0 $0x680, s14;
	[sflag:s20] =	ssyncadd.s32 @!p0 $0xFFFFEC00  }
0xbc: {  	[tilespmem:s18], [sflag:$0x6] =	stream.indirect.gather @!p0 [hbm4b:s5+s15], $0x28, s14, s15, $0xb8;
	[tilespmem:$0x15400] =	vst v63  }
0xbd: {  	_ =	swait.ge [sflag:s9], $0x1400  }
0xbe: {  	[sflag:s9] =	ssyncset.done $0x0  }
.Ltmp2:
0xbf: {  	s22 =	sadd.s32 $0x2B00, s13;
	[sflag:s9] =	ssyncadd.s32 $0xFFFFEC00;
	(pc) =	sbr.rel @p0 .LBB2_4-.Ltmp2, $4  }
0xc0: {  	[spmem:s3] =	stream.indirect.scatter.add.f32 [tilespmem:s0], [sflag:$0x9], $0x28, s22, s28, $0xb8;
	[tilespmem:$0x15400] =	vst v63  }
0xc1: {  	_ =	swait.ge [sflag:s16], $0x1400  }
0xc2: {  	[sflag:s16] =	ssyncset.done $0x0  }
0xc3: {  	s14 =	sadd.s32 $0x2B80, s13;
	[sflag:s16] =	ssyncadd.s32 $0xFFFFEC00  }
0xc4: {  	s15 =	sadd.s32 $0x700, s13  }
0xc5: {  	[tilespmem:s0], [sflag:$0x7] =	stream.indirect.gather [hbm4b:s5+s28], $0x28, s15, s28, $0xb8;
	[tilespmem:$0x15400] =	vst v63  }
0xc6: {  	_ =	swait.ge [sflag:s10], $0x1400  }
0xc7: {  	[sflag:s10] =	ssyncset.done $0x0  }
0xc8: {  	[sflag:s10] =	ssyncadd.s32 $0xFFFFEC00  }
0xc9: {  	[spmem:s3] =	stream.indirect.scatter.add.f32 [tilespmem:s30], [sflag:$0x9], $0x28, s14, s28, $0xb8;
	[tilespmem:$0x15400] =	vst v63  }
.Ltmp3:
0xca: {  	_ = 	snop;
	(pc) =	sbr.rel .LBB2_2-.Ltmp3, $4  }
0xcb: {  	_ =	swait.ge [sflag:s16], $0x1400  }
0xcc: {  	[sflag:s16] =	ssyncset.done $0x0  }
0xcd: {  	s22 =	sadd.s32 $0x780, s13;
	s12 =	sadd.s32 $0x1000, s12;
	[sflag:s16] =	ssyncadd.s32 $0xFFFFEC00  }
0xce: {  	[tilespmem:s30], [sflag:$0x8] =	stream.indirect.gather [hbm4b:s5+s28], $0x28, s22, s28, $0xb8;
	[tilespmem:$0x15400] =	vst v63  }
.LBB2_5:
0xcf: {  	_ =	sfence.sel $0x180000  }
0xd0: {  	[bflag:$0x0] =	sbarrier.arrive $0xFFFF  }
0xd1: {  	_ =	strace $0x9000004D  }
0xd2: {  	s0 =	stileid.u32;
	[bflag:$0x2] =	sbarrier.arrive $0xFFFF  }
0xd3: {  	p0 =	sne.s32 s0, $0x0;
	s0 =	rddreg [dreg:$0x3]  }
0xd4: {  	s0 =	sadd.s32 @!p0 $0x100000, s0  }
0xd5: {  	[sflag:s0] =	ssyncadd.tile.s32 @!p0 $0x1;
	_ =	shalt  }
.Lfunc_end2:
_tile_overlayer_lowered:
.L_overlay_start_2:
0xd6: {  	(tag) =	ssettag $0x2  }
0xd7: {  	s0 =	rddreg [dreg:$0x0];
	s2 =	stileid.u32  }
0xd8: {  	s1 =	rddreg [dreg:$0x1];
	p0 =	sne.s32 s2, $0x0  }
0xd9: {  	s3 =	rddreg [dreg:$0x2];
	[bflag:$0x3] =	sbarrier.arrive $0xFFFF;
	s2 =	simm.s32 @!p0 $0x1C09  }
0xda: {  	[timem:s3], [sflag:s2] =	dma.local @!p0 [hbm:s0], s1  }
0xdb: {  	s0 =	simm.s32 @!p0 $0x9  }
0xdc: {  	_ =	swait.ge @!p0 [sflag:s0], s1  }
0xdd: {  	s1 =	ssub.s32 @!p0 $0x0, s1;
	[sflag:s0] =	ssyncset.done @!p0 $0x0  }
0xde: {  	[sflag:s0] =	ssyncadd.s32 @!p0 s1  }
0xdf: {  	[bflag:$0x3] =	sbarrier.arrive $0xFFFF  }
0xe0: {  	_ =	shalt  }

// kernel: kernel.8.cloned.1.call-start
scs
__scs_entry_jumppad:
0x0: {  	(pc) =	sbr.rel $0x88, $3  }
0x1: {  	(tag) =	ssettag $0x0;
	lr =	simm.s32 $0x1  }
0x2: {  	[smem:$0x3F9B] =	sst lr;
	_ =	strace $0xD0000000  }
0x3: {  	_ = 	snop  }
0x4: {  	_ = 	snop  }
0x5: {  	_ = 	snop  }
0x6: {  	_ = 	snop  }
0x7: {  	_ = 	snop  }
__scs_overlays_trampoline_lowered:
0x8: {  	[smem:$0x3FAA] =	sst s0  }
0x9: {  	[smem:$0x3FAB] =	sst s1  }
0xa: {  	[smem:$0x3FAC] =	sst s2  }
0xb: {  	[smem:$0x3FAD] =	sst s3  }
0xc: {  	[smem:$0x3FAE] =	sst s4  }
0xd: {  	[smem:$0x3FAF] =	sst s5  }
0xe: {  	[smem:$0x3FB0] =	sst s6  }
0xf: {  	[smem:$0x3FB1] =	sst s7  }
0x10: {  	[smem:$0x3FB2] =	sst s8  }
0x11: {  	[smem:$0x3FB3] =	sst s9;
	s0 =	simm.s32 @!p0 $0x0  }
0x12: {  	s1 =	sld [smem:$0x3F99];
	s0 =	simm.s32 @p0 $0x1  }
0x13: {  	[smem:$0x3FB4] =	sst s0;
	s0 =	simm.s32 @!p1 $0x0  }
0x14: {  	s2 =	sld [smem:$0x3F98];
	s0 =	simm.s32 @p1 $0x1  }
0x15: {  	[smem:$0x3FB5] =	sst s0;
	s0 =	simm.s32 @!p2 $0x0  }
0x16: {  	s3 =	sld [smem:$0x3FDB];
	s0 =	simm.s32 @p2 $0x1  }
0x17: {  	s4 =	simm.s32 $0x1BF5;
	[smem:$0x3FB7] =	sst s0  }
0x18: {  	s0 =	sld [smem:$0x3F9A];
	_ =	swait.ge [sflag:s4], $0x0  }
0x19: {  	s7 =	sld [smem:$0x3F9B]  }
0x1a: {  	s8 =	sadd.s32 $0xFFFFE003, lr  }
0x1b: {  	s9 =	sadd.s32 $0xFFFFFEF7, lr;
	s5 =	simm.s32 $0xFFFFFFFF;
	p2 =	slt.u32 s8, $0xFFFFF086  }
0x1c: {  	p1 =	slt.u32 s9, $0xF7A;
	s5 =	simm.s32 @!p2 $0x0  }
0x1d: {  	s5 =	simm.s32 @p1 $0x1;
	p0 =	seq.s32 s7, s2  }
0x1e: {  	s7 =	smul.u32 @!p0 $0xF7A, s2;
	p2 =	seq.s32 @!p0 s5, $0x0  }
0x1f: {  	s9 =	smul.u32 $0xF7A, s1;
	s8 =	simm.s32 @!p0 $0x1BF5;
	p2 =	por !p2, p0  }
0x20: {  	[sflag:s8] =	ssyncset.s32 @!p0 $0xFFFFF086;
	s6 =	sadd.s32 @!p0 s3, s7;
	s7 =	simm.s32 @!p0 $0x108  }
0x21: {  	s3 =	sadd.s32 s3, s9;
	s6 =	sadd.s32 @!p0 $0x88, s6;
	s7 =	simm.s32 @p2 $0x1082  }
0x22: {  	[simem:s7], [sflag:s8] =	dma.local @!p0 [hbm:s6], $0xF7A  }
0x23: {  	s9 =	sor.u32 $0xD0000000, s2;
	s6 =	simm.s32 $0x108;
	_ =	swait.ge @!p0 [sflag:s8], $0x0  }
0x24: {  	s3 =	sadd.s32 $0x88, s3;
	s6 =	simm.s32 @!p1 $0x1082;
	[sflag:s4] =	ssyncset.s32 $0xFFFFF086  }
0x25: {  	[simem:s6], [sflag:s4] =	dma.local [hbm:s3], $0xF7A  }
0x26: {  	[smem:$0x3F9B] =	sst s1;
	(tag) =	ssettag s2;
	_ =	strace s9  }
0x27: {  	s1 =	sld [smem:$0x3FAB]  }
0x28: {  	s2 =	sld [smem:$0x3FAC]  }
0x29: {  	s4 =	sld [smem:$0x3FAE]  }
0x2a: {  	p0 =	seq.s32 s5, $0x0;
	s5 =	sld [smem:$0x3FAF]  }
0x2b: {  	s6 =	sld [smem:$0x3FB0]  }
0x2c: {  	s7 =	sld [smem:$0x3FB1]  }
0x2d: {  	s3 =	simm.s32 $0x108;
	s8 =	sld [smem:$0x3FB2]  }
0x2e: {  	s3 =	simm.s32 @!p0 $0x1082;
	s9 =	sld [smem:$0x3FB3]  }
0x2f: {  	lr =	sadd.s32 s0, s3;
	s0 =	sld [smem:$0x3FAA]  }
0x30: {  	s3 =	sld [smem:$0x3FAD]  }
0x31: {  	[smem:$0x3FB6] =	sst s10  }
0x32: {  	s10 =	sld [smem:$0x3FB4];
	_ =	sdelay $0x3  }
0x33: {  	p0 =	seq.s32 s10, $0x1;
	s10 =	sld [smem:$0x3FB6];
	_ =	sdelay $0x3  }
0x34: {  	[smem:$0x3FB6] =	sst s10  }
0x35: {  	s10 =	sld [smem:$0x3FB5];
	_ =	sdelay $0x3  }
0x36: {  	p1 =	seq.s32 s10, $0x1;
	s10 =	sld [smem:$0x3FB6];
	_ =	sdelay $0x3  }
0x37: {  	[smem:$0x3FB6] =	sst s10  }
0x38: {  	s10 =	sld [smem:$0x3FB7]  }
0x39: {  	_ = 	snop;
	(pc) =	sbr.ind lr, $3  }
0x3a: {  	_ = 	snop  }
0x3b: {  	_ = 	snop  }
0x3c: {  	p2 =	seq.s32 s10, $0x1;
	s10 =	sld [smem:$0x3FB6]  }
0x3d: {  	_ =	shalt  }
0x3e: {  	_ =	shalt  }
0x3f: {  	_ =	shalt  }
0x40: {  	_ =	shalt  }
0x41: {  	_ =	shalt  }
0x42: {  	_ =	shalt  }
0x43: {  	_ =	shalt  }
0x44: {  	_ =	shalt  }
0x45: {  	_ =	shalt  }
0x46: {  	_ =	shalt  }
0x47: {  	_ =	shalt  }
0x48: {  	_ =	shalt  }
0x49: {  	_ =	shalt  }
0x4a: {  	_ =	shalt  }
0x4b: {  	_ =	shalt  }
0x4c: {  	_ =	shalt  }
0x4d: {  	_ =	shalt  }
0x4e: {  	_ =	shalt  }
0x4f: {  	_ =	shalt  }
0x50: {  	_ =	shalt  }
0x51: {  	_ =	shalt  }
0x52: {  	_ =	shalt  }
0x53: {  	_ =	shalt  }
0x54: {  	_ =	shalt  }
0x55: {  	_ =	shalt  }
0x56: {  	_ =	shalt  }
0x57: {  	_ =	shalt  }
0x58: {  	_ =	shalt  }
0x59: {  	_ =	shalt  }
0x5a: {  	_ =	shalt  }
0x5b: {  	_ =	shalt  }
0x5c: {  	_ =	shalt  }
0x5d: {  	_ =	shalt  }
0x5e: {  	_ =	shalt  }
0x5f: {  	_ =	shalt  }
0x60: {  	_ =	shalt  }
0x61: {  	_ =	shalt  }
0x62: {  	_ =	shalt  }
0x63: {  	_ =	shalt  }
0x64: {  	_ =	shalt  }
0x65: {  	_ =	shalt  }
0x66: {  	_ =	shalt  }
0x67: {  	_ =	shalt  }
0x68: {  	_ =	shalt  }
0x69: {  	_ =	shalt  }
0x6a: {  	_ =	shalt  }
0x6b: {  	_ =	shalt  }
0x6c: {  	_ =	shalt  }
0x6d: {  	_ =	shalt  }
0x6e: {  	_ =	shalt  }
0x6f: {  	_ =	shalt  }
0x70: {  	_ =	shalt  }
0x71: {  	_ =	shalt  }
0x72: {  	_ =	shalt  }
0x73: {  	_ =	shalt  }
0x74: {  	_ =	shalt  }
0x75: {  	_ =	shalt  }
0x76: {  	_ =	shalt  }
0x77: {  	_ =	shalt  }
0x78: {  	_ =	shalt  }
0x79: {  	_ =	shalt  }
0x7a: {  	_ =	shalt  }
0x7b: {  	_ =	shalt  }
0x7c: {  	_ =	shalt  }
0x7d: {  	_ =	shalt  }
0x7e: {  	_ =	shalt  }
0x7f: {  	_ =	shalt  }
0x80: {  	_ =	shalt  }
0x81: {  	_ =	shalt  }
0x82: {  	_ =	shalt  }
0x83: {  	_ =	shalt  }
0x84: {  	_ =	shalt  }
0x85: {  	_ =	shalt  }
0x86: {  	_ =	shalt  }
0x87: {  	_ =	shalt  }
.Lfunc_end0:
.L_simem_size_0:
called_computation_lowered:
.L_overlay_start_0:
0x88: {  	s2 =	sld [smem:$0x3FD9]  }
0x89: {  	s3 =	sld [smem:$0x3FFE];
	_ =	sdelay $0x1  }
0x8a: {  	s1 =	srdreg.scid  }
0x8b: {  	s0 =	sand.u32 $0x1, s1  }
0x8c: {  	s17 =	sshll.u32 s0, $0xA;
	s2 =	sadd.s32 s3, s2  }
0x8d: {  	s2 =	sadd.s32 s2, s17  }
0x8e: {  	[smem:$0x3FC2] =	sst s2  }
0x8f: {  	_ = 	snop  }
0x90: {  	s2 =	sld [smem:$0x3FD0];
	(tm) =	ssettm $0x1  }
0x91: {  	s18 =	sld [smem:$0x3FFB];
	_ =	sdelay $0x3  }
0x92: {  	_ =	strace s18  }
0x93: {  	s3 =	sld [smem:$0x3FFC];
	_ =	sdelay $0x3  }
0x94: {  	_ =	strace s3  }
0x95: {  	s3 =	sld [smem:$0x3FFD];
	_ =	sdelay $0x3  }
0x96: {  	_ =	strace s3  }
0x97: {  	_ =	strace $0x8FFFFFFF  }
0x98: {  	s19 =	sld [smem:$0x3FDB];
	_ =	sdelay $0x1  }
0x99: {  	s4 =	simm.s32 $_scs_section_size  }
0x9a: {  	s5 =	simm.s32 $_size__tile_overlayer_lowered;
	s6 =	simm.s32 $_tile_overlayer_lowered  }
0x9b: {  	s22 =	simm.s32 $0x1BFF;
	s21 =	sshll.u32 s6, $0x1;
	s3 =	sadd.s32 s4, s19  }
0x9c: {  	s7 =	simm.s32 $0x0;
	s20 =	sshll.u32 s5, $0x1;
	s5 =	sadd.s32 s21, s3  }
0x9d: {  	[timem:s7], [sflag:s22] =	dma.local [hbm:s5], s20  }
0x9e: {  	_ =	swait.ge [sflag:s22], s20  }
0x9f: {  	s4 =	ssub.s32 $0x0, s20;
	[sflag:s22] =	ssyncset.done $0x0  }
0xa0: {  	[sflag:s22] =	ssyncadd.s32 s4;
	_ =	sdelay $0x1  }
0xa1: {  	s23 =	simm.s32 $0x1B8B  }
0xa2: {  	_ =	swait.ge [sflag:s23], $0x1  }
0xa3: {  	[sflag:s23] =	ssyncset.done $0x0  }
0xa4: {  	s25 =	simm.s32 $0x1B8E;
	s24 =	sld [smem:$0x3FFE];
	[sflag:s23] =	ssyncadd.s32 $0xFFFFFFFF  }
0xa5: {  	s26 =	simm.s32 $execute0_lowered;
	[smem:$0x3FD2] =	sst s25  }
0xa6: {  	s5 =	sshll.u32 s26, $0x1;
	_ =	strace $0x80000046;
	[dreg:$0x1] =	wrdreg $0xFFFFFFFF  }
0xa7: {  	s28 =	simm.s32 $_size_execute0_lowered;
	s3 =	sadd.s32 s3, s5;
	[dreg:$0x0] =	wrdreg $0x0  }
0xa8: {  	s5 =	sshll.u32 s28, $0x1;
	[dreg:$0x2] =	wrdreg s3  }
0xa9: {  	[dreg:$0x3] =	wrdreg s5  }
0xaa: {  	[dreg:$0x4] =	wrdreg $0xC0  }
0xab: {  	_ =	task [dreg:s7], $0x5FFFF  }
0xac: {  	[dreg:$0x1] =	wrdreg $0xFFFFFFFF  }
0xad: {  	[dreg:$0x0] =	wrdreg $0x60  }
0xae: {  	[dreg:$0x2] =	wrdreg s24  }
0xaf: {  	[dreg:$0x3] =	wrdreg s2  }
0xb0: {  	[dreg:$0x4] =	wrdreg $0x9  }
0xb1: {  	_ =	task.clear_ibuf [dreg:s7], $0x5FFFF;
	_ =	strace $0x90000046  }
0xb2: {  	s29 =	simm.s32 $0x9;
	_ =	strace $0x80000048  }
0xb3: {  	_ =	swait.ge [sflag:s29], $0x1  }
0xb4: {  	[sflag:s29] =	ssyncadd.s32 $0xFFFFFFFF  }
0xb5: {  	_ =	strace $0x90000048  }
0xb6: {  	_ =	sfence  }
0xb7: {  	s30 =	sld [smem:$0x0];
	_ =	sdelay $0x2  }
0xb8: {  	s31 =	sshll.u32 s1, $0xD;
	s1 =	sshrl.u32 s1, $0x2  }
0xb9: {  	s3 =	sand.u32 $0x4000, s31;
	s1 =	sadd.s32 s1, s30  }
0xba: {  	s0 =	sor.u32 s3, s0;
	s1 =	sshll.u32 s1, $0x11  }
0xbb: {  	s0 =	sor.u32 s1, s0  }
0xbc: {  	s0 =	sadd.s32 $0x8F2B, s0  }
0xbd: {  	[sflag:s0] =	ssyncadd.remote.s32 $0x1  }
0xbe: {  	_ =	sfence.sel $0xFFFF  }
0xbf: {  	[dreg:$0x0] =	wrdreg $0xFFFFFFFF;
	(pc) =	sbr.abs _section_cstart, $3  }
0xc0: {  	[dreg:$0x1] =	wrdreg $0xFFFFFFFF  }
0xc1: {  	_ =	task.clear_ibuf [dreg:s7], $0x2FFFF;
	_ =	strace $0x9FFFFFFF  }
0xc2: {  	(tm) =	ssettm $0x7FFFFFFF  }
0xc3: {  	_ =	shalt  }
tec
execute0_lowered:
.L_overlay_start_1:
0x0: {  	(tag) =	ssettag $0x1  }
0x1: {  	s3 =	rddreg [dreg:$0x0];
	s1 =	srdreg.scid  }
0x2: {  	s0 =	stileid.u32;
	s4 =	rddreg [dreg:$0x1]  }
0x3: {  	s2 =	simm.s32 $0x0;
	s5 =	sand.u32 $0x1, s1;
	s1 =	rddreg [dreg:$0x2]  }
0x4: {  	s6 =	sshll.u32 s0, $0x1;
	[smem:$0x7FF] =	sst s2  }
0x5: {  	s8 =	sshrl.u32 s0, $0x2;
	s6 =	sor.u32 s5, s6;
	_ =	strace $0x80000047  }
0x6: {  	s5 =	ssub.s32 $0x2, s5;
	s7 =	smul.u32 $0x2800, s6;
	s6 =	sshll.u32 s6, $0x7  }
0x7: {  	s8 =	smul.u32 $0x14000, s8;
	s9 =	sshrl.u32 s5, $0x1;
	s6 =	sand.u32 $0x380, s6  }
0x8: {  	s5 =	ssub.s32 s5, s9;
	s9 =	simm.s32 $0x400;
	s7 =	sshrl.u32 s7, $0x3  }
0x9: {  	s6 =	sor.u32 s8, s6;
	s5 =	smax.u32 s5, $0x1;
	s8 =	simm.s32 $0x80  }
0xa: {  	s3 =	sadd.s32 s3, s7;
	s6 =	sshrl.u32 s6, $0x3;
	s7 =	simm.s32 $0x2800  }
0xb: {  	v0 =	vimm.f32 $0.0e+00;
	v1 =	vimm.f32 $1.000000000e+00;
	s3 =	sadd.s32 $0xC400, s3;
	s4 =	sadd.s32 s4, s6;
	s6 =	simm.s32 $0x1  }
.LBB2_1:
0xc: {  	s10 =	simm.s32 $0x40;
	s11 =	simm.s32 $0x0  }
.LBB2_2:
0xd: {  	p0 =	sne.s32 s10, $0x9FC0;
	[tilespmem:s11+$0x2800] =	vst v0;
	s11 =	smov.u32 s10;
	s10 =	sadd.s32 $0x40, s10  }
.Ltmp0:
0xe: {  	(pc) =	sbr.rel @p0 .LBB2_2-.Ltmp0, $2  }
0xf: {  	_ =	sdelay $0x2  }
0x10: {  	s11 =	sshra.s32 s11, $0x2  }
0x11: {  	[tilespmem:s11+$0x2800] =	vst v0;
	s10 =	simm.s32 $0x0  }
0x12: {  	[tilespmem:s10], [sflag:$0x1] =	stream.linear.gather [hbm4b:s3+s10], $0x2800, $0x38;
	[tilespmem:$0x5000] =	vst v63  }
0x13: {  	_ =	swait.ge [sflag:s6], $0x2800  }
0x14: {  	[sflag:s6] =	ssyncset.done $0x0  }
0x15: {  	[sflag:s6] =	ssyncadd.s32 $0xFFFFD800  }
.LBB2_4:
0x16: {  	s11 =	sshra.s32 s10, $0x2  }
0x17: {  	v2 =	vld [tilespmem:s11+$0x0];
	_ =	sdelay $0x7  }
0x18: {  	[tilespmem:v2+s7+$0x0] =	vst.idx.add.f32.msk $0xffff, v1  }
0x19: {  	v2 =	vld [tilespmem:s11+$0x10];
	_ =	sdelay $0x7  }
0x1a: {  	[tilespmem:v2+s7+$0x0] =	vst.idx.add.f32.msk $0xffff, v1  }
0x1b: {  	v2 =	vld [tilespmem:s11+$0x20];
	_ =	sdelay $0x7  }
0x1c: {  	[tilespmem:v2+s7+$0x0] =	vst.idx.add.f32.msk $0xffff, v1  }
0x1d: {  	v2 =	vld [tilespmem:s11+$0x30];
	_ =	sdelay $0x7  }
0x1e: {  	[tilespmem:v2+s7+$0x0] =	vst.idx.add.f32.msk $0xffff, v1  }
0x1f: {  	v2 =	vld [tilespmem:s11+$0x40];
	_ =	sdelay $0x7  }
0x20: {  	[tilespmem:v2+s7+$0x0] =	vst.idx.add.f32.msk $0xffff, v1  }
0x21: {  	v2 =	vld [tilespmem:s11+$0x50];
	_ =	sdelay $0x7  }
0x22: {  	[tilespmem:v2+s7+$0x0] =	vst.idx.add.f32.msk $0xffff, v1  }
0x23: {  	v2 =	vld [tilespmem:s11+$0x60];
	_ =	sdelay $0x7  }
0x24: {  	[tilespmem:v2+s7+$0x0] =	vst.idx.add.f32.msk $0xffff, v1  }
0x25: {  	v2 =	vld [tilespmem:s11+$0x70];
	_ =	sdelay $0x2  }
0x26: {  	p0 =	sne.s32 s10, $0x9E00  }
.Ltmp1:
0x27: {  	_ = 	snop;
	(pc) =	sbr.rel @p0 .LBB2_4-.Ltmp1, $2  }
0x28: {  	_ =	sdelay $0x2  }
0x29: {  	s10 =	sadd.s32 $0x200, s10;
	[tilespmem:v2+s7+$0x0] =	vst.idx.add.f32.msk $0xffff, v1  }
0x2a: {  	s2 =	sadd.s32 $0x1, s2  }
0x2b: {  	p0 =	sne.s32 s2, s5  }
.Ltmp2:
0x2c: {  	_ = 	snop;
	(pc) =	sbr.rel @p0 .LBB2_1-.Ltmp2, $4  }
0x2d: {  	[hbm4b:s4+s8] =	stream.strided.scatter [tilespmem:s7], [sflag:$0x1], $0x2800, s9, s8, $0x38;
	[tilespmem:$0x5000] =	vst v63  }
0x2e: {  	_ =	swait.ge [sflag:s6], $0x2800  }
0x2f: {  	[sflag:s6] =	ssyncset.done $0x0  }
0x30: {  	[sflag:s6] =	ssyncadd.s32 $0xFFFFD800  }
0x31: {  	_ =	sfence.sel $0x180000  }
0x32: {  	[bflag:$0x0] =	sbarrier.arrive $0xFFFF  }
0x33: {  	p0 =	sne.s32 s0, $0x0;
	_ =	strace $0x90000047  }
0x34: {  	s0 =	sadd.s32 @!p0 $0x100000, s1;
	[bflag:$0x2] =	sbarrier.arrive $0xFFFF  }
0x35: {  	[sflag:s0] =	ssyncadd.tile.s32 @!p0 $0x1;
	_ =	shalt  }
.Lfunc_end2:
_tile_overlayer_lowered:
.L_overlay_start_2:
0x36: {  	(tag) =	ssettag $0x2  }
0x37: {  	s0 =	rddreg [dreg:$0x0];
	s2 =	stileid.u32  }
0x38: {  	s1 =	rddreg [dreg:$0x1];
	p0 =	sne.s32 s2, $0x0  }
0x39: {  	s3 =	rddreg [dreg:$0x2];
	[bflag:$0x3] =	sbarrier.arrive $0xFFFF;
	s2 =	simm.s32 @!p0 $0x1C01  }
0x3a: {  	[timem:s3], [sflag:s2] =	dma.local @!p0 [hbm:s0], s1  }
0x3b: {  	s0 =	simm.s32 @!p0 $0x1  }
0x3c: {  	_ =	swait.ge @!p0 [sflag:s0], s1  }
0x3d: {  	s1 =	ssub.s32 @!p0 $0x0, s1;
	[sflag:s0] =	ssyncset.done @!p0 $0x0  }
0x3e: {  	[sflag:s0] =	ssyncadd.s32 @!p0 s1  }
0x3f: {  	[bflag:$0x3] =	sbarrier.arrive $0xFFFF  }
0x40: {  	_ =	shalt  }

</sc_bundles>
